<compile_context>
chip_gen: v7x
topology: tpu7x:2x2x1
jax: 0.10.2.dev20260603
libtpu: 0.0.44.dev20260713+nightly
codegen_flags: <defaults>
</compile_context>

<pallas_src>
import functools

import jax
import jax.numpy as jnp
from jax import lax
from jax.experimental import pallas as pl
from jax.experimental.pallas import tpu as pltpu
from jax.experimental.pallas import tpu_sc as plsc

N = 10000
E = 320000
HID = 64
CNTW = 16

NC, NS = 2, 16
NW = NC * NS
EPW = E // NW
CHUNK = 125
NCHUNK = EPW // CHUNK
NPAD = 10240
RPS = NPAD // NS
ZCH = 64
ZREP = RPS // ZCH
NBUF = 5
DELAY = 2

_mesh = plsc.VectorSubcoreMesh(core_axis_name="c", subcore_axis_name="s")
_sc_params = pltpu.CompilerParams(use_tc_tiling_on_sc=False)



def _mm_body(x_ref, w_ref, o_ref):
    o_ref[...] = jnp.dot(x_ref[...], w_ref[...],
                         preferred_element_type=jnp.float32)


def _matmul(x, w):
    return pl.pallas_call(
        _mm_body,
        out_shape=jax.ShapeDtypeStruct((x.shape[0], w.shape[1]), jnp.float32),
    )(x, w)


def _combine1_body(s_ref, c_ref, r_ref, b_ref, h_ref):
    cnt = jnp.maximum(c_ref[0, :N, 0:1] + c_ref[1, :N, 0:1], 1.0)
    agg = (s_ref[0, :N, :] + s_ref[1, :N, :]) / cnt
    h_ref[...] = jnp.maximum(agg + b_ref[...] + r_ref[...], 0.0)


def _combine1(S, C, r1, b1):
    return pl.pallas_call(
        _combine1_body,
        out_shape=jax.ShapeDtypeStruct((N, HID), jnp.float32),
    )(S, C, r1, b1)


def _combine2_body(t_ref, c_ref, r_ref, w_ref, b_ref, o_ref):
    cnt = jnp.maximum(c_ref[0, :N, 0:1] + c_ref[1, :N, 0:1], 1.0)
    agg = (t_ref[0, :N, :] + t_ref[1, :N, :]) / cnt
    o_ref[...] = (jnp.dot(agg, w_ref[...], preferred_element_type=jnp.float32)
                  + b_ref[...] + r_ref[...])


def _combine2(T, C, r2, W2_l, b2):
    return pl.pallas_call(
        _combine2_body,
        out_shape=jax.ShapeDtypeStruct((N, W2_l.shape[1]), jnp.float32),
    )(T, C, r2, W2_l, b2)



def _seg_body(with_counts, *refs):
    if with_counts:
        (p_hbm, src_hbm, dst_hbm, s_out, c_out, acc_sh, cacc_sh,
         src_v, dst_v, *rest) = refs
        bufs = rest[:NBUF]
        zb_v, ones_v, zc_v = rest[NBUF:NBUF + 3]
        gsems = rest[NBUF + 3:2 * NBUF + 3]
        ssems = rest[2 * NBUF + 3:]
    else:
        (p_hbm, src_hbm, dst_hbm, s_out, acc_sh,
         src_v, dst_v, *rest) = refs
        bufs = rest[:NBUF]
        zb_v = rest[NBUF]
        gsems = rest[NBUF + 1:2 * NBUF + 1]
        ssems = rest[2 * NBUF + 1:]

    c = lax.axis_index("c")
    s = lax.axis_index("s")
    wid = s * NC + c
    base = s * RPS

    dst_cp = pltpu.async_copy(dst_hbm.at[wid], dst_v, ssems[0])
    pltpu.sync_copy(src_hbm.at[wid], src_v)
    for k in range(NBUF):
        pltpu.async_copy(p_hbm.at[src_v.at[k]], bufs[k], gsems[k])

    zeros16 = jnp.zeros((16,), jnp.float32)
    ones16 = jnp.ones((16,), jnp.float32)

    @pl.loop(0, ZCH)
    def _(r):
        @pl.loop(0, HID, step=16)
        def _(cc):
            zb_v[r, pl.ds(cc, 16)] = zeros16
        if with_counts:
            zc_v[r, pl.ds(0, 16)] = zeros16

    if with_counts:
        @pl.loop(0, CHUNK)
        def _(r):
            ones_v[r, pl.ds(0, 16)] = ones16

    @pl.loop(0, ZREP)
    def _(k):
        pltpu.async_copy(zb_v, acc_sh.at[pl.ds(base + k * ZCH, ZCH)],
                         ssems[1])
        if with_counts:
            pltpu.async_copy(zc_v, cacc_sh.at[pl.ds(base + k * ZCH, ZCH)],
                             ssems[2])

    @pl.loop(0, ZREP)
    def _(k):
        pltpu.make_async_copy(zb_v, acc_sh.at[pl.ds(base + k * ZCH, ZCH)],
                              ssems[1]).wait()
        if with_counts:
            pltpu.make_async_copy(zc_v, cacc_sh.at[pl.ds(base + k * ZCH, ZCH)],
                                  ssems[2]).wait()
    dst_cp.wait()

    plsc.subcore_barrier()

    def wait_gather(j, b):
        pltpu.make_async_copy(p_hbm.at[src_v.at[j]], bufs[b], gsems[b]).wait()

    def issue_scatter(j, b):
        pltpu.async_copy(bufs[b], acc_sh.at[dst_v.at[j]], ssems[b], add=True)
        if with_counts:
            pltpu.async_copy(ones_v, cacc_sh.at[dst_v.at[j]], ssems[b],
                             add=True)

    def wait_scatter(j, b):
        pltpu.make_async_copy(bufs[b], acc_sh.at[dst_v.at[j]], ssems[b]).wait()
        if with_counts:
            pltpu.make_async_copy(ones_v, cacc_sh.at[dst_v.at[j]],
                                  ssems[b]).wait()

    @pl.loop(0, NCHUNK - NBUF, step=NBUF)
    def _(j):
        for k in range(NBUF):
            jj = j + k
            wait_gather(jj, k)
            issue_scatter(jj, k)
            pltpu.make_async_copy(bufs[k], acc_sh.at[dst_v.at[jj]],
                                  ssems[k]).wait()
            pltpu.async_copy(p_hbm.at[src_v.at[jj + NBUF]],
                             bufs[k], gsems[k])
            if with_counts:
                pltpu.make_async_copy(ones_v, cacc_sh.at[dst_v.at[jj]],
                                      ssems[k]).wait()

    for k in range(NBUF):
        jj = NCHUNK - NBUF + k
        wait_gather(jj, k)
        issue_scatter(jj, k)
        wait_scatter(jj, k)

    plsc.subcore_barrier()

    out_cp = pltpu.make_async_copy(acc_sh.at[pl.ds(base, RPS)],
                                   s_out.at[c, pl.ds(base, RPS)], ssems[0])
    out_cp.start()
    if with_counts:
        pltpu.sync_copy(cacc_sh.at[pl.ds(base, RPS)],
                        c_out.at[c, pl.ds(base, RPS)])
    out_cp.wait()


def _seg_sum_counts(p, src, dst):
    out_type = (jax.ShapeDtypeStruct((NC, NPAD, HID), jnp.float32),
                jax.ShapeDtypeStruct((NC, NPAD, CNTW), jnp.float32))
    scratch = (
        [pltpu.VMEM_SHARED((NPAD, HID), jnp.float32),
         pltpu.VMEM_SHARED((NPAD, CNTW), jnp.float32),
         pltpu.VMEM((NCHUNK, CHUNK), jnp.int32),
         pltpu.VMEM((NCHUNK, CHUNK), jnp.int32)]
        + [pltpu.VMEM((CHUNK, HID), jnp.float32) for _ in range(NBUF)]
        + [pltpu.VMEM((ZCH, HID), jnp.float32),
           pltpu.VMEM((CHUNK, CNTW), jnp.float32),
           pltpu.VMEM((ZCH, CNTW), jnp.float32)]
        + [pltpu.SemaphoreType.DMA for _ in range(2 * NBUF)]
    )
    fn = pl.kernel(functools.partial(_seg_body, True), out_type=out_type,
                   mesh=_mesh, scratch_types=scratch,
                   compiler_params=_sc_params)
    return fn(p, src, dst)


def _seg_sum(p, src, dst):
    out_type = jax.ShapeDtypeStruct((NC, NPAD, HID), jnp.float32)
    scratch = (
        [pltpu.VMEM_SHARED((NPAD, HID), jnp.float32),
         pltpu.VMEM((NCHUNK, CHUNK), jnp.int32),
         pltpu.VMEM((NCHUNK, CHUNK), jnp.int32)]
        + [pltpu.VMEM((CHUNK, HID), jnp.float32) for _ in range(NBUF)]
        + [pltpu.VMEM((ZCH, HID), jnp.float32)]
        + [pltpu.SemaphoreType.DMA for _ in range(2 * NBUF)]
    )
    fn = pl.kernel(functools.partial(_seg_body, False), out_type=out_type,
                   mesh=_mesh, scratch_types=scratch,
                   compiler_params=_sc_params)
    return fn(p, src, dst)



@jax.jit
def kernel(x, edge_index, W1_l, b1, W1_r, W2_l, b2, W2_r):
    src = edge_index[0].astype(jnp.int32).reshape(NW, NCHUNK, CHUNK)
    dst = edge_index[1].astype(jnp.int32).reshape(NW, NCHUNK, CHUNK)
    b1r = b1.reshape(1, -1)
    b2r = b2.reshape(1, -1)

    p = _matmul(x, W1_l)
    r1 = _matmul(x, W1_r)
    S, C = _seg_sum_counts(p, src, dst)
    h = _combine1(S, C, r1, b1r)
    r2 = _matmul(h, W2_r)
    T = _seg_sum(h, src, dst)
    return _combine2(T, C, r2, W2_l, b2r)

# --- scband reference (transcript-rebuilt; emitter-appended) ---
"""Pipeline reference for scband-sage-net-34093450396002 (READ-ONLY COPY).

The authoritative reference and input builder live on the scoring server;
editing this copy changes nothing except your own understanding.
"""

import jax, jax.numpy as jnp
import numpy as np

N_NODES = 10000
N_EDGES = 320000
IN_CH = 128
HIDDEN = 64
OUT_CH = 128


def setup_inputs(seed: int = 0) -> dict:
    key = jax.random.key(seed)
    ks = jax.random.split(key, 8)
    x = jax.random.normal(ks[0], (N_NODES, IN_CH), dtype=jnp.float32)
    edge_index = jax.random.randint(ks[1], (2, N_EDGES), 0, N_NODES, dtype=jnp.int64)
    # SAGEConv layer 1: in_channels -> hidden (lin_l with bias on aggregated, lin_r no bias on root)
    s1 = 1.0 / np.sqrt(IN_CH)
    W1_l = jax.random.uniform(ks[2], (IN_CH, HIDDEN), minval=-s1, maxval=s1, dtype=jnp.float32)
    b1 = jnp.zeros((HIDDEN,), dtype=jnp.float32)
    W1_r = jax.random.uniform(ks[3], (IN_CH, HIDDEN), minval=-s1, maxval=s1, dtype=jnp.float32)
    # SAGEConv layer 2: hidden -> out_channels
    s2 = 1.0 / np.sqrt(HIDDEN)
    W2_l = jax.random.uniform(ks[4], (HIDDEN, OUT_CH), minval=-s2, maxval=s2, dtype=jnp.float32)
    b2 = jnp.zeros((OUT_CH,), dtype=jnp.float32)
    W2_r = jax.random.uniform(ks[5], (HIDDEN, OUT_CH), minval=-s2, maxval=s2, dtype=jnp.float32)
    return {"x": x, "edge_index": edge_index, "W1_l": W1_l, "b1": b1, "W1_r": W1_r,
            "W2_l": W2_l, "b2": b2, "W2_r": W2_r}


def _sage_conv(x, src, dst, W_l, b_l, W_r, n_nodes):
    # PyG SAGEConv with mean aggregation:
    #   out = lin_l(mean_{j in N(i)} x_j) + lin_r(x_i)
    msg = jnp.take(x, src, axis=0)                              # gather [E, d]
    agg_sum = jax.ops.segment_sum(msg, dst, num_segments=n_nodes)
    cnt = jax.ops.segment_sum(jnp.ones((src.shape[0],), dtype=x.dtype), dst, num_segments=n_nodes)
    agg = agg_sum / jnp.maximum(cnt, 1.0)[:, None]              # mean aggregation
    return agg @ W_l + b_l + x @ W_r


def reference(x, edge_index, W1_l, b1, W1_r, W2_l, b2, W2_r):
    src = edge_index[0]
    dst = edge_index[1]
    n = x.shape[0]
    # layer 1 + relu (dropout p=0.0, eval mode -> identity)
    h = _sage_conv(x, src, dst, W1_l, b1, W1_r, n)
    h = jax.nn.relu(h)
    # layer 2 (no activation on final layer)
    out = _sage_conv(h, src, dst, W2_l, b2, W2_r, n)
    return out

if __name__ == "__main__":
    import jax
    _d = setup_inputs()
    print(jax.jit(kernel)(*tuple(_d.values())))

</pallas_src>

<mosaic_0001>
#map = affine_map<(d0, d1) -> (0, 0)>
#map1 = affine_map<(d0, d1) -> (0, 0, 0)>
module attributes {stable_mosaic.version = 14 : i64} {
  func.func @_seg_body(%arg0: i32, %arg1: i32, %arg2: memref<10000x64xf32, #tpu.memory_space<hbm>>, %arg3: memref<32x80x125xi32, #tpu.memory_space<hbm>>, %arg4: memref<32x80x125xi32, #tpu.memory_space<hbm>>, %arg5: memref<2x10240x64xf32, #tpu.memory_space<hbm>>, %arg6: memref<10240x64xf32, #tpu.memory_space<vmem_shared>>, %arg7: memref<80x125xi32, #tpu.memory_space<vmem>>, %arg8: memref<80x125xi32, #tpu.memory_space<vmem>>, %arg9: memref<125x64xf32, #tpu.memory_space<vmem>>, %arg10: memref<125x64xf32, #tpu.memory_space<vmem>>, %arg11: memref<125x64xf32, #tpu.memory_space<vmem>>, %arg12: memref<125x64xf32, #tpu.memory_space<vmem>>, %arg13: memref<125x64xf32, #tpu.memory_space<vmem>>, %arg14: memref<64x64xf32, #tpu.memory_space<vmem>>, %arg15: memref<!tpu.dma_semaphore, #tpu.memory_space<semaphore_mem>>, %arg16: memref<!tpu.dma_semaphore, #tpu.memory_space<semaphore_mem>>, %arg17: memref<!tpu.dma_semaphore, #tpu.memory_space<semaphore_mem>>, %arg18: memref<!tpu.dma_semaphore, #tpu.memory_space<semaphore_mem>>, %arg19: memref<!tpu.dma_semaphore, #tpu.memory_space<semaphore_mem>>, %arg20: memref<!tpu.dma_semaphore, #tpu.memory_space<semaphore_mem>>, %arg21: memref<!tpu.dma_semaphore, #tpu.memory_space<semaphore_mem>>, %arg22: memref<!tpu.dma_semaphore, #tpu.memory_space<semaphore_mem>>, %arg23: memref<!tpu.dma_semaphore, #tpu.memory_space<semaphore_mem>>, %arg24: memref<!tpu.dma_semaphore, #tpu.memory_space<semaphore_mem>>) attributes {dimension_semantics = [#tpu.dimension_semantics<core_parallel>, #tpu.dimension_semantics<subcore_parallel>], iteration_bounds = array<i64: 2, 16>, scalar_prefetch = 0 : i64, scratch_operands = 19 : i64, tpu.core_type = #tpu.core_type<sc_vector_subcore>, window_params = [{transform_indices = #map}, {transform_indices = #map1}, {transform_indices = #map1}, {transform_indices = #map1}]} {
    %mul3A = arith.constant 2 : i32
    %mul3A_0 = arith.muli %arg1, %mul3A : i32
    %add3A = arith.addi %mul3A_0, %arg0 : i32
    %mul3A_1 = arith.constant 640 : i32
    %mul3A_2 = arith.muli %arg1, %mul3A_1 : i32
    %dma_start3A = arith.constant 0 : i32
    %dma_start3A_3 = arith.constant 0 : i32
    %dma_start3A_4 = tpu.memref_slice %arg4[%add3A, %dma_start3A, %dma_start3A_3] : memref<32x80x125xi32, #tpu.memory_space<hbm>> -> memref<1x80x125xi32, #tpu.memory_space<hbm>>
    %dma_start3A_5 = tpu.memref_squeeze %dma_start3A_4 : memref<1x80x125xi32, #tpu.memory_space<hbm>> -> memref<80x125xi32, #tpu.memory_space<hbm>>
    %dma_start3A_6 = arith.constant 0 : i32
    %dma_start3A_7 = arith.constant 0 : i32
    %dma_start3A_8 = tpu.memref_slice %arg4[%add3A, %dma_start3A_6, %dma_start3A_7] : memref<32x80x125xi32, #tpu.memory_space<hbm>> -> memref<1x80x125xi32, #tpu.memory_space<hbm>>
    %dma_start3A_9 = tpu.memref_squeeze %dma_start3A_8 : memref<1x80x125xi32, #tpu.memory_space<hbm>> -> memref<80x125xi32, #tpu.memory_space<hbm>>
    tpu.enqueue_dma source(%dma_start3A_9 : memref<80x125xi32, #tpu.memory_space<hbm>>) target(%arg8 : memref<80x125xi32, #tpu.memory_space<vmem>>) target_semaphore(%arg20 : memref<!tpu.dma_semaphore, #tpu.memory_space<semaphore_mem>>)
    "tpu.region"() ({
      %run_scoped3A = tpu.sem_alloc : memref<!tpu.dma_semaphore, #tpu.memory_space<semaphore_mem>>
      %dma_start3A_190 = arith.constant 0 : i32
      %dma_start3A_191 = arith.constant 0 : i32
      %dma_start3A_192 = tpu.memref_slice %arg3[%add3A, %dma_start3A_190, %dma_start3A_191] : memref<32x80x125xi32, #tpu.memory_space<hbm>> -> memref<1x80x125xi32, #tpu.memory_space<hbm>>
      %dma_start3A_193 = tpu.memref_squeeze %dma_start3A_192 : memref<1x80x125xi32, #tpu.memory_space<hbm>> -> memref<80x125xi32, #tpu.memory_space<hbm>>
      %dma_start3A_194 = arith.constant 0 : i32
      %dma_start3A_195 = arith.constant 0 : i32
      %dma_start3A_196 = tpu.memref_slice %arg3[%add3A, %dma_start3A_194, %dma_start3A_195] : memref<32x80x125xi32, #tpu.memory_space<hbm>> -> memref<1x80x125xi32, #tpu.memory_space<hbm>>
      %dma_start3A_197 = tpu.memref_squeeze %dma_start3A_196 : memref<1x80x125xi32, #tpu.memory_space<hbm>> -> memref<80x125xi32, #tpu.memory_space<hbm>>
      tpu.enqueue_dma source(%dma_start3A_197 : memref<80x125xi32, #tpu.memory_space<hbm>>) target(%arg7 : memref<80x125xi32, #tpu.memory_space<vmem>>) target_semaphore(%run_scoped3A : memref<!tpu.dma_semaphore, #tpu.memory_space<semaphore_mem>>)
      %dma_wait3A_198 = arith.constant 0 : i32
      %dma_wait3A_199 = arith.constant 0 : i32
      %dma_wait3A_200 = tpu.memref_slice %arg3[%add3A, %dma_wait3A_198, %dma_wait3A_199] : memref<32x80x125xi32, #tpu.memory_space<hbm>> -> memref<1x80x125xi32, #tpu.memory_space<hbm>>
      %dma_wait3A_201 = tpu.memref_squeeze %dma_wait3A_200 : memref<1x80x125xi32, #tpu.memory_space<hbm>> -> memref<80x125xi32, #tpu.memory_space<hbm>>
      %dma_wait3A_202 = arith.constant 0 : i32
      %dma_wait3A_203 = arith.constant 0 : i32
      %dma_wait3A_204 = tpu.memref_slice %arg3[%add3A, %dma_wait3A_202, %dma_wait3A_203] : memref<32x80x125xi32, #tpu.memory_space<hbm>> -> memref<1x80x125xi32, #tpu.memory_space<hbm>>
      %dma_wait3A_205 = tpu.memref_squeeze %dma_wait3A_204 : memref<1x80x125xi32, #tpu.memory_space<hbm>> -> memref<80x125xi32, #tpu.memory_space<hbm>>
      tpu.wait_dma2 semaphore(%run_scoped3A : memref<!tpu.dma_semaphore, #tpu.memory_space<semaphore_mem>>) src(%dma_wait3A_205 : memref<80x125xi32, #tpu.memory_space<hbm>>) dst(%arg7 : memref<80x125xi32, #tpu.memory_space<vmem>>)
      tpu.yield
    }) : () -> ()
    %dma_start3A_10 = arith.constant 0 : i32
    %dma_start3A_11 = arith.constant 0 : i32
    %dma_start3A_12 = tpu.memref_slice %arg7[%dma_start3A_10, %dma_start3A_11] : memref<80x125xi32, #tpu.memory_space<vmem>> -> memref<1x125xi32, #tpu.memory_space<vmem>>
    %dma_start3A_13 = tpu.memref_squeeze %dma_start3A_12 : memref<1x125xi32, #tpu.memory_space<vmem>> -> memref<125xi32, #tpu.memory_space<vmem>>
    %dma_start3A_14 = arith.constant 0 : i32
    %dma_start3A_15 = arith.constant 0 : i32
    %dma_start3A_16 = tpu.memref_slice %arg2[%dma_start3A_14, %dma_start3A_15] : memref<10000x64xf32, #tpu.memory_space<hbm>> -> memref<10000x64xf32, #tpu.memory_space<hbm>>
    tpu.enqueue_indirect_dma source(%dma_start3A_16 : memref<10000x64xf32, #tpu.memory_space<hbm>>) target(%arg9 : memref<125x64xf32, #tpu.memory_space<vmem>>) offsets(%dma_start3A_13 : memref<125xi32, #tpu.memory_space<vmem>>) semaphore(%arg15 : memref<!tpu.dma_semaphore, #tpu.memory_space<semaphore_mem>>)
    %dma_start3A_17 = arith.constant 1 : i32
    %dma_start3A_18 = arith.constant 0 : i32
    %dma_start3A_19 = tpu.memref_slice %arg7[%dma_start3A_17, %dma_start3A_18] : memref<80x125xi32, #tpu.memory_space<vmem>> -> memref<1x125xi32, #tpu.memory_space<vmem>>
    %dma_start3A_20 = tpu.memref_squeeze %dma_start3A_19 : memref<1x125xi32, #tpu.memory_space<vmem>> -> memref<125xi32, #tpu.memory_space<vmem>>
    %dma_start3A_21 = arith.constant 0 : i32
    %dma_start3A_22 = arith.constant 0 : i32
    %dma_start3A_23 = tpu.memref_slice %arg2[%dma_start3A_21, %dma_start3A_22] : memref<10000x64xf32, #tpu.memory_space<hbm>> -> memref<10000x64xf32, #tpu.memory_space<hbm>>
    tpu.enqueue_indirect_dma source(%dma_start3A_23 : memref<10000x64xf32, #tpu.memory_space<hbm>>) target(%arg10 : memref<125x64xf32, #tpu.memory_space<vmem>>) offsets(%dma_start3A_20 : memref<125xi32, #tpu.memory_space<vmem>>) semaphore(%arg16 : memref<!tpu.dma_semaphore, #tpu.memory_space<semaphore_mem>>)
    %dma_start3A_24 = arith.constant 2 : i32
    %dma_start3A_25 = arith.constant 0 : i32
    %dma_start3A_26 = tpu.memref_slice %arg7[%dma_start3A_24, %dma_start3A_25] : memref<80x125xi32, #tpu.memory_space<vmem>> -> memref<1x125xi32, #tpu.memory_space<vmem>>
    %dma_start3A_27 = tpu.memref_squeeze %dma_start3A_26 : memref<1x125xi32, #tpu.memory_space<vmem>> -> memref<125xi32, #tpu.memory_space<vmem>>
    %dma_start3A_28 = arith.constant 0 : i32
    %dma_start3A_29 = arith.constant 0 : i32
    %dma_start3A_30 = tpu.memref_slice %arg2[%dma_start3A_28, %dma_start3A_29] : memref<10000x64xf32, #tpu.memory_space<hbm>> -> memref<10000x64xf32, #tpu.memory_space<hbm>>
    tpu.enqueue_indirect_dma source(%dma_start3A_30 : memref<10000x64xf32, #tpu.memory_space<hbm>>) target(%arg11 : memref<125x64xf32, #tpu.memory_space<vmem>>) offsets(%dma_start3A_27 : memref<125xi32, #tpu.memory_space<vmem>>) semaphore(%arg17 : memref<!tpu.dma_semaphore, #tpu.memory_space<semaphore_mem>>)
    %dma_start3A_31 = arith.constant 3 : i32
    %dma_start3A_32 = arith.constant 0 : i32
    %dma_start3A_33 = tpu.memref_slice %arg7[%dma_start3A_31, %dma_start3A_32] : memref<80x125xi32, #tpu.memory_space<vmem>> -> memref<1x125xi32, #tpu.memory_space<vmem>>
    %dma_start3A_34 = tpu.memref_squeeze %dma_start3A_33 : memref<1x125xi32, #tpu.memory_space<vmem>> -> memref<125xi32, #tpu.memory_space<vmem>>
    %dma_start3A_35 = arith.constant 0 : i32
    %dma_start3A_36 = arith.constant 0 : i32
    %dma_start3A_37 = tpu.memref_slice %arg2[%dma_start3A_35, %dma_start3A_36] : memref<10000x64xf32, #tpu.memory_space<hbm>> -> memref<10000x64xf32, #tpu.memory_space<hbm>>
    tpu.enqueue_indirect_dma source(%dma_start3A_37 : memref<10000x64xf32, #tpu.memory_space<hbm>>) target(%arg12 : memref<125x64xf32, #tpu.memory_space<vmem>>) offsets(%dma_start3A_34 : memref<125xi32, #tpu.memory_space<vmem>>) semaphore(%arg18 : memref<!tpu.dma_semaphore, #tpu.memory_space<semaphore_mem>>)
    %dma_start3A_38 = arith.constant 4 : i32
    %dma_start3A_39 = arith.constant 0 : i32
    %dma_start3A_40 = tpu.memref_slice %arg7[%dma_start3A_38, %dma_start3A_39] : memref<80x125xi32, #tpu.memory_space<vmem>> -> memref<1x125xi32, #tpu.memory_space<vmem>>
    %dma_start3A_41 = tpu.memref_squeeze %dma_start3A_40 : memref<1x125xi32, #tpu.memory_space<vmem>> -> memref<125xi32, #tpu.memory_space<vmem>>
    %dma_start3A_42 = arith.constant 0 : i32
    %dma_start3A_43 = arith.constant 0 : i32
    %dma_start3A_44 = tpu.memref_slice %arg2[%dma_start3A_42, %dma_start3A_43] : memref<10000x64xf32, #tpu.memory_space<hbm>> -> memref<10000x64xf32, #tpu.memory_space<hbm>>
    tpu.enqueue_indirect_dma source(%dma_start3A_44 : memref<10000x64xf32, #tpu.memory_space<hbm>>) target(%arg13 : memref<125x64xf32, #tpu.memory_space<vmem>>) offsets(%dma_start3A_41 : memref<125xi32, #tpu.memory_space<vmem>>) semaphore(%arg19 : memref<!tpu.dma_semaphore, #tpu.memory_space<semaphore_mem>>)
    %broadcast_in_dim3A = arith.constant 0.000000e+00 : f32
    %broadcast_in_dim3A_45 = vector.broadcast %broadcast_in_dim3A : f32 to vector<16xf32>
    %broadcast_in_dim3A_46 = arith.constant 1.000000e+00 : f32
    %broadcast_in_dim3A_47 = vector.broadcast %broadcast_in_dim3A_46 : f32 to vector<16xf32>
    %scan3A = arith.constant 0 : i32
    %scan3A_48 = arith.constant 64 : i32
    %scan3A_49 = arith.addi %scan3A, %scan3A_48 : i32
    %scan3A_50 = arith.constant 1 : i32
    scf.for %scan3A_190 = %scan3A to %scan3A_49 step %scan3A_50  : i32 {
      %mul3A_191 = arith.constant 1 : i32
      %mul3A_192 = arith.muli %scan3A_190, %mul3A_191 : i32
      %add3A_193 = arith.constant 0 : i32
      %add3A_194 = arith.addi %add3A_193, %mul3A_192 : i32
      %scan3A_195 = arith.constant 0 : i32
      %scan3A_196 = arith.constant 4 : i32
      %scan3A_197 = arith.addi %scan3A_195, %scan3A_196 : i32
      %scan3A_198 = arith.constant 1 : i32
      scf.for %scan3A_200 = %scan3A_195 to %scan3A_197 step %scan3A_198  : i32 {
        %mul3A_201 = arith.constant 16 : i32
        %mul3A_202 = arith.muli %scan3A_200, %mul3A_201 : i32
        %add3A_203 = arith.constant 0 : i32
        %add3A_204 = arith.addi %add3A_203, %mul3A_202 : i32
        %swap3A = arith.index_cast %add3A_194 : i32 to index
        %swap3A_205 = arith.index_cast %add3A_204 : i32 to index
        %swap3A_206 = tpu.vector_load %arg14[%swap3A, %swap3A_205] {strides = array<i32>} : memref<64x64xf32, #tpu.memory_space<vmem>>, vector<1x16xf32>,
        %swap3A_207 = vector.shape_cast %swap3A_206 : vector<1x16xf32> to vector<16xf32>
        %swap3A_208 = vector.shape_cast %broadcast_in_dim3A_45 : vector<16xf32> to vector<1x16xf32>
        tpu.vector_store %arg14[%swap3A, %swap3A_205], %swap3A_208 {strides = array<i32>} : memref<64x64xf32, #tpu.memory_space<vmem>>, vector<1x16xf32>,
      }
      %scan3A_199 = arith.constant 4 : i32
    }
    %scan3A_51 = arith.constant 64 : i32
    %scan3A_52 = arith.constant 0 : i32
    %scan3A_53 = arith.constant 10 : i32
    %scan3A_54 = arith.addi %scan3A_52, %scan3A_53 : i32
    %scan3A_55 = arith.constant 1 : i32
    scf.for %scan3A_190 = %scan3A_52 to %scan3A_54 step %scan3A_55  : i32 {
      %mul3A_191 = arith.constant 1 : i32
      %mul3A_192 = arith.muli %scan3A_190, %mul3A_191 : i32
      %add3A_193 = arith.constant 0 : i32
      %add3A_194 = arith.addi %add3A_193, %mul3A_192 : i32
      %mul3A_195 = arith.constant 64 : i32
      %mul3A_196 = arith.muli %add3A_194, %mul3A_195 : i32
      %add3A_197 = arith.addi %mul3A_2, %mul3A_196 : i32
      %dma_start3A_198 = arith.constant 0 : i32
      %dma_start3A_199 = tpu.memref_slice %arg6[%add3A_197, %dma_start3A_198] : memref<10240x64xf32, #tpu.memory_space<vmem_shared>> -> memref<64x64xf32, #tpu.memory_space<vmem_shared>>
      %dma_start3A_200 = arith.constant 0 : i32
      %dma_start3A_201 = tpu.memref_slice %arg6[%add3A_197, %dma_start3A_200] : memref<10240x64xf32, #tpu.memory_space<vmem_shared>> -> memref<64x64xf32, #tpu.memory_space<vmem_shared>>
      tpu.enqueue_dma source(%arg14 : memref<64x64xf32, #tpu.memory_space<vmem>>) target(%dma_start3A_201 : memref<64x64xf32, #tpu.memory_space<vmem_shared>>) target_semaphore(%arg21 : memref<!tpu.dma_semaphore, #tpu.memory_space<semaphore_mem>>)
    }
    %scan3A_56 = arith.constant 10 : i32
    %scan3A_57 = arith.constant 0 : i32
    %scan3A_58 = arith.constant 10 : i32
    %scan3A_59 = arith.addi %scan3A_57, %scan3A_58 : i32
    %scan3A_60 = arith.constant 1 : i32
    scf.for %scan3A_190 = %scan3A_57 to %scan3A_59 step %scan3A_60  : i32 {
      %mul3A_191 = arith.constant 1 : i32
      %mul3A_192 = arith.muli %scan3A_190, %mul3A_191 : i32
      %add3A_193 = arith.constant 0 : i32
      %add3A_194 = arith.addi %add3A_193, %mul3A_192 : i32
      %mul3A_195 = arith.constant 64 : i32
      %mul3A_196 = arith.muli %add3A_194, %mul3A_195 : i32
      %add3A_197 = arith.addi %mul3A_2, %mul3A_196 : i32
      %dma_wait3A_198 = arith.constant 0 : i32
      %dma_wait3A_199 = tpu.memref_slice %arg6[%add3A_197, %dma_wait3A_198] : memref<10240x64xf32, #tpu.memory_space<vmem_shared>> -> memref<64x64xf32, #tpu.memory_space<vmem_shared>>
      %dma_wait3A_200 = arith.constant 0 : i32
      %dma_wait3A_201 = tpu.memref_slice %arg6[%add3A_197, %dma_wait3A_200] : memref<10240x64xf32, #tpu.memory_space<vmem_shared>> -> memref<64x64xf32, #tpu.memory_space<vmem_shared>>
      tpu.wait_dma2 semaphore(%arg21 : memref<!tpu.dma_semaphore, #tpu.memory_space<semaphore_mem>>) src(%arg14 : memref<64x64xf32, #tpu.memory_space<vmem>>) dst(%dma_wait3A_201 : memref<64x64xf32, #tpu.memory_space<vmem_shared>>)
    }
    %scan3A_61 = arith.constant 10 : i32
    %dma_wait3A = arith.constant 0 : i32
    %dma_wait3A_62 = arith.constant 0 : i32
    %dma_wait3A_63 = tpu.memref_slice %arg4[%add3A, %dma_wait3A, %dma_wait3A_62] : memref<32x80x125xi32, #tpu.memory_space<hbm>> -> memref<1x80x125xi32, #tpu.memory_space<hbm>>
    %dma_wait3A_64 = tpu.memref_squeeze %dma_wait3A_63 : memref<1x80x125xi32, #tpu.memory_space<hbm>> -> memref<80x125xi32, #tpu.memory_space<hbm>>
    %dma_wait3A_65 = arith.constant 0 : i32
    %dma_wait3A_66 = arith.constant 0 : i32
    %dma_wait3A_67 = tpu.memref_slice %arg4[%add3A, %dma_wait3A_65, %dma_wait3A_66] : memref<32x80x125xi32, #tpu.memory_space<hbm>> -> memref<1x80x125xi32, #tpu.memory_space<hbm>>
    %dma_wait3A_68 = tpu.memref_squeeze %dma_wait3A_67 : memref<1x80x125xi32, #tpu.memory_space<hbm>> -> memref<80x125xi32, #tpu.memory_space<hbm>>
    tpu.wait_dma2 semaphore(%arg20 : memref<!tpu.dma_semaphore, #tpu.memory_space<semaphore_mem>>) src(%dma_wait3A_68 : memref<80x125xi32, #tpu.memory_space<hbm>>) dst(%arg8 : memref<80x125xi32, #tpu.memory_space<vmem>>)
    %barrier3A = arith.constant 0 : index
    tpu.barrier barrier_id(%barrier3A)
    %scan3A_69 = arith.constant 0 : i32
    %scan3A_70 = arith.constant 15 : i32
    %scan3A_71 = arith.addi %scan3A_69, %scan3A_70 : i32
    %scan3A_72 = arith.constant 1 : i32
    scf.for %scan3A_190 = %scan3A_69 to %scan3A_71 step %scan3A_72  : i32 {
      %mul3A_191 = arith.constant 5 : i32
      %mul3A_192 = arith.muli %scan3A_190, %mul3A_191 : i32
      %add3A_193 = arith.constant 0 : i32
      %add3A_194 = arith.addi %add3A_193, %mul3A_192 : i32
      %add3A_195 = arith.constant 0 : i32
      %add3A_196 = arith.addi %add3A_194, %add3A_195 : i32
      %dma_wait3A_197 = arith.constant 0 : i32
      %dma_wait3A_198 = tpu.memref_slice %arg7[%add3A_196, %dma_wait3A_197] : memref<80x125xi32, #tpu.memory_space<vmem>> -> memref<1x125xi32, #tpu.memory_space<vmem>>
      %dma_wait3A_199 = tpu.memref_squeeze %dma_wait3A_198 : memref<1x125xi32, #tpu.memory_space<vmem>> -> memref<125xi32, #tpu.memory_space<vmem>>
      %dma_wait3A_200 = arith.constant 0 : i32
      %dma_wait3A_201 = arith.constant 0 : i32
      %dma_wait3A_202 = tpu.memref_slice %arg2[%dma_wait3A_200, %dma_wait3A_201] : memref<10000x64xf32, #tpu.memory_space<hbm>> -> memref<10000x64xf32, #tpu.memory_space<hbm>>
      tpu.wait_indirect_dma semaphore(%arg15 : memref<!tpu.dma_semaphore, #tpu.memory_space<semaphore_mem>>) src(%dma_wait3A_202 : memref<10000x64xf32, #tpu.memory_space<hbm>>) dst(%arg9 : memref<125x64xf32, #tpu.memory_space<vmem>>)
      %dma_start3A_203 = arith.constant 0 : i32
      %dma_start3A_204 = tpu.memref_slice %arg8[%add3A_196, %dma_start3A_203] : memref<80x125xi32, #tpu.memory_space<vmem>> -> memref<1x125xi32, #tpu.memory_space<vmem>>
      %dma_start3A_205 = tpu.memref_squeeze %dma_start3A_204 : memref<1x125xi32, #tpu.memory_space<vmem>> -> memref<125xi32, #tpu.memory_space<vmem>>
      %dma_start3A_206 = arith.constant 0 : i32
      %dma_start3A_207 = arith.constant 0 : i32
      %dma_start3A_208 = tpu.memref_slice %arg6[%dma_start3A_206, %dma_start3A_207] : memref<10240x64xf32, #tpu.memory_space<vmem_shared>> -> memref<10240x64xf32, #tpu.memory_space<vmem_shared>>
      tpu.enqueue_indirect_dma source(%arg9 : memref<125x64xf32, #tpu.memory_space<vmem>>) target(%dma_start3A_208 : memref<10240x64xf32, #tpu.memory_space<vmem_shared>>) offsets(%dma_start3A_205 : memref<125xi32, #tpu.memory_space<vmem>>) semaphore(%arg20 : memref<!tpu.dma_semaphore, #tpu.memory_space<semaphore_mem>>) {add = true}
      %dma_wait3A_209 = arith.constant 0 : i32
      %dma_wait3A_210 = tpu.memref_slice %arg8[%add3A_196, %dma_wait3A_209] : memref<80x125xi32, #tpu.memory_space<vmem>> -> memref<1x125xi32, #tpu.memory_space<vmem>>
      %dma_wait3A_211 = tpu.memref_squeeze %dma_wait3A_210 : memref<1x125xi32, #tpu.memory_space<vmem>> -> memref<125xi32, #tpu.memory_space<vmem>>
      %dma_wait3A_212 = arith.constant 0 : i32
      %dma_wait3A_213 = arith.constant 0 : i32
      %dma_wait3A_214 = tpu.memref_slice %arg6[%dma_wait3A_212, %dma_wait3A_213] : memref<10240x64xf32, #tpu.memory_space<vmem_shared>> -> memref<10240x64xf32, #tpu.memory_space<vmem_shared>>
      tpu.wait_indirect_dma semaphore(%arg20 : memref<!tpu.dma_semaphore, #tpu.memory_space<semaphore_mem>>) src(%arg9 : memref<125x64xf32, #tpu.memory_space<vmem>>) dst(%dma_wait3A_214 : memref<10240x64xf32, #tpu.memory_space<vmem_shared>>)
      %add3A_215 = arith.constant 5 : i32
      %add3A_216 = arith.addi %add3A_196, %add3A_215 : i32
      %dma_start3A_217 = arith.constant 0 : i32
      %dma_start3A_218 = tpu.memref_slice %arg7[%add3A_216, %dma_start3A_217] : memref<80x125xi32, #tpu.memory_space<vmem>> -> memref<1x125xi32, #tpu.memory_space<vmem>>
      %dma_start3A_219 = tpu.memref_squeeze %dma_start3A_218 : memref<1x125xi32, #tpu.memory_space<vmem>> -> memref<125xi32, #tpu.memory_space<vmem>>
      %dma_start3A_220 = arith.constant 0 : i32
      %dma_start3A_221 = arith.constant 0 : i32
      %dma_start3A_222 = tpu.memref_slice %arg2[%dma_start3A_220, %dma_start3A_221] : memref<10000x64xf32, #tpu.memory_space<hbm>> -> memref<10000x64xf32, #tpu.memory_space<hbm>>
      tpu.enqueue_indirect_dma source(%dma_start3A_222 : memref<10000x64xf32, #tpu.memory_space<hbm>>) target(%arg9 : memref<125x64xf32, #tpu.memory_space<vmem>>) offsets(%dma_start3A_219 : memref<125xi32, #tpu.memory_space<vmem>>) semaphore(%arg15 : memref<!tpu.dma_semaphore, #tpu.memory_space<semaphore_mem>>)
      %add3A_223 = arith.constant 1 : i32
      %add3A_224 = arith.addi %add3A_194, %add3A_223 : i32
      %dma_wait3A_225 = arith.constant 0 : i32
      %dma_wait3A_226 = tpu.memref_slice %arg7[%add3A_224, %dma_wait3A_225] : memref<80x125xi32, #tpu.memory_space<vmem>> -> memref<1x125xi32, #tpu.memory_space<vmem>>
      %dma_wait3A_227 = tpu.memref_squeeze %dma_wait3A_226 : memref<1x125xi32, #tpu.memory_space<vmem>> -> memref<125xi32, #tpu.memory_space<vmem>>
      %dma_wait3A_228 = arith.constant 0 : i32
      %dma_wait3A_229 = arith.constant 0 : i32
      %dma_wait3A_230 = tpu.memref_slice %arg2[%dma_wait3A_228, %dma_wait3A_229] : memref<10000x64xf32, #tpu.memory_space<hbm>> -> memref<10000x64xf32, #tpu.memory_space<hbm>>
      tpu.wait_indirect_dma semaphore(%arg16 : memref<!tpu.dma_semaphore, #tpu.memory_space<semaphore_mem>>) src(%dma_wait3A_230 : memref<10000x64xf32, #tpu.memory_space<hbm>>) dst(%arg10 : memref<125x64xf32, #tpu.memory_space<vmem>>)
      %dma_start3A_231 = arith.constant 0 : i32
      %dma_start3A_232 = tpu.memref_slice %arg8[%add3A_224, %dma_start3A_231] : memref<80x125xi32, #tpu.memory_space<vmem>> -> memref<1x125xi32, #tpu.memory_space<vmem>>
      %dma_start3A_233 = tpu.memref_squeeze %dma_start3A_232 : memref<1x125xi32, #tpu.memory_space<vmem>> -> memref<125xi32, #tpu.memory_space<vmem>>
      %dma_start3A_234 = arith.constant 0 : i32
      %dma_start3A_235 = arith.constant 0 : i32
      %dma_start3A_236 = tpu.memref_slice %arg6[%dma_start3A_234, %dma_start3A_235] : memref<10240x64xf32, #tpu.memory_space<vmem_shared>> -> memref<10240x64xf32, #tpu.memory_space<vmem_shared>>
      tpu.enqueue_indirect_dma source(%arg10 : memref<125x64xf32, #tpu.memory_space<vmem>>) target(%dma_start3A_236 : memref<10240x64xf32, #tpu.memory_space<vmem_shared>>) offsets(%dma_start3A_233 : memref<125xi32, #tpu.memory_space<vmem>>) semaphore(%arg21 : memref<!tpu.dma_semaphore, #tpu.memory_space<semaphore_mem>>) {add = true}
      %dma_wait3A_237 = arith.constant 0 : i32
      %dma_wait3A_238 = tpu.memref_slice %arg8[%add3A_224, %dma_wait3A_237] : memref<80x125xi32, #tpu.memory_space<vmem>> -> memref<1x125xi32, #tpu.memory_space<vmem>>
      %dma_wait3A_239 = tpu.memref_squeeze %dma_wait3A_238 : memref<1x125xi32, #tpu.memory_space<vmem>> -> memref<125xi32, #tpu.memory_space<vmem>>
      %dma_wait3A_240 = arith.constant 0 : i32
      %dma_wait3A_241 = arith.constant 0 : i32
      %dma_wait3A_242 = tpu.memref_slice %arg6[%dma_wait3A_240, %dma_wait3A_241] : memref<10240x64xf32, #tpu.memory_space<vmem_shared>> -> memref<10240x64xf32, #tpu.memory_space<vmem_shared>>
      tpu.wait_indirect_dma semaphore(%arg21 : memref<!tpu.dma_semaphore, #tpu.memory_space<semaphore_mem>>) src(%arg10 : memref<125x64xf32, #tpu.memory_space<vmem>>) dst(%dma_wait3A_242 : memref<10240x64xf32, #tpu.memory_space<vmem_shared>>)
      %add3A_243 = arith.constant 5 : i32
      %add3A_244 = arith.addi %add3A_224, %add3A_243 : i32
      %dma_start3A_245 = arith.constant 0 : i32
      %dma_start3A_246 = tpu.memref_slice %arg7[%add3A_244, %dma_start3A_245] : memref<80x125xi32, #tpu.memory_space<vmem>> -> memref<1x125xi32, #tpu.memory_space<vmem>>
      %dma_start3A_247 = tpu.memref_squeeze %dma_start3A_246 : memref<1x125xi32, #tpu.memory_space<vmem>> -> memref<125xi32, #tpu.memory_space<vmem>>
      %dma_start3A_248 = arith.constant 0 : i32
      %dma_start3A_249 = arith.constant 0 : i32
      %dma_start3A_250 = tpu.memref_slice %arg2[%dma_start3A_248, %dma_start3A_249] : memref<10000x64xf32, #tpu.memory_space<hbm>> -> memref<10000x64xf32, #tpu.memory_space<hbm>>
      tpu.enqueue_indirect_dma source(%dma_start3A_250 : memref<10000x64xf32, #tpu.memory_space<hbm>>) target(%arg10 : memref<125x64xf32, #tpu.memory_space<vmem>>) offsets(%dma_start3A_247 : memref<125xi32, #tpu.memory_space<vmem>>) semaphore(%arg16 : memref<!tpu.dma_semaphore, #tpu.memory_space<semaphore_mem>>)
      %add3A_251 = arith.constant 2 : i32
      %add3A_252 = arith.addi %add3A_194, %add3A_251 : i32
      %dma_wait3A_253 = arith.constant 0 : i32
      %dma_wait3A_254 = tpu.memref_slice %arg7[%add3A_252, %dma_wait3A_253] : memref<80x125xi32, #tpu.memory_space<vmem>> -> memref<1x125xi32, #tpu.memory_space<vmem>>
      %dma_wait3A_255 = tpu.memref_squeeze %dma_wait3A_254 : memref<1x125xi32, #tpu.memory_space<vmem>> -> memref<125xi32, #tpu.memory_space<vmem>>
      %dma_wait3A_256 = arith.constant 0 : i32
      %dma_wait3A_257 = arith.constant 0 : i32
      %dma_wait3A_258 = tpu.memref_slice %arg2[%dma_wait3A_256, %dma_wait3A_257] : memref<10000x64xf32, #tpu.memory_space<hbm>> -> memref<10000x64xf32, #tpu.memory_space<hbm>>
      tpu.wait_indirect_dma semaphore(%arg17 : memref<!tpu.dma_semaphore, #tpu.memory_space<semaphore_mem>>) src(%dma_wait3A_258 : memref<10000x64xf32, #tpu.memory_space<hbm>>) dst(%arg11 : memref<125x64xf32, #tpu.memory_space<vmem>>)
      %dma_start3A_259 = arith.constant 0 : i32
      %dma_start3A_260 = tpu.memref_slice %arg8[%add3A_252, %dma_start3A_259] : memref<80x125xi32, #tpu.memory_space<vmem>> -> memref<1x125xi32, #tpu.memory_space<vmem>>
      %dma_start3A_261 = tpu.memref_squeeze %dma_start3A_260 : memref<1x125xi32, #tpu.memory_space<vmem>> -> memref<125xi32, #tpu.memory_space<vmem>>
      %dma_start3A_262 = arith.constant 0 : i32
      %dma_start3A_263 = arith.constant 0 : i32
      %dma_start3A_264 = tpu.memref_slice %arg6[%dma_start3A_262, %dma_start3A_263] : memref<10240x64xf32, #tpu.memory_space<vmem_shared>> -> memref<10240x64xf32, #tpu.memory_space<vmem_shared>>
      tpu.enqueue_indirect_dma source(%arg11 : memref<125x64xf32, #tpu.memory_space<vmem>>) target(%dma_start3A_264 : memref<10240x64xf32, #tpu.memory_space<vmem_shared>>) offsets(%dma_start3A_261 : memref<125xi32, #tpu.memory_space<vmem>>) semaphore(%arg22 : memref<!tpu.dma_semaphore, #tpu.memory_space<semaphore_mem>>) {add = true}
      %dma_wait3A_265 = arith.constant 0 : i32
      %dma_wait3A_266 = tpu.memref_slice %arg8[%add3A_252, %dma_wait3A_265] : memref<80x125xi32, #tpu.memory_space<vmem>> -> memref<1x125xi32, #tpu.memory_space<vmem>>
      %dma_wait3A_267 = tpu.memref_squeeze %dma_wait3A_266 : memref<1x125xi32, #tpu.memory_space<vmem>> -> memref<125xi32, #tpu.memory_space<vmem>>
      %dma_wait3A_268 = arith.constant 0 : i32
      %dma_wait3A_269 = arith.constant 0 : i32
      %dma_wait3A_270 = tpu.memref_slice %arg6[%dma_wait3A_268, %dma_wait3A_269] : memref<10240x64xf32, #tpu.memory_space<vmem_shared>> -> memref<10240x64xf32, #tpu.memory_space<vmem_shared>>
      tpu.wait_indirect_dma semaphore(%arg22 : memref<!tpu.dma_semaphore, #tpu.memory_space<semaphore_mem>>) src(%arg11 : memref<125x64xf32, #tpu.memory_space<vmem>>) dst(%dma_wait3A_270 : memref<10240x64xf32, #tpu.memory_space<vmem_shared>>)
      %add3A_271 = arith.constant 5 : i32
      %add3A_272 = arith.addi %add3A_252, %add3A_271 : i32
      %dma_start3A_273 = arith.constant 0 : i32
      %dma_start3A_274 = tpu.memref_slice %arg7[%add3A_272, %dma_start3A_273] : memref<80x125xi32, #tpu.memory_space<vmem>> -> memref<1x125xi32, #tpu.memory_space<vmem>>
      %dma_start3A_275 = tpu.memref_squeeze %dma_start3A_274 : memref<1x125xi32, #tpu.memory_space<vmem>> -> memref<125xi32, #tpu.memory_space<vmem>>
      %dma_start3A_276 = arith.constant 0 : i32
      %dma_start3A_277 = arith.constant 0 : i32
      %dma_start3A_278 = tpu.memref_slice %arg2[%dma_start3A_276, %dma_start3A_277] : memref<10000x64xf32, #tpu.memory_space<hbm>> -> memref<10000x64xf32, #tpu.memory_space<hbm>>
      tpu.enqueue_indirect_dma source(%dma_start3A_278 : memref<10000x64xf32, #tpu.memory_space<hbm>>) target(%arg11 : memref<125x64xf32, #tpu.memory_space<vmem>>) offsets(%dma_start3A_275 : memref<125xi32, #tpu.memory_space<vmem>>) semaphore(%arg17 : memref<!tpu.dma_semaphore, #tpu.memory_space<semaphore_mem>>)
      %add3A_279 = arith.constant 3 : i32
      %add3A_280 = arith.addi %add3A_194, %add3A_279 : i32
      %dma_wait3A_281 = arith.constant 0 : i32
      %dma_wait3A_282 = tpu.memref_slice %arg7[%add3A_280, %dma_wait3A_281] : memref<80x125xi32, #tpu.memory_space<vmem>> -> memref<1x125xi32, #tpu.memory_space<vmem>>
      %dma_wait3A_283 = tpu.memref_squeeze %dma_wait3A_282 : memref<1x125xi32, #tpu.memory_space<vmem>> -> memref<125xi32, #tpu.memory_space<vmem>>
      %dma_wait3A_284 = arith.constant 0 : i32
      %dma_wait3A_285 = arith.constant 0 : i32
      %dma_wait3A_286 = tpu.memref_slice %arg2[%dma_wait3A_284, %dma_wait3A_285] : memref<10000x64xf32, #tpu.memory_space<hbm>> -> memref<10000x64xf32, #tpu.memory_space<hbm>>
      tpu.wait_indirect_dma semaphore(%arg18 : memref<!tpu.dma_semaphore, #tpu.memory_space<semaphore_mem>>) src(%dma_wait3A_286 : memref<10000x64xf32, #tpu.memory_space<hbm>>) dst(%arg12 : memref<125x64xf32, #tpu.memory_space<vmem>>)
      %dma_start3A_287 = arith.constant 0 : i32
      %dma_start3A_288 = tpu.memref_slice %arg8[%add3A_280, %dma_start3A_287] : memref<80x125xi32, #tpu.memory_space<vmem>> -> memref<1x125xi32, #tpu.memory_space<vmem>>
      %dma_start3A_289 = tpu.memref_squeeze %dma_start3A_288 : memref<1x125xi32, #tpu.memory_space<vmem>> -> memref<125xi32, #tpu.memory_space<vmem>>
      %dma_start3A_290 = arith.constant 0 : i32
      %dma_start3A_291 = arith.constant 0 : i32
      %dma_start3A_292 = tpu.memref_slice %arg6[%dma_start3A_290, %dma_start3A_291] : memref<10240x64xf32, #tpu.memory_space<vmem_shared>> -> memref<10240x64xf32, #tpu.memory_space<vmem_shared>>
      tpu.enqueue_indirect_dma source(%arg12 : memref<125x64xf32, #tpu.memory_space<vmem>>) target(%dma_start3A_292 : memref<10240x64xf32, #tpu.memory_space<vmem_shared>>) offsets(%dma_start3A_289 : memref<125xi32, #tpu.memory_space<vmem>>) semaphore(%arg23 : memref<!tpu.dma_semaphore, #tpu.memory_space<semaphore_mem>>) {add = true}
      %dma_wait3A_293 = arith.constant 0 : i32
      %dma_wait3A_294 = tpu.memref_slice %arg8[%add3A_280, %dma_wait3A_293] : memref<80x125xi32, #tpu.memory_space<vmem>> -> memref<1x125xi32, #tpu.memory_space<vmem>>
      %dma_wait3A_295 = tpu.memref_squeeze %dma_wait3A_294 : memref<1x125xi32, #tpu.memory_space<vmem>> -> memref<125xi32, #tpu.memory_space<vmem>>
      %dma_wait3A_296 = arith.constant 0 : i32
      %dma_wait3A_297 = arith.constant 0 : i32
      %dma_wait3A_298 = tpu.memref_slice %arg6[%dma_wait3A_296, %dma_wait3A_297] : memref<10240x64xf32, #tpu.memory_space<vmem_shared>> -> memref<10240x64xf32, #tpu.memory_space<vmem_shared>>
      tpu.wait_indirect_dma semaphore(%arg23 : memref<!tpu.dma_semaphore, #tpu.memory_space<semaphore_mem>>) src(%arg12 : memref<125x64xf32, #tpu.memory_space<vmem>>) dst(%dma_wait3A_298 : memref<10240x64xf32, #tpu.memory_space<vmem_shared>>)
      %add3A_299 = arith.constant 5 : i32
      %add3A_300 = arith.addi %add3A_280, %add3A_299 : i32
      %dma_start3A_301 = arith.constant 0 : i32
      %dma_start3A_302 = tpu.memref_slice %arg7[%add3A_300, %dma_start3A_301] : memref<80x125xi32, #tpu.memory_space<vmem>> -> memref<1x125xi32, #tpu.memory_space<vmem>>
      %dma_start3A_303 = tpu.memref_squeeze %dma_start3A_302 : memref<1x125xi32, #tpu.memory_space<vmem>> -> memref<125xi32, #tpu.memory_space<vmem>>
      %dma_start3A_304 = arith.constant 0 : i32
      %dma_start3A_305 = arith.constant 0 : i32
      %dma_start3A_306 = tpu.memref_slice %arg2[%dma_start3A_304, %dma_start3A_305] : memref<10000x64xf32, #tpu.memory_space<hbm>> -> memref<10000x64xf32, #tpu.memory_space<hbm>>
      tpu.enqueue_indirect_dma source(%dma_start3A_306 : memref<10000x64xf32, #tpu.memory_space<hbm>>) target(%arg12 : memref<125x64xf32, #tpu.memory_space<vmem>>) offsets(%dma_start3A_303 : memref<125xi32, #tpu.memory_space<vmem>>) semaphore(%arg18 : memref<!tpu.dma_semaphore, #tpu.memory_space<semaphore_mem>>)
      %add3A_307 = arith.constant 4 : i32
      %add3A_308 = arith.addi %add3A_194, %add3A_307 : i32
      %dma_wait3A_309 = arith.constant 0 : i32
      %dma_wait3A_310 = tpu.memref_slice %arg7[%add3A_308, %dma_wait3A_309] : memref<80x125xi32, #tpu.memory_space<vmem>> -> memref<1x125xi32, #tpu.memory_space<vmem>>
      %dma_wait3A_311 = tpu.memref_squeeze %dma_wait3A_310 : memref<1x125xi32, #tpu.memory_space<vmem>> -> memref<125xi32, #tpu.memory_space<vmem>>
      %dma_wait3A_312 = arith.constant 0 : i32
      %dma_wait3A_313 = arith.constant 0 : i32
      %dma_wait3A_314 = tpu.memref_slice %arg2[%dma_wait3A_312, %dma_wait3A_313] : memref<10000x64xf32, #tpu.memory_space<hbm>> -> memref<10000x64xf32, #tpu.memory_space<hbm>>
      tpu.wait_indirect_dma semaphore(%arg19 : memref<!tpu.dma_semaphore, #tpu.memory_space<semaphore_mem>>) src(%dma_wait3A_314 : memref<10000x64xf32, #tpu.memory_space<hbm>>) dst(%arg13 : memref<125x64xf32, #tpu.memory_space<vmem>>)
      %dma_start3A_315 = arith.constant 0 : i32
      %dma_start3A_316 = tpu.memref_slice %arg8[%add3A_308, %dma_start3A_315] : memref<80x125xi32, #tpu.memory_space<vmem>> -> memref<1x125xi32, #tpu.memory_space<vmem>>
      %dma_start3A_317 = tpu.memref_squeeze %dma_start3A_316 : memref<1x125xi32, #tpu.memory_space<vmem>> -> memref<125xi32, #tpu.memory_space<vmem>>
      %dma_start3A_318 = arith.constant 0 : i32
      %dma_start3A_319 = arith.constant 0 : i32
      %dma_start3A_320 = tpu.memref_slice %arg6[%dma_start3A_318, %dma_start3A_319] : memref<10240x64xf32, #tpu.memory_space<vmem_shared>> -> memref<10240x64xf32, #tpu.memory_space<vmem_shared>>
      tpu.enqueue_indirect_dma source(%arg13 : memref<125x64xf32, #tpu.memory_space<vmem>>) target(%dma_start3A_320 : memref<10240x64xf32, #tpu.memory_space<vmem_shared>>) offsets(%dma_start3A_317 : memref<125xi32, #tpu.memory_space<vmem>>) semaphore(%arg24 : memref<!tpu.dma_semaphore, #tpu.memory_space<semaphore_mem>>) {add = true}
      %dma_wait3A_321 = arith.constant 0 : i32
      %dma_wait3A_322 = tpu.memref_slice %arg8[%add3A_308, %dma_wait3A_321] : memref<80x125xi32, #tpu.memory_space<vmem>> -> memref<1x125xi32, #tpu.memory_space<vmem>>
      %dma_wait3A_323 = tpu.memref_squeeze %dma_wait3A_322 : memref<1x125xi32, #tpu.memory_space<vmem>> -> memref<125xi32, #tpu.memory_space<vmem>>
      %dma_wait3A_324 = arith.constant 0 : i32
      %dma_wait3A_325 = arith.constant 0 : i32
      %dma_wait3A_326 = tpu.memref_slice %arg6[%dma_wait3A_324, %dma_wait3A_325] : memref<10240x64xf32, #tpu.memory_space<vmem_shared>> -> memref<10240x64xf32, #tpu.memory_space<vmem_shared>>
      tpu.wait_indirect_dma semaphore(%arg24 : memref<!tpu.dma_semaphore, #tpu.memory_space<semaphore_mem>>) src(%arg13 : memref<125x64xf32, #tpu.memory_space<vmem>>) dst(%dma_wait3A_326 : memref<10240x64xf32, #tpu.memory_space<vmem_shared>>)
      %add3A_327 = arith.constant 5 : i32
      %add3A_328 = arith.addi %add3A_308, %add3A_327 : i32
      %dma_start3A_329 = arith.constant 0 : i32
      %dma_start3A_330 = tpu.memref_slice %arg7[%add3A_328, %dma_start3A_329] : memref<80x125xi32, #tpu.memory_space<vmem>> -> memref<1x125xi32, #tpu.memory_space<vmem>>
      %dma_start3A_331 = tpu.memref_squeeze %dma_start3A_330 : memref<1x125xi32, #tpu.memory_space<vmem>> -> memref<125xi32, #tpu.memory_space<vmem>>
      %dma_start3A_332 = arith.constant 0 : i32
      %dma_start3A_333 = arith.constant 0 : i32
      %dma_start3A_334 = tpu.memref_slice %arg2[%dma_start3A_332, %dma_start3A_333] : memref<10000x64xf32, #tpu.memory_space<hbm>> -> memref<10000x64xf32, #tpu.memory_space<hbm>>
      tpu.enqueue_indirect_dma source(%dma_start3A_334 : memref<10000x64xf32, #tpu.memory_space<hbm>>) target(%arg13 : memref<125x64xf32, #tpu.memory_space<vmem>>) offsets(%dma_start3A_331 : memref<125xi32, #tpu.memory_space<vmem>>) semaphore(%arg19 : memref<!tpu.dma_semaphore, #tpu.memory_space<semaphore_mem>>)
    }
    %scan3A_73 = arith.constant 15 : i32
    %dma_wait3A_74 = arith.constant 75 : i32
    %dma_wait3A_75 = arith.constant 0 : i32
    %dma_wait3A_76 = tpu.memref_slice %arg7[%dma_wait3A_74, %dma_wait3A_75] : memref<80x125xi32, #tpu.memory_space<vmem>> -> memref<1x125xi32, #tpu.memory_space<vmem>>
    %dma_wait3A_77 = tpu.memref_squeeze %dma_wait3A_76 : memref<1x125xi32, #tpu.memory_space<vmem>> -> memref<125xi32, #tpu.memory_space<vmem>>
    %dma_wait3A_78 = arith.constant 0 : i32
    %dma_wait3A_79 = arith.constant 0 : i32
    %dma_wait3A_80 = tpu.memref_slice %arg2[%dma_wait3A_78, %dma_wait3A_79] : memref<10000x64xf32, #tpu.memory_space<hbm>> -> memref<10000x64xf32, #tpu.memory_space<hbm>>
    tpu.wait_indirect_dma semaphore(%arg15 : memref<!tpu.dma_semaphore, #tpu.memory_space<semaphore_mem>>) src(%dma_wait3A_80 : memref<10000x64xf32, #tpu.memory_space<hbm>>) dst(%arg9 : memref<125x64xf32, #tpu.memory_space<vmem>>)
    %dma_start3A_81 = arith.constant 75 : i32
    %dma_start3A_82 = arith.constant 0 : i32
    %dma_start3A_83 = tpu.memref_slice %arg8[%dma_start3A_81, %dma_start3A_82] : memref<80x125xi32, #tpu.memory_space<vmem>> -> memref<1x125xi32, #tpu.memory_space<vmem>>
    %dma_start3A_84 = tpu.memref_squeeze %dma_start3A_83 : memref<1x125xi32, #tpu.memory_space<vmem>> -> memref<125xi32, #tpu.memory_space<vmem>>
    %dma_start3A_85 = arith.constant 0 : i32
    %dma_start3A_86 = arith.constant 0 : i32
    %dma_start3A_87 = tpu.memref_slice %arg6[%dma_start3A_85, %dma_start3A_86] : memref<10240x64xf32, #tpu.memory_space<vmem_shared>> -> memref<10240x64xf32, #tpu.memory_space<vmem_shared>>
    tpu.enqueue_indirect_dma source(%arg9 : memref<125x64xf32, #tpu.memory_space<vmem>>) target(%dma_start3A_87 : memref<10240x64xf32, #tpu.memory_space<vmem_shared>>) offsets(%dma_start3A_84 : memref<125xi32, #tpu.memory_space<vmem>>) semaphore(%arg20 : memref<!tpu.dma_semaphore, #tpu.memory_space<semaphore_mem>>) {add = true}
    %dma_wait3A_88 = arith.constant 75 : i32
    %dma_wait3A_89 = arith.constant 0 : i32
    %dma_wait3A_90 = tpu.memref_slice %arg8[%dma_wait3A_88, %dma_wait3A_89] : memref<80x125xi32, #tpu.memory_space<vmem>> -> memref<1x125xi32, #tpu.memory_space<vmem>>
    %dma_wait3A_91 = tpu.memref_squeeze %dma_wait3A_90 : memref<1x125xi32, #tpu.memory_space<vmem>> -> memref<125xi32, #tpu.memory_space<vmem>>
    %dma_wait3A_92 = arith.constant 0 : i32
    %dma_wait3A_93 = arith.constant 0 : i32
    %dma_wait3A_94 = tpu.memref_slice %arg6[%dma_wait3A_92, %dma_wait3A_93] : memref<10240x64xf32, #tpu.memory_space<vmem_shared>> -> memref<10240x64xf32, #tpu.memory_space<vmem_shared>>
    tpu.wait_indirect_dma semaphore(%arg20 : memref<!tpu.dma_semaphore, #tpu.memory_space<semaphore_mem>>) src(%arg9 : memref<125x64xf32, #tpu.memory_space<vmem>>) dst(%dma_wait3A_94 : memref<10240x64xf32, #tpu.memory_space<vmem_shared>>)
    %dma_wait3A_95 = arith.constant 76 : i32
    %dma_wait3A_96 = arith.constant 0 : i32
    %dma_wait3A_97 = tpu.memref_slice %arg7[%dma_wait3A_95, %dma_wait3A_96] : memref<80x125xi32, #tpu.memory_space<vmem>> -> memref<1x125xi32, #tpu.memory_space<vmem>>
    %dma_wait3A_98 = tpu.memref_squeeze %dma_wait3A_97 : memref<1x125xi32, #tpu.memory_space<vmem>> -> memref<125xi32, #tpu.memory_space<vmem>>
    %dma_wait3A_99 = arith.constant 0 : i32
    %dma_wait3A_100 = arith.constant 0 : i32
    %dma_wait3A_101 = tpu.memref_slice %arg2[%dma_wait3A_99, %dma_wait3A_100] : memref<10000x64xf32, #tpu.memory_space<hbm>> -> memref<10000x64xf32, #tpu.memory_space<hbm>>
    tpu.wait_indirect_dma semaphore(%arg16 : memref<!tpu.dma_semaphore, #tpu.memory_space<semaphore_mem>>) src(%dma_wait3A_101 : memref<10000x64xf32, #tpu.memory_space<hbm>>) dst(%arg10 : memref<125x64xf32, #tpu.memory_space<vmem>>)
    %dma_start3A_102 = arith.constant 76 : i32
    %dma_start3A_103 = arith.constant 0 : i32
    %dma_start3A_104 = tpu.memref_slice %arg8[%dma_start3A_102, %dma_start3A_103] : memref<80x125xi32, #tpu.memory_space<vmem>> -> memref<1x125xi32, #tpu.memory_space<vmem>>
    %dma_start3A_105 = tpu.memref_squeeze %dma_start3A_104 : memref<1x125xi32, #tpu.memory_space<vmem>> -> memref<125xi32, #tpu.memory_space<vmem>>
    %dma_start3A_106 = arith.constant 0 : i32
    %dma_start3A_107 = arith.constant 0 : i32
    %dma_start3A_108 = tpu.memref_slice %arg6[%dma_start3A_106, %dma_start3A_107] : memref<10240x64xf32, #tpu.memory_space<vmem_shared>> -> memref<10240x64xf32, #tpu.memory_space<vmem_shared>>
    tpu.enqueue_indirect_dma source(%arg10 : memref<125x64xf32, #tpu.memory_space<vmem>>) target(%dma_start3A_108 : memref<10240x64xf32, #tpu.memory_space<vmem_shared>>) offsets(%dma_start3A_105 : memref<125xi32, #tpu.memory_space<vmem>>) semaphore(%arg21 : memref<!tpu.dma_semaphore, #tpu.memory_space<semaphore_mem>>) {add = true}
    %dma_wait3A_109 = arith.constant 76 : i32
    %dma_wait3A_110 = arith.constant 0 : i32
    %dma_wait3A_111 = tpu.memref_slice %arg8[%dma_wait3A_109, %dma_wait3A_110] : memref<80x125xi32, #tpu.memory_space<vmem>> -> memref<1x125xi32, #tpu.memory_space<vmem>>
    %dma_wait3A_112 = tpu.memref_squeeze %dma_wait3A_111 : memref<1x125xi32, #tpu.memory_space<vmem>> -> memref<125xi32, #tpu.memory_space<vmem>>
    %dma_wait3A_113 = arith.constant 0 : i32
    %dma_wait3A_114 = arith.constant 0 : i32
    %dma_wait3A_115 = tpu.memref_slice %arg6[%dma_wait3A_113, %dma_wait3A_114] : memref<10240x64xf32, #tpu.memory_space<vmem_shared>> -> memref<10240x64xf32, #tpu.memory_space<vmem_shared>>
    tpu.wait_indirect_dma semaphore(%arg21 : memref<!tpu.dma_semaphore, #tpu.memory_space<semaphore_mem>>) src(%arg10 : memref<125x64xf32, #tpu.memory_space<vmem>>) dst(%dma_wait3A_115 : memref<10240x64xf32, #tpu.memory_space<vmem_shared>>)
    %dma_wait3A_116 = arith.constant 77 : i32
    %dma_wait3A_117 = arith.constant 0 : i32
    %dma_wait3A_118 = tpu.memref_slice %arg7[%dma_wait3A_116, %dma_wait3A_117] : memref<80x125xi32, #tpu.memory_space<vmem>> -> memref<1x125xi32, #tpu.memory_space<vmem>>
    %dma_wait3A_119 = tpu.memref_squeeze %dma_wait3A_118 : memref<1x125xi32, #tpu.memory_space<vmem>> -> memref<125xi32, #tpu.memory_space<vmem>>
    %dma_wait3A_120 = arith.constant 0 : i32
    %dma_wait3A_121 = arith.constant 0 : i32
    %dma_wait3A_122 = tpu.memref_slice %arg2[%dma_wait3A_120, %dma_wait3A_121] : memref<10000x64xf32, #tpu.memory_space<hbm>> -> memref<10000x64xf32, #tpu.memory_space<hbm>>
    tpu.wait_indirect_dma semaphore(%arg17 : memref<!tpu.dma_semaphore, #tpu.memory_space<semaphore_mem>>) src(%dma_wait3A_122 : memref<10000x64xf32, #tpu.memory_space<hbm>>) dst(%arg11 : memref<125x64xf32, #tpu.memory_space<vmem>>)
    %dma_start3A_123 = arith.constant 77 : i32
    %dma_start3A_124 = arith.constant 0 : i32
    %dma_start3A_125 = tpu.memref_slice %arg8[%dma_start3A_123, %dma_start3A_124] : memref<80x125xi32, #tpu.memory_space<vmem>> -> memref<1x125xi32, #tpu.memory_space<vmem>>
    %dma_start3A_126 = tpu.memref_squeeze %dma_start3A_125 : memref<1x125xi32, #tpu.memory_space<vmem>> -> memref<125xi32, #tpu.memory_space<vmem>>
    %dma_start3A_127 = arith.constant 0 : i32
    %dma_start3A_128 = arith.constant 0 : i32
    %dma_start3A_129 = tpu.memref_slice %arg6[%dma_start3A_127, %dma_start3A_128] : memref<10240x64xf32, #tpu.memory_space<vmem_shared>> -> memref<10240x64xf32, #tpu.memory_space<vmem_shared>>
    tpu.enqueue_indirect_dma source(%arg11 : memref<125x64xf32, #tpu.memory_space<vmem>>) target(%dma_start3A_129 : memref<10240x64xf32, #tpu.memory_space<vmem_shared>>) offsets(%dma_start3A_126 : memref<125xi32, #tpu.memory_space<vmem>>) semaphore(%arg22 : memref<!tpu.dma_semaphore, #tpu.memory_space<semaphore_mem>>) {add = true}
    %dma_wait3A_130 = arith.constant 77 : i32
    %dma_wait3A_131 = arith.constant 0 : i32
    %dma_wait3A_132 = tpu.memref_slice %arg8[%dma_wait3A_130, %dma_wait3A_131] : memref<80x125xi32, #tpu.memory_space<vmem>> -> memref<1x125xi32, #tpu.memory_space<vmem>>
    %dma_wait3A_133 = tpu.memref_squeeze %dma_wait3A_132 : memref<1x125xi32, #tpu.memory_space<vmem>> -> memref<125xi32, #tpu.memory_space<vmem>>
    %dma_wait3A_134 = arith.constant 0 : i32
    %dma_wait3A_135 = arith.constant 0 : i32
    %dma_wait3A_136 = tpu.memref_slice %arg6[%dma_wait3A_134, %dma_wait3A_135] : memref<10240x64xf32, #tpu.memory_space<vmem_shared>> -> memref<10240x64xf32, #tpu.memory_space<vmem_shared>>
    tpu.wait_indirect_dma semaphore(%arg22 : memref<!tpu.dma_semaphore, #tpu.memory_space<semaphore_mem>>) src(%arg11 : memref<125x64xf32, #tpu.memory_space<vmem>>) dst(%dma_wait3A_136 : memref<10240x64xf32, #tpu.memory_space<vmem_shared>>)
    %dma_wait3A_137 = arith.constant 78 : i32
    %dma_wait3A_138 = arith.constant 0 : i32
    %dma_wait3A_139 = tpu.memref_slice %arg7[%dma_wait3A_137, %dma_wait3A_138] : memref<80x125xi32, #tpu.memory_space<vmem>> -> memref<1x125xi32, #tpu.memory_space<vmem>>
    %dma_wait3A_140 = tpu.memref_squeeze %dma_wait3A_139 : memref<1x125xi32, #tpu.memory_space<vmem>> -> memref<125xi32, #tpu.memory_space<vmem>>
    %dma_wait3A_141 = arith.constant 0 : i32
    %dma_wait3A_142 = arith.constant 0 : i32
    %dma_wait3A_143 = tpu.memref_slice %arg2[%dma_wait3A_141, %dma_wait3A_142] : memref<10000x64xf32, #tpu.memory_space<hbm>> -> memref<10000x64xf32, #tpu.memory_space<hbm>>
    tpu.wait_indirect_dma semaphore(%arg18 : memref<!tpu.dma_semaphore, #tpu.memory_space<semaphore_mem>>) src(%dma_wait3A_143 : memref<10000x64xf32, #tpu.memory_space<hbm>>) dst(%arg12 : memref<125x64xf32, #tpu.memory_space<vmem>>)
    %dma_start3A_144 = arith.constant 78 : i32
    %dma_start3A_145 = arith.constant 0 : i32
    %dma_start3A_146 = tpu.memref_slice %arg8[%dma_start3A_144, %dma_start3A_145] : memref<80x125xi32, #tpu.memory_space<vmem>> -> memref<1x125xi32, #tpu.memory_space<vmem>>
    %dma_start3A_147 = tpu.memref_squeeze %dma_start3A_146 : memref<1x125xi32, #tpu.memory_space<vmem>> -> memref<125xi32, #tpu.memory_space<vmem>>
    %dma_start3A_148 = arith.constant 0 : i32
    %dma_start3A_149 = arith.constant 0 : i32
    %dma_start3A_150 = tpu.memref_slice %arg6[%dma_start3A_148, %dma_start3A_149] : memref<10240x64xf32, #tpu.memory_space<vmem_shared>> -> memref<10240x64xf32, #tpu.memory_space<vmem_shared>>
    tpu.enqueue_indirect_dma source(%arg12 : memref<125x64xf32, #tpu.memory_space<vmem>>) target(%dma_start3A_150 : memref<10240x64xf32, #tpu.memory_space<vmem_shared>>) offsets(%dma_start3A_147 : memref<125xi32, #tpu.memory_space<vmem>>) semaphore(%arg23 : memref<!tpu.dma_semaphore, #tpu.memory_space<semaphore_mem>>) {add = true}
    %dma_wait3A_151 = arith.constant 78 : i32
    %dma_wait3A_152 = arith.constant 0 : i32
    %dma_wait3A_153 = tpu.memref_slice %arg8[%dma_wait3A_151, %dma_wait3A_152] : memref<80x125xi32, #tpu.memory_space<vmem>> -> memref<1x125xi32, #tpu.memory_space<vmem>>
    %dma_wait3A_154 = tpu.memref_squeeze %dma_wait3A_153 : memref<1x125xi32, #tpu.memory_space<vmem>> -> memref<125xi32, #tpu.memory_space<vmem>>
    %dma_wait3A_155 = arith.constant 0 : i32
    %dma_wait3A_156 = arith.constant 0 : i32
    %dma_wait3A_157 = tpu.memref_slice %arg6[%dma_wait3A_155, %dma_wait3A_156] : memref<10240x64xf32, #tpu.memory_space<vmem_shared>> -> memref<10240x64xf32, #tpu.memory_space<vmem_shared>>
    tpu.wait_indirect_dma semaphore(%arg23 : memref<!tpu.dma_semaphore, #tpu.memory_space<semaphore_mem>>) src(%arg12 : memref<125x64xf32, #tpu.memory_space<vmem>>) dst(%dma_wait3A_157 : memref<10240x64xf32, #tpu.memory_space<vmem_shared>>)
    %dma_wait3A_158 = arith.constant 79 : i32
    %dma_wait3A_159 = arith.constant 0 : i32
    %dma_wait3A_160 = tpu.memref_slice %arg7[%dma_wait3A_158, %dma_wait3A_159] : memref<80x125xi32, #tpu.memory_space<vmem>> -> memref<1x125xi32, #tpu.memory_space<vmem>>
    %dma_wait3A_161 = tpu.memref_squeeze %dma_wait3A_160 : memref<1x125xi32, #tpu.memory_space<vmem>> -> memref<125xi32, #tpu.memory_space<vmem>>
    %dma_wait3A_162 = arith.constant 0 : i32
    %dma_wait3A_163 = arith.constant 0 : i32
    %dma_wait3A_164 = tpu.memref_slice %arg2[%dma_wait3A_162, %dma_wait3A_163] : memref<10000x64xf32, #tpu.memory_space<hbm>> -> memref<10000x64xf32, #tpu.memory_space<hbm>>
    tpu.wait_indirect_dma semaphore(%arg19 : memref<!tpu.dma_semaphore, #tpu.memory_space<semaphore_mem>>) src(%dma_wait3A_164 : memref<10000x64xf32, #tpu.memory_space<hbm>>) dst(%arg13 : memref<125x64xf32, #tpu.memory_space<vmem>>)
    %dma_start3A_165 = arith.constant 79 : i32
    %dma_start3A_166 = arith.constant 0 : i32
    %dma_start3A_167 = tpu.memref_slice %arg8[%dma_start3A_165, %dma_start3A_166] : memref<80x125xi32, #tpu.memory_space<vmem>> -> memref<1x125xi32, #tpu.memory_space<vmem>>
    %dma_start3A_168 = tpu.memref_squeeze %dma_start3A_167 : memref<1x125xi32, #tpu.memory_space<vmem>> -> memref<125xi32, #tpu.memory_space<vmem>>
    %dma_start3A_169 = arith.constant 0 : i32
    %dma_start3A_170 = arith.constant 0 : i32
    %dma_start3A_171 = tpu.memref_slice %arg6[%dma_start3A_169, %dma_start3A_170] : memref<10240x64xf32, #tpu.memory_space<vmem_shared>> -> memref<10240x64xf32, #tpu.memory_space<vmem_shared>>
    tpu.enqueue_indirect_dma source(%arg13 : memref<125x64xf32, #tpu.memory_space<vmem>>) target(%dma_start3A_171 : memref<10240x64xf32, #tpu.memory_space<vmem_shared>>) offsets(%dma_start3A_168 : memref<125xi32, #tpu.memory_space<vmem>>) semaphore(%arg24 : memref<!tpu.dma_semaphore, #tpu.memory_space<semaphore_mem>>) {add = true}
    %dma_wait3A_172 = arith.constant 79 : i32
    %dma_wait3A_173 = arith.constant 0 : i32
    %dma_wait3A_174 = tpu.memref_slice %arg8[%dma_wait3A_172, %dma_wait3A_173] : memref<80x125xi32, #tpu.memory_space<vmem>> -> memref<1x125xi32, #tpu.memory_space<vmem>>
    %dma_wait3A_175 = tpu.memref_squeeze %dma_wait3A_174 : memref<1x125xi32, #tpu.memory_space<vmem>> -> memref<125xi32, #tpu.memory_space<vmem>>
    %dma_wait3A_176 = arith.constant 0 : i32
    %dma_wait3A_177 = arith.constant 0 : i32
    %dma_wait3A_178 = tpu.memref_slice %arg6[%dma_wait3A_176, %dma_wait3A_177] : memref<10240x64xf32, #tpu.memory_space<vmem_shared>> -> memref<10240x64xf32, #tpu.memory_space<vmem_shared>>
    tpu.wait_indirect_dma semaphore(%arg24 : memref<!tpu.dma_semaphore, #tpu.memory_space<semaphore_mem>>) src(%arg13 : memref<125x64xf32, #tpu.memory_space<vmem>>) dst(%dma_wait3A_178 : memref<10240x64xf32, #tpu.memory_space<vmem_shared>>)
    %barrier3A_179 = arith.constant 0 : index
    tpu.barrier barrier_id(%barrier3A_179)
    %dma_start3A_180 = arith.constant 0 : i32
    %dma_start3A_181 = tpu.memref_slice %arg5[%arg0, %mul3A_2, %dma_start3A_180] : memref<2x10240x64xf32, #tpu.memory_space<hbm>> -> memref<1x640x64xf32, #tpu.memory_space<hbm>>
    %dma_start3A_182 = tpu.memref_squeeze %dma_start3A_181 : memref<1x640x64xf32, #tpu.memory_space<hbm>> -> memref<640x64xf32, #tpu.memory_space<hbm>>
    %dma_start3A_183 = arith.constant 0 : i32
    %dma_start3A_184 = tpu.memref_slice %arg6[%mul3A_2, %dma_start3A_183] : memref<10240x64xf32, #tpu.memory_space<vmem_shared>> -> memref<640x64xf32, #tpu.memory_space<vmem_shared>>
    tpu.enqueue_dma source(%dma_start3A_184 : memref<640x64xf32, #tpu.memory_space<vmem_shared>>) target(%dma_start3A_182 : memref<640x64xf32, #tpu.memory_space<hbm>>) target_semaphore(%arg20 : memref<!tpu.dma_semaphore, #tpu.memory_space<semaphore_mem>>)
    %dma_wait3A_185 = arith.constant 0 : i32
    %dma_wait3A_186 = tpu.memref_slice %arg5[%arg0, %mul3A_2, %dma_wait3A_185] : memref<2x10240x64xf32, #tpu.memory_space<hbm>> -> memref<1x640x64xf32, #tpu.memory_space<hbm>>
    %dma_wait3A_187 = tpu.memref_squeeze %dma_wait3A_186 : memref<1x640x64xf32, #tpu.memory_space<hbm>> -> memref<640x64xf32, #tpu.memory_space<hbm>>
    %dma_wait3A_188 = arith.constant 0 : i32
    %dma_wait3A_189 = tpu.memref_slice %arg6[%mul3A_2, %dma_wait3A_188] : memref<10240x64xf32, #tpu.memory_space<vmem_shared>> -> memref<640x64xf32, #tpu.memory_space<vmem_shared>>
    tpu.wait_dma2 semaphore(%arg20 : memref<!tpu.dma_semaphore, #tpu.memory_space<semaphore_mem>>) src(%dma_wait3A_189 : memref<640x64xf32, #tpu.memory_space<vmem_shared>>) dst(%dma_wait3A_187 : memref<640x64xf32, #tpu.memory_space<hbm>>)
    return
  }
}

#map = affine_map<(d0, d1) -> (0, 0)>
#map1 = affine_map<(d0, d1) -> (0, 0, 0)>
module attributes {stable_mosaic.version = 14 : i64} {
  func.func @_seg_body(%arg0: i32, %arg1: i32, %arg2: memref<10000x64xf32, #tpu.memory_space<hbm>>, %arg3: memref<32x80x125xi32, #tpu.memory_space<hbm>>, %arg4: memref<32x80x125xi32, #tpu.memory_space<hbm>>, %arg5: memref<2x10240x64xf32, #tpu.memory_space<hbm>>, %arg6: memref<2x10240x16xf32, #tpu.memory_space<hbm>>, %arg7: memref<10240x64xf32, #tpu.memory_space<vmem_shared>>, %arg8: memref<10240x16xf32, #tpu.memory_space<vmem_shared>>, %arg9: memref<80x125xi32, #tpu.memory_space<vmem>>, %arg10: memref<80x125xi32, #tpu.memory_space<vmem>>, %arg11: memref<125x64xf32, #tpu.memory_space<vmem>>, %arg12: memref<125x64xf32, #tpu.memory_space<vmem>>, %arg13: memref<125x64xf32, #tpu.memory_space<vmem>>, %arg14: memref<125x64xf32, #tpu.memory_space<vmem>>, %arg15: memref<125x64xf32, #tpu.memory_space<vmem>>, %arg16: memref<64x64xf32, #tpu.memory_space<vmem>>, %arg17: memref<125x16xf32, #tpu.memory_space<vmem>>, %arg18: memref<64x16xf32, #tpu.memory_space<vmem>>, %arg19: memref<!tpu.dma_semaphore, #tpu.memory_space<semaphore_mem>>, %arg20: memref<!tpu.dma_semaphore, #tpu.memory_space<semaphore_mem>>, %arg21: memref<!tpu.dma_semaphore, #tpu.memory_space<semaphore_mem>>, %arg22: memref<!tpu.dma_semaphore, #tpu.memory_space<semaphore_mem>>, %arg23: memref<!tpu.dma_semaphore, #tpu.memory_space<semaphore_mem>>, %arg24: memref<!tpu.dma_semaphore, #tpu.memory_space<semaphore_mem>>, %arg25: memref<!tpu.dma_semaphore, #tpu.memory_space<semaphore_mem>>, %arg26: memref<!tpu.dma_semaphore, #tpu.memory_space<semaphore_mem>>, %arg27: memref<!tpu.dma_semaphore, #tpu.memory_space<semaphore_mem>>, %arg28: memref<!tpu.dma_semaphore, #tpu.memory_space<semaphore_mem>>) attributes {dimension_semantics = [#tpu.dimension_semantics<core_parallel>, #tpu.dimension_semantics<subcore_parallel>], iteration_bounds = array<i64: 2, 16>, scalar_prefetch = 0 : i64, scratch_operands = 22 : i64, tpu.core_type = #tpu.core_type<sc_vector_subcore>, window_params = [{transform_indices = #map}, {transform_indices = #map1}, {transform_indices = #map1}, {transform_indices = #map1}, {transform_indices = #map1}]} {
    %mul3A = arith.constant 2 : i32
    %mul3A_0 = arith.muli %arg1, %mul3A : i32
    %add3A = arith.addi %mul3A_0, %arg0 : i32
    %mul3A_1 = arith.constant 640 : i32
    %mul3A_2 = arith.muli %arg1, %mul3A_1 : i32
    %dma_start3A = arith.constant 0 : i32
    %dma_start3A_3 = arith.constant 0 : i32
    %dma_start3A_4 = tpu.memref_slice %arg4[%add3A, %dma_start3A, %dma_start3A_3] : memref<32x80x125xi32, #tpu.memory_space<hbm>> -> memref<1x80x125xi32, #tpu.memory_space<hbm>>
    %dma_start3A_5 = tpu.memref_squeeze %dma_start3A_4 : memref<1x80x125xi32, #tpu.memory_space<hbm>> -> memref<80x125xi32, #tpu.memory_space<hbm>>
    %dma_start3A_6 = arith.constant 0 : i32
    %dma_start3A_7 = arith.constant 0 : i32
    %dma_start3A_8 = tpu.memref_slice %arg4[%add3A, %dma_start3A_6, %dma_start3A_7] : memref<32x80x125xi32, #tpu.memory_space<hbm>> -> memref<1x80x125xi32, #tpu.memory_space<hbm>>
    %dma_start3A_9 = tpu.memref_squeeze %dma_start3A_8 : memref<1x80x125xi32, #tpu.memory_space<hbm>> -> memref<80x125xi32, #tpu.memory_space<hbm>>
    tpu.enqueue_dma source(%dma_start3A_9 : memref<80x125xi32, #tpu.memory_space<hbm>>) target(%arg10 : memref<80x125xi32, #tpu.memory_space<vmem>>) target_semaphore(%arg24 : memref<!tpu.dma_semaphore, #tpu.memory_space<semaphore_mem>>)
    "tpu.region"() ({
      %run_scoped3A = tpu.sem_alloc : memref<!tpu.dma_semaphore, #tpu.memory_space<semaphore_mem>>
      %dma_start3A_265 = arith.constant 0 : i32
      %dma_start3A_266 = arith.constant 0 : i32
      %dma_start3A_267 = tpu.memref_slice %arg3[%add3A, %dma_start3A_265, %dma_start3A_266] : memref<32x80x125xi32, #tpu.memory_space<hbm>> -> memref<1x80x125xi32, #tpu.memory_space<hbm>>
      %dma_start3A_268 = tpu.memref_squeeze %dma_start3A_267 : memref<1x80x125xi32, #tpu.memory_space<hbm>> -> memref<80x125xi32, #tpu.memory_space<hbm>>
      %dma_start3A_269 = arith.constant 0 : i32
      %dma_start3A_270 = arith.constant 0 : i32
      %dma_start3A_271 = tpu.memref_slice %arg3[%add3A, %dma_start3A_269, %dma_start3A_270] : memref<32x80x125xi32, #tpu.memory_space<hbm>> -> memref<1x80x125xi32, #tpu.memory_space<hbm>>
      %dma_start3A_272 = tpu.memref_squeeze %dma_start3A_271 : memref<1x80x125xi32, #tpu.memory_space<hbm>> -> memref<80x125xi32, #tpu.memory_space<hbm>>
      tpu.enqueue_dma source(%dma_start3A_272 : memref<80x125xi32, #tpu.memory_space<hbm>>) target(%arg9 : memref<80x125xi32, #tpu.memory_space<vmem>>) target_semaphore(%run_scoped3A : memref<!tpu.dma_semaphore, #tpu.memory_space<semaphore_mem>>)
      %dma_wait3A_273 = arith.constant 0 : i32
      %dma_wait3A_274 = arith.constant 0 : i32
      %dma_wait3A_275 = tpu.memref_slice %arg3[%add3A, %dma_wait3A_273, %dma_wait3A_274] : memref<32x80x125xi32, #tpu.memory_space<hbm>> -> memref<1x80x125xi32, #tpu.memory_space<hbm>>
      %dma_wait3A_276 = tpu.memref_squeeze %dma_wait3A_275 : memref<1x80x125xi32, #tpu.memory_space<hbm>> -> memref<80x125xi32, #tpu.memory_space<hbm>>
      %dma_wait3A_277 = arith.constant 0 : i32
      %dma_wait3A_278 = arith.constant 0 : i32
      %dma_wait3A_279 = tpu.memref_slice %arg3[%add3A, %dma_wait3A_277, %dma_wait3A_278] : memref<32x80x125xi32, #tpu.memory_space<hbm>> -> memref<1x80x125xi32, #tpu.memory_space<hbm>>
      %dma_wait3A_280 = tpu.memref_squeeze %dma_wait3A_279 : memref<1x80x125xi32, #tpu.memory_space<hbm>> -> memref<80x125xi32, #tpu.memory_space<hbm>>
      tpu.wait_dma2 semaphore(%run_scoped3A : memref<!tpu.dma_semaphore, #tpu.memory_space<semaphore_mem>>) src(%dma_wait3A_280 : memref<80x125xi32, #tpu.memory_space<hbm>>) dst(%arg9 : memref<80x125xi32, #tpu.memory_space<vmem>>)
      tpu.yield
    }) : () -> ()
    %dma_start3A_10 = arith.constant 0 : i32
    %dma_start3A_11 = arith.constant 0 : i32
    %dma_start3A_12 = tpu.memref_slice %arg9[%dma_start3A_10, %dma_start3A_11] : memref<80x125xi32, #tpu.memory_space<vmem>> -> memref<1x125xi32, #tpu.memory_space<vmem>>
    %dma_start3A_13 = tpu.memref_squeeze %dma_start3A_12 : memref<1x125xi32, #tpu.memory_space<vmem>> -> memref<125xi32, #tpu.memory_space<vmem>>
    %dma_start3A_14 = arith.constant 0 : i32
    %dma_start3A_15 = arith.constant 0 : i32
    %dma_start3A_16 = tpu.memref_slice %arg2[%dma_start3A_14, %dma_start3A_15] : memref<10000x64xf32, #tpu.memory_space<hbm>> -> memref<10000x64xf32, #tpu.memory_space<hbm>>
    tpu.enqueue_indirect_dma source(%dma_start3A_16 : memref<10000x64xf32, #tpu.memory_space<hbm>>) target(%arg11 : memref<125x64xf32, #tpu.memory_space<vmem>>) offsets(%dma_start3A_13 : memref<125xi32, #tpu.memory_space<vmem>>) semaphore(%arg19 : memref<!tpu.dma_semaphore, #tpu.memory_space<semaphore_mem>>)
    %dma_start3A_17 = arith.constant 1 : i32
    %dma_start3A_18 = arith.constant 0 : i32
    %dma_start3A_19 = tpu.memref_slice %arg9[%dma_start3A_17, %dma_start3A_18] : memref<80x125xi32, #tpu.memory_space<vmem>> -> memref<1x125xi32, #tpu.memory_space<vmem>>
    %dma_start3A_20 = tpu.memref_squeeze %dma_start3A_19 : memref<1x125xi32, #tpu.memory_space<vmem>> -> memref<125xi32, #tpu.memory_space<vmem>>
    %dma_start3A_21 = arith.constant 0 : i32
    %dma_start3A_22 = arith.constant 0 : i32
    %dma_start3A_23 = tpu.memref_slice %arg2[%dma_start3A_21, %dma_start3A_22] : memref<10000x64xf32, #tpu.memory_space<hbm>> -> memref<10000x64xf32, #tpu.memory_space<hbm>>
    tpu.enqueue_indirect_dma source(%dma_start3A_23 : memref<10000x64xf32, #tpu.memory_space<hbm>>) target(%arg12 : memref<125x64xf32, #tpu.memory_space<vmem>>) offsets(%dma_start3A_20 : memref<125xi32, #tpu.memory_space<vmem>>) semaphore(%arg20 : memref<!tpu.dma_semaphore, #tpu.memory_space<semaphore_mem>>)
    %dma_start3A_24 = arith.constant 2 : i32
    %dma_start3A_25 = arith.constant 0 : i32
    %dma_start3A_26 = tpu.memref_slice %arg9[%dma_start3A_24, %dma_start3A_25] : memref<80x125xi32, #tpu.memory_space<vmem>> -> memref<1x125xi32, #tpu.memory_space<vmem>>
    %dma_start3A_27 = tpu.memref_squeeze %dma_start3A_26 : memref<1x125xi32, #tpu.memory_space<vmem>> -> memref<125xi32, #tpu.memory_space<vmem>>
    %dma_start3A_28 = arith.constant 0 : i32
    %dma_start3A_29 = arith.constant 0 : i32
    %dma_start3A_30 = tpu.memref_slice %arg2[%dma_start3A_28, %dma_start3A_29] : memref<10000x64xf32, #tpu.memory_space<hbm>> -> memref<10000x64xf32, #tpu.memory_space<hbm>>
    tpu.enqueue_indirect_dma source(%dma_start3A_30 : memref<10000x64xf32, #tpu.memory_space<hbm>>) target(%arg13 : memref<125x64xf32, #tpu.memory_space<vmem>>) offsets(%dma_start3A_27 : memref<125xi32, #tpu.memory_space<vmem>>) semaphore(%arg21 : memref<!tpu.dma_semaphore, #tpu.memory_space<semaphore_mem>>)
    %dma_start3A_31 = arith.constant 3 : i32
    %dma_start3A_32 = arith.constant 0 : i32
    %dma_start3A_33 = tpu.memref_slice %arg9[%dma_start3A_31, %dma_start3A_32] : memref<80x125xi32, #tpu.memory_space<vmem>> -> memref<1x125xi32, #tpu.memory_space<vmem>>
    %dma_start3A_34 = tpu.memref_squeeze %dma_start3A_33 : memref<1x125xi32, #tpu.memory_space<vmem>> -> memref<125xi32, #tpu.memory_space<vmem>>
    %dma_start3A_35 = arith.constant 0 : i32
    %dma_start3A_36 = arith.constant 0 : i32
    %dma_start3A_37 = tpu.memref_slice %arg2[%dma_start3A_35, %dma_start3A_36] : memref<10000x64xf32, #tpu.memory_space<hbm>> -> memref<10000x64xf32, #tpu.memory_space<hbm>>
    tpu.enqueue_indirect_dma source(%dma_start3A_37 : memref<10000x64xf32, #tpu.memory_space<hbm>>) target(%arg14 : memref<125x64xf32, #tpu.memory_space<vmem>>) offsets(%dma_start3A_34 : memref<125xi32, #tpu.memory_space<vmem>>) semaphore(%arg22 : memref<!tpu.dma_semaphore, #tpu.memory_space<semaphore_mem>>)
    %dma_start3A_38 = arith.constant 4 : i32
    %dma_start3A_39 = arith.constant 0 : i32
    %dma_start3A_40 = tpu.memref_slice %arg9[%dma_start3A_38, %dma_start3A_39] : memref<80x125xi32, #tpu.memory_space<vmem>> -> memref<1x125xi32, #tpu.memory_space<vmem>>
    %dma_start3A_41 = tpu.memref_squeeze %dma_start3A_40 : memref<1x125xi32, #tpu.memory_space<vmem>> -> memref<125xi32, #tpu.memory_space<vmem>>
    %dma_start3A_42 = arith.constant 0 : i32
    %dma_start3A_43 = arith.constant 0 : i32
    %dma_start3A_44 = tpu.memref_slice %arg2[%dma_start3A_42, %dma_start3A_43] : memref<10000x64xf32, #tpu.memory_space<hbm>> -> memref<10000x64xf32, #tpu.memory_space<hbm>>
    tpu.enqueue_indirect_dma source(%dma_start3A_44 : memref<10000x64xf32, #tpu.memory_space<hbm>>) target(%arg15 : memref<125x64xf32, #tpu.memory_space<vmem>>) offsets(%dma_start3A_41 : memref<125xi32, #tpu.memory_space<vmem>>) semaphore(%arg23 : memref<!tpu.dma_semaphore, #tpu.memory_space<semaphore_mem>>)
    %broadcast_in_dim3A = arith.constant 0.000000e+00 : f32
    %broadcast_in_dim3A_45 = vector.broadcast %broadcast_in_dim3A : f32 to vector<16xf32>
    %broadcast_in_dim3A_46 = arith.constant 1.000000e+00 : f32
    %broadcast_in_dim3A_47 = vector.broadcast %broadcast_in_dim3A_46 : f32 to vector<16xf32>
    %scan3A = arith.constant 0 : i32
    %scan3A_48 = arith.constant 64 : i32
    %scan3A_49 = arith.addi %scan3A, %scan3A_48 : i32
    %scan3A_50 = arith.constant 1 : i32
    scf.for %scan3A_265 = %scan3A to %scan3A_49 step %scan3A_50  : i32 {
      %mul3A_266 = arith.constant 1 : i32
      %mul3A_267 = arith.muli %scan3A_265, %mul3A_266 : i32
      %add3A_268 = arith.constant 0 : i32
      %add3A_269 = arith.addi %add3A_268, %mul3A_267 : i32
      %scan3A_270 = arith.constant 0 : i32
      %scan3A_271 = arith.constant 4 : i32
      %scan3A_272 = arith.addi %scan3A_270, %scan3A_271 : i32
      %scan3A_273 = arith.constant 1 : i32
      scf.for %scan3A_279 = %scan3A_270 to %scan3A_272 step %scan3A_273  : i32 {
        %mul3A_280 = arith.constant 16 : i32
        %mul3A_281 = arith.muli %scan3A_279, %mul3A_280 : i32
        %add3A_282 = arith.constant 0 : i32
        %add3A_283 = arith.addi %add3A_282, %mul3A_281 : i32
        %swap3A_284 = arith.index_cast %add3A_269 : i32 to index
        %swap3A_285 = arith.index_cast %add3A_283 : i32 to index
        %swap3A_286 = tpu.vector_load %arg16[%swap3A_284, %swap3A_285] {strides = array<i32>} : memref<64x64xf32, #tpu.memory_space<vmem>>, vector<1x16xf32>,
        %swap3A_287 = vector.shape_cast %swap3A_286 : vector<1x16xf32> to vector<16xf32>
        %swap3A_288 = vector.shape_cast %broadcast_in_dim3A_45 : vector<16xf32> to vector<1x16xf32>
        tpu.vector_store %arg16[%swap3A_284, %swap3A_285], %swap3A_288 {strides = array<i32>} : memref<64x64xf32, #tpu.memory_space<vmem>>, vector<1x16xf32>,
      }
      %scan3A_274 = arith.constant 4 : i32
      %swap3A = arith.index_cast %add3A_269 : i32 to index
      %swap3A_275 = arith.constant 0 : index
      %swap3A_276 = tpu.vector_load %arg18[%swap3A, %swap3A_275] {strides = array<i32>} : memref<64x16xf32, #tpu.memory_space<vmem>>, vector<1x16xf32>,
      %swap3A_277 = vector.shape_cast %swap3A_276 : vector<1x16xf32> to vector<16xf32>
      %swap3A_278 = vector.shape_cast %broadcast_in_dim3A_45 : vector<16xf32> to vector<1x16xf32>
      tpu.vector_store %arg18[%swap3A, %swap3A_275], %swap3A_278 {strides = array<i32>} : memref<64x16xf32, #tpu.memory_space<vmem>>, vector<1x16xf32>,
    }
    %scan3A_51 = arith.constant 64 : i32
    %scan3A_52 = arith.constant 0 : i32
    %scan3A_53 = arith.constant 125 : i32
    %scan3A_54 = arith.addi %scan3A_52, %scan3A_53 : i32
    %scan3A_55 = arith.constant 1 : i32
    scf.for %scan3A_265 = %scan3A_52 to %scan3A_54 step %scan3A_55  : i32 {
      %mul3A_266 = arith.constant 1 : i32
      %mul3A_267 = arith.muli %scan3A_265, %mul3A_266 : i32
      %add3A_268 = arith.constant 0 : i32
      %add3A_269 = arith.addi %add3A_268, %mul3A_267 : i32
      %swap3A = arith.index_cast %add3A_269 : i32 to index
      %swap3A_270 = arith.constant 0 : index
      %swap3A_271 = tpu.vector_load %arg17[%swap3A, %swap3A_270] {strides = array<i32>} : memref<125x16xf32, #tpu.memory_space<vmem>>, vector<1x16xf32>,
      %swap3A_272 = vector.shape_cast %swap3A_271 : vector<1x16xf32> to vector<16xf32>
      %swap3A_273 = vector.shape_cast %broadcast_in_dim3A_47 : vector<16xf32> to vector<1x16xf32>
      tpu.vector_store %arg17[%swap3A, %swap3A_270], %swap3A_273 {strides = array<i32>} : memref<125x16xf32, #tpu.memory_space<vmem>>, vector<1x16xf32>,
    }
    %scan3A_56 = arith.constant 125 : i32
    %scan3A_57 = arith.constant 0 : i32
    %scan3A_58 = arith.constant 10 : i32
    %scan3A_59 = arith.addi %scan3A_57, %scan3A_58 : i32
    %scan3A_60 = arith.constant 1 : i32
    scf.for %scan3A_265 = %scan3A_57 to %scan3A_59 step %scan3A_60  : i32 {
      %mul3A_266 = arith.constant 1 : i32
      %mul3A_267 = arith.muli %scan3A_265, %mul3A_266 : i32
      %add3A_268 = arith.constant 0 : i32
      %add3A_269 = arith.addi %add3A_268, %mul3A_267 : i32
      %mul3A_270 = arith.constant 64 : i32
      %mul3A_271 = arith.muli %add3A_269, %mul3A_270 : i32
      %add3A_272 = arith.addi %mul3A_2, %mul3A_271 : i32
      %dma_start3A_273 = arith.constant 0 : i32
      %dma_start3A_274 = tpu.memref_slice %arg7[%add3A_272, %dma_start3A_273] : memref<10240x64xf32, #tpu.memory_space<vmem_shared>> -> memref<64x64xf32, #tpu.memory_space<vmem_shared>>
      %dma_start3A_275 = arith.constant 0 : i32
      %dma_start3A_276 = tpu.memref_slice %arg7[%add3A_272, %dma_start3A_275] : memref<10240x64xf32, #tpu.memory_space<vmem_shared>> -> memref<64x64xf32, #tpu.memory_space<vmem_shared>>
      tpu.enqueue_dma source(%arg16 : memref<64x64xf32, #tpu.memory_space<vmem>>) target(%dma_start3A_276 : memref<64x64xf32, #tpu.memory_space<vmem_shared>>) target_semaphore(%arg25 : memref<!tpu.dma_semaphore, #tpu.memory_space<semaphore_mem>>)
      %mul3A_277 = arith.constant 64 : i32
      %mul3A_278 = arith.muli %add3A_269, %mul3A_277 : i32
      %add3A_279 = arith.addi %mul3A_2, %mul3A_278 : i32
      %dma_start3A_280 = arith.constant 0 : i32
      %dma_start3A_281 = tpu.memref_slice %arg8[%add3A_279, %dma_start3A_280] : memref<10240x16xf32, #tpu.memory_space<vmem_shared>> -> memref<64x16xf32, #tpu.memory_space<vmem_shared>>
      %dma_start3A_282 = arith.constant 0 : i32
      %dma_start3A_283 = tpu.memref_slice %arg8[%add3A_279, %dma_start3A_282] : memref<10240x16xf32, #tpu.memory_space<vmem_shared>> -> memref<64x16xf32, #tpu.memory_space<vmem_shared>>
      tpu.enqueue_dma source(%arg18 : memref<64x16xf32, #tpu.memory_space<vmem>>) target(%dma_start3A_283 : memref<64x16xf32, #tpu.memory_space<vmem_shared>>) target_semaphore(%arg26 : memref<!tpu.dma_semaphore, #tpu.memory_space<semaphore_mem>>)
    }
    %scan3A_61 = arith.constant 10 : i32
    %scan3A_62 = arith.constant 0 : i32
    %scan3A_63 = arith.constant 10 : i32
    %scan3A_64 = arith.addi %scan3A_62, %scan3A_63 : i32
    %scan3A_65 = arith.constant 1 : i32
    scf.for %scan3A_265 = %scan3A_62 to %scan3A_64 step %scan3A_65  : i32 {
      %mul3A_266 = arith.constant 1 : i32
      %mul3A_267 = arith.muli %scan3A_265, %mul3A_266 : i32
      %add3A_268 = arith.constant 0 : i32
      %add3A_269 = arith.addi %add3A_268, %mul3A_267 : i32
      %mul3A_270 = arith.constant 64 : i32
      %mul3A_271 = arith.muli %add3A_269, %mul3A_270 : i32
      %add3A_272 = arith.addi %mul3A_2, %mul3A_271 : i32
      %dma_wait3A_273 = arith.constant 0 : i32
      %dma_wait3A_274 = tpu.memref_slice %arg7[%add3A_272, %dma_wait3A_273] : memref<10240x64xf32, #tpu.memory_space<vmem_shared>> -> memref<64x64xf32, #tpu.memory_space<vmem_shared>>
      %dma_wait3A_275 = arith.constant 0 : i32
      %dma_wait3A_276 = tpu.memref_slice %arg7[%add3A_272, %dma_wait3A_275] : memref<10240x64xf32, #tpu.memory_space<vmem_shared>> -> memref<64x64xf32, #tpu.memory_space<vmem_shared>>
      tpu.wait_dma2 semaphore(%arg25 : memref<!tpu.dma_semaphore, #tpu.memory_space<semaphore_mem>>) src(%arg16 : memref<64x64xf32, #tpu.memory_space<vmem>>) dst(%dma_wait3A_276 : memref<64x64xf32, #tpu.memory_space<vmem_shared>>)
      %mul3A_277 = arith.constant 64 : i32
      %mul3A_278 = arith.muli %add3A_269, %mul3A_277 : i32
      %add3A_279 = arith.addi %mul3A_2, %mul3A_278 : i32
      %dma_wait3A_280 = arith.constant 0 : i32
      %dma_wait3A_281 = tpu.memref_slice %arg8[%add3A_279, %dma_wait3A_280] : memref<10240x16xf32, #tpu.memory_space<vmem_shared>> -> memref<64x16xf32, #tpu.memory_space<vmem_shared>>
      %dma_wait3A_282 = arith.constant 0 : i32
      %dma_wait3A_283 = tpu.memref_slice %arg8[%add3A_279, %dma_wait3A_282] : memref<10240x16xf32, #tpu.memory_space<vmem_shared>> -> memref<64x16xf32, #tpu.memory_space<vmem_shared>>
      tpu.wait_dma2 semaphore(%arg26 : memref<!tpu.dma_semaphore, #tpu.memory_space<semaphore_mem>>) src(%arg18 : memref<64x16xf32, #tpu.memory_space<vmem>>) dst(%dma_wait3A_283 : memref<64x16xf32, #tpu.memory_space<vmem_shared>>)
    }
    %scan3A_66 = arith.constant 10 : i32
    %dma_wait3A = arith.constant 0 : i32
    %dma_wait3A_67 = arith.constant 0 : i32
    %dma_wait3A_68 = tpu.memref_slice %arg4[%add3A, %dma_wait3A, %dma_wait3A_67] : memref<32x80x125xi32, #tpu.memory_space<hbm>> -> memref<1x80x125xi32, #tpu.memory_space<hbm>>
    %dma_wait3A_69 = tpu.memref_squeeze %dma_wait3A_68 : memref<1x80x125xi32, #tpu.memory_space<hbm>> -> memref<80x125xi32, #tpu.memory_space<hbm>>
    %dma_wait3A_70 = arith.constant 0 : i32
    %dma_wait3A_71 = arith.constant 0 : i32
    %dma_wait3A_72 = tpu.memref_slice %arg4[%add3A, %dma_wait3A_70, %dma_wait3A_71] : memref<32x80x125xi32, #tpu.memory_space<hbm>> -> memref<1x80x125xi32, #tpu.memory_space<hbm>>
    %dma_wait3A_73 = tpu.memref_squeeze %dma_wait3A_72 : memref<1x80x125xi32, #tpu.memory_space<hbm>> -> memref<80x125xi32, #tpu.memory_space<hbm>>
    tpu.wait_dma2 semaphore(%arg24 : memref<!tpu.dma_semaphore, #tpu.memory_space<semaphore_mem>>) src(%dma_wait3A_73 : memref<80x125xi32, #tpu.memory_space<hbm>>) dst(%arg10 : memref<80x125xi32, #tpu.memory_space<vmem>>)
    %barrier3A = arith.constant 0 : index
    tpu.barrier barrier_id(%barrier3A)
    %scan3A_74 = arith.constant 0 : i32
    %scan3A_75 = arith.constant 15 : i32
    %scan3A_76 = arith.addi %scan3A_74, %scan3A_75 : i32
    %scan3A_77 = arith.constant 1 : i32
    scf.for %scan3A_265 = %scan3A_74 to %scan3A_76 step %scan3A_77  : i32 {
      %mul3A_266 = arith.constant 5 : i32
      %mul3A_267 = arith.muli %scan3A_265, %mul3A_266 : i32
      %add3A_268 = arith.constant 0 : i32
      %add3A_269 = arith.addi %add3A_268, %mul3A_267 : i32
      %add3A_270 = arith.constant 0 : i32
      %add3A_271 = arith.addi %add3A_269, %add3A_270 : i32
      %dma_wait3A_272 = arith.constant 0 : i32
      %dma_wait3A_273 = tpu.memref_slice %arg9[%add3A_271, %dma_wait3A_272] : memref<80x125xi32, #tpu.memory_space<vmem>> -> memref<1x125xi32, #tpu.memory_space<vmem>>
      %dma_wait3A_274 = tpu.memref_squeeze %dma_wait3A_273 : memref<1x125xi32, #tpu.memory_space<vmem>> -> memref<125xi32, #tpu.memory_space<vmem>>
      %dma_wait3A_275 = arith.constant 0 : i32
      %dma_wait3A_276 = arith.constant 0 : i32
      %dma_wait3A_277 = tpu.memref_slice %arg2[%dma_wait3A_275, %dma_wait3A_276] : memref<10000x64xf32, #tpu.memory_space<hbm>> -> memref<10000x64xf32, #tpu.memory_space<hbm>>
      tpu.wait_indirect_dma semaphore(%arg19 : memref<!tpu.dma_semaphore, #tpu.memory_space<semaphore_mem>>) src(%dma_wait3A_277 : memref<10000x64xf32, #tpu.memory_space<hbm>>) dst(%arg11 : memref<125x64xf32, #tpu.memory_space<vmem>>)
      %dma_start3A_278 = arith.constant 0 : i32
      %dma_start3A_279 = tpu.memref_slice %arg10[%add3A_271, %dma_start3A_278] : memref<80x125xi32, #tpu.memory_space<vmem>> -> memref<1x125xi32, #tpu.memory_space<vmem>>
      %dma_start3A_280 = tpu.memref_squeeze %dma_start3A_279 : memref<1x125xi32, #tpu.memory_space<vmem>> -> memref<125xi32, #tpu.memory_space<vmem>>
      %dma_start3A_281 = arith.constant 0 : i32
      %dma_start3A_282 = arith.constant 0 : i32
      %dma_start3A_283 = tpu.memref_slice %arg7[%dma_start3A_281, %dma_start3A_282] : memref<10240x64xf32, #tpu.memory_space<vmem_shared>> -> memref<10240x64xf32, #tpu.memory_space<vmem_shared>>
      tpu.enqueue_indirect_dma source(%arg11 : memref<125x64xf32, #tpu.memory_space<vmem>>) target(%dma_start3A_283 : memref<10240x64xf32, #tpu.memory_space<vmem_shared>>) offsets(%dma_start3A_280 : memref<125xi32, #tpu.memory_space<vmem>>) semaphore(%arg24 : memref<!tpu.dma_semaphore, #tpu.memory_space<semaphore_mem>>) {add = true}
      %dma_start3A_284 = arith.constant 0 : i32
      %dma_start3A_285 = tpu.memref_slice %arg10[%add3A_271, %dma_start3A_284] : memref<80x125xi32, #tpu.memory_space<vmem>> -> memref<1x125xi32, #tpu.memory_space<vmem>>
      %dma_start3A_286 = tpu.memref_squeeze %dma_start3A_285 : memref<1x125xi32, #tpu.memory_space<vmem>> -> memref<125xi32, #tpu.memory_space<vmem>>
      %dma_start3A_287 = arith.constant 0 : i32
      %dma_start3A_288 = arith.constant 0 : i32
      %dma_start3A_289 = tpu.memref_slice %arg8[%dma_start3A_287, %dma_start3A_288] : memref<10240x16xf32, #tpu.memory_space<vmem_shared>> -> memref<10240x16xf32, #tpu.memory_space<vmem_shared>>
      tpu.enqueue_indirect_dma source(%arg17 : memref<125x16xf32, #tpu.memory_space<vmem>>) target(%dma_start3A_289 : memref<10240x16xf32, #tpu.memory_space<vmem_shared>>) offsets(%dma_start3A_286 : memref<125xi32, #tpu.memory_space<vmem>>) semaphore(%arg24 : memref<!tpu.dma_semaphore, #tpu.memory_space<semaphore_mem>>) {add = true}
      %dma_wait3A_290 = arith.constant 0 : i32
      %dma_wait3A_291 = tpu.memref_slice %arg10[%add3A_271, %dma_wait3A_290] : memref<80x125xi32, #tpu.memory_space<vmem>> -> memref<1x125xi32, #tpu.memory_space<vmem>>
      %dma_wait3A_292 = tpu.memref_squeeze %dma_wait3A_291 : memref<1x125xi32, #tpu.memory_space<vmem>> -> memref<125xi32, #tpu.memory_space<vmem>>
      %dma_wait3A_293 = arith.constant 0 : i32
      %dma_wait3A_294 = arith.constant 0 : i32
      %dma_wait3A_295 = tpu.memref_slice %arg7[%dma_wait3A_293, %dma_wait3A_294] : memref<10240x64xf32, #tpu.memory_space<vmem_shared>> -> memref<10240x64xf32, #tpu.memory_space<vmem_shared>>
      tpu.wait_indirect_dma semaphore(%arg24 : memref<!tpu.dma_semaphore, #tpu.memory_space<semaphore_mem>>) src(%arg11 : memref<125x64xf32, #tpu.memory_space<vmem>>) dst(%dma_wait3A_295 : memref<10240x64xf32, #tpu.memory_space<vmem_shared>>)
      %add3A_296 = arith.constant 5 : i32
      %add3A_297 = arith.addi %add3A_271, %add3A_296 : i32
      %dma_start3A_298 = arith.constant 0 : i32
      %dma_start3A_299 = tpu.memref_slice %arg9[%add3A_297, %dma_start3A_298] : memref<80x125xi32, #tpu.memory_space<vmem>> -> memref<1x125xi32, #tpu.memory_space<vmem>>
      %dma_start3A_300 = tpu.memref_squeeze %dma_start3A_299 : memref<1x125xi32, #tpu.memory_space<vmem>> -> memref<125xi32, #tpu.memory_space<vmem>>
      %dma_start3A_301 = arith.constant 0 : i32
      %dma_start3A_302 = arith.constant 0 : i32
      %dma_start3A_303 = tpu.memref_slice %arg2[%dma_start3A_301, %dma_start3A_302] : memref<10000x64xf32, #tpu.memory_space<hbm>> -> memref<10000x64xf32, #tpu.memory_space<hbm>>
      tpu.enqueue_indirect_dma source(%dma_start3A_303 : memref<10000x64xf32, #tpu.memory_space<hbm>>) target(%arg11 : memref<125x64xf32, #tpu.memory_space<vmem>>) offsets(%dma_start3A_300 : memref<125xi32, #tpu.memory_space<vmem>>) semaphore(%arg19 : memref<!tpu.dma_semaphore, #tpu.memory_space<semaphore_mem>>)
      %dma_wait3A_304 = arith.constant 0 : i32
      %dma_wait3A_305 = tpu.memref_slice %arg10[%add3A_271, %dma_wait3A_304] : memref<80x125xi32, #tpu.memory_space<vmem>> -> memref<1x125xi32, #tpu.memory_space<vmem>>
      %dma_wait3A_306 = tpu.memref_squeeze %dma_wait3A_305 : memref<1x125xi32, #tpu.memory_space<vmem>> -> memref<125xi32, #tpu.memory_space<vmem>>
      %dma_wait3A_307 = arith.constant 0 : i32
      %dma_wait3A_308 = arith.constant 0 : i32
      %dma_wait3A_309 = tpu.memref_slice %arg8[%dma_wait3A_307, %dma_wait3A_308] : memref<10240x16xf32, #tpu.memory_space<vmem_shared>> -> memref<10240x16xf32, #tpu.memory_space<vmem_shared>>
      tpu.wait_indirect_dma semaphore(%arg24 : memref<!tpu.dma_semaphore, #tpu.memory_space<semaphore_mem>>) src(%arg17 : memref<125x16xf32, #tpu.memory_space<vmem>>) dst(%dma_wait3A_309 : memref<10240x16xf32, #tpu.memory_space<vmem_shared>>)
      %add3A_310 = arith.constant 1 : i32
      %add3A_311 = arith.addi %add3A_269, %add3A_310 : i32
      %dma_wait3A_312 = arith.constant 0 : i32
      %dma_wait3A_313 = tpu.memref_slice %arg9[%add3A_311, %dma_wait3A_312] : memref<80x125xi32, #tpu.memory_space<vmem>> -> memref<1x125xi32, #tpu.memory_space<vmem>>
      %dma_wait3A_314 = tpu.memref_squeeze %dma_wait3A_313 : memref<1x125xi32, #tpu.memory_space<vmem>> -> memref<125xi32, #tpu.memory_space<vmem>>
      %dma_wait3A_315 = arith.constant 0 : i32
      %dma_wait3A_316 = arith.constant 0 : i32
      %dma_wait3A_317 = tpu.memref_slice %arg2[%dma_wait3A_315, %dma_wait3A_316] : memref<10000x64xf32, #tpu.memory_space<hbm>> -> memref<10000x64xf32, #tpu.memory_space<hbm>>
      tpu.wait_indirect_dma semaphore(%arg20 : memref<!tpu.dma_semaphore, #tpu.memory_space<semaphore_mem>>) src(%dma_wait3A_317 : memref<10000x64xf32, #tpu.memory_space<hbm>>) dst(%arg12 : memref<125x64xf32, #tpu.memory_space<vmem>>)
      %dma_start3A_318 = arith.constant 0 : i32
      %dma_start3A_319 = tpu.memref_slice %arg10[%add3A_311, %dma_start3A_318] : memref<80x125xi32, #tpu.memory_space<vmem>> -> memref<1x125xi32, #tpu.memory_space<vmem>>
      %dma_start3A_320 = tpu.memref_squeeze %dma_start3A_319 : memref<1x125xi32, #tpu.memory_space<vmem>> -> memref<125xi32, #tpu.memory_space<vmem>>
      %dma_start3A_321 = arith.constant 0 : i32
      %dma_start3A_322 = arith.constant 0 : i32
      %dma_start3A_323 = tpu.memref_slice %arg7[%dma_start3A_321, %dma_start3A_322] : memref<10240x64xf32, #tpu.memory_space<vmem_shared>> -> memref<10240x64xf32, #tpu.memory_space<vmem_shared>>
      tpu.enqueue_indirect_dma source(%arg12 : memref<125x64xf32, #tpu.memory_space<vmem>>) target(%dma_start3A_323 : memref<10240x64xf32, #tpu.memory_space<vmem_shared>>) offsets(%dma_start3A_320 : memref<125xi32, #tpu.memory_space<vmem>>) semaphore(%arg25 : memref<!tpu.dma_semaphore, #tpu.memory_space<semaphore_mem>>) {add = true}
      %dma_start3A_324 = arith.constant 0 : i32
      %dma_start3A_325 = tpu.memref_slice %arg10[%add3A_311, %dma_start3A_324] : memref<80x125xi32, #tpu.memory_space<vmem>> -> memref<1x125xi32, #tpu.memory_space<vmem>>
      %dma_start3A_326 = tpu.memref_squeeze %dma_start3A_325 : memref<1x125xi32, #tpu.memory_space<vmem>> -> memref<125xi32, #tpu.memory_space<vmem>>
      %dma_start3A_327 = arith.constant 0 : i32
      %dma_start3A_328 = arith.constant 0 : i32
      %dma_start3A_329 = tpu.memref_slice %arg8[%dma_start3A_327, %dma_start3A_328] : memref<10240x16xf32, #tpu.memory_space<vmem_shared>> -> memref<10240x16xf32, #tpu.memory_space<vmem_shared>>
      tpu.enqueue_indirect_dma source(%arg17 : memref<125x16xf32, #tpu.memory_space<vmem>>) target(%dma_start3A_329 : memref<10240x16xf32, #tpu.memory_space<vmem_shared>>) offsets(%dma_start3A_326 : memref<125xi32, #tpu.memory_space<vmem>>) semaphore(%arg25 : memref<!tpu.dma_semaphore, #tpu.memory_space<semaphore_mem>>) {add = true}
      %dma_wait3A_330 = arith.constant 0 : i32
      %dma_wait3A_331 = tpu.memref_slice %arg10[%add3A_311, %dma_wait3A_330] : memref<80x125xi32, #tpu.memory_space<vmem>> -> memref<1x125xi32, #tpu.memory_space<vmem>>
      %dma_wait3A_332 = tpu.memref_squeeze %dma_wait3A_331 : memref<1x125xi32, #tpu.memory_space<vmem>> -> memref<125xi32, #tpu.memory_space<vmem>>
      %dma_wait3A_333 = arith.constant 0 : i32
      %dma_wait3A_334 = arith.constant 0 : i32
      %dma_wait3A_335 = tpu.memref_slice %arg7[%dma_wait3A_333, %dma_wait3A_334] : memref<10240x64xf32, #tpu.memory_space<vmem_shared>> -> memref<10240x64xf32, #tpu.memory_space<vmem_shared>>
      tpu.wait_indirect_dma semaphore(%arg25 : memref<!tpu.dma_semaphore, #tpu.memory_space<semaphore_mem>>) src(%arg12 : memref<125x64xf32, #tpu.memory_space<vmem>>) dst(%dma_wait3A_335 : memref<10240x64xf32, #tpu.memory_space<vmem_shared>>)
      %add3A_336 = arith.constant 5 : i32
      %add3A_337 = arith.addi %add3A_311, %add3A_336 : i32
      %dma_start3A_338 = arith.constant 0 : i32
      %dma_start3A_339 = tpu.memref_slice %arg9[%add3A_337, %dma_start3A_338] : memref<80x125xi32, #tpu.memory_space<vmem>> -> memref<1x125xi32, #tpu.memory_space<vmem>>
      %dma_start3A_340 = tpu.memref_squeeze %dma_start3A_339 : memref<1x125xi32, #tpu.memory_space<vmem>> -> memref<125xi32, #tpu.memory_space<vmem>>
      %dma_start3A_341 = arith.constant 0 : i32
      %dma_start3A_342 = arith.constant 0 : i32
      %dma_start3A_343 = tpu.memref_slice %arg2[%dma_start3A_341, %dma_start3A_342] : memref<10000x64xf32, #tpu.memory_space<hbm>> -> memref<10000x64xf32, #tpu.memory_space<hbm>>
      tpu.enqueue_indirect_dma source(%dma_start3A_343 : memref<10000x64xf32, #tpu.memory_space<hbm>>) target(%arg12 : memref<125x64xf32, #tpu.memory_space<vmem>>) offsets(%dma_start3A_340 : memref<125xi32, #tpu.memory_space<vmem>>) semaphore(%arg20 : memref<!tpu.dma_semaphore, #tpu.memory_space<semaphore_mem>>)
      %dma_wait3A_344 = arith.constant 0 : i32
      %dma_wait3A_345 = tpu.memref_slice %arg10[%add3A_311, %dma_wait3A_344] : memref<80x125xi32, #tpu.memory_space<vmem>> -> memref<1x125xi32, #tpu.memory_space<vmem>>
      %dma_wait3A_346 = tpu.memref_squeeze %dma_wait3A_345 : memref<1x125xi32, #tpu.memory_space<vmem>> -> memref<125xi32, #tpu.memory_space<vmem>>
      %dma_wait3A_347 = arith.constant 0 : i32
      %dma_wait3A_348 = arith.constant 0 : i32
      %dma_wait3A_349 = tpu.memref_slice %arg8[%dma_wait3A_347, %dma_wait3A_348] : memref<10240x16xf32, #tpu.memory_space<vmem_shared>> -> memref<10240x16xf32, #tpu.memory_space<vmem_shared>>
      tpu.wait_indirect_dma semaphore(%arg25 : memref<!tpu.dma_semaphore, #tpu.memory_space<semaphore_mem>>) src(%arg17 : memref<125x16xf32, #tpu.memory_space<vmem>>) dst(%dma_wait3A_349 : memref<10240x16xf32, #tpu.memory_space<vmem_shared>>)
      %add3A_350 = arith.constant 2 : i32
      %add3A_351 = arith.addi %add3A_269, %add3A_350 : i32
      %dma_wait3A_352 = arith.constant 0 : i32
      %dma_wait3A_353 = tpu.memref_slice %arg9[%add3A_351, %dma_wait3A_352] : memref<80x125xi32, #tpu.memory_space<vmem>> -> memref<1x125xi32, #tpu.memory_space<vmem>>
      %dma_wait3A_354 = tpu.memref_squeeze %dma_wait3A_353 : memref<1x125xi32, #tpu.memory_space<vmem>> -> memref<125xi32, #tpu.memory_space<vmem>>
      %dma_wait3A_355 = arith.constant 0 : i32
      %dma_wait3A_356 = arith.constant 0 : i32
      %dma_wait3A_357 = tpu.memref_slice %arg2[%dma_wait3A_355, %dma_wait3A_356] : memref<10000x64xf32, #tpu.memory_space<hbm>> -> memref<10000x64xf32, #tpu.memory_space<hbm>>
      tpu.wait_indirect_dma semaphore(%arg21 : memref<!tpu.dma_semaphore, #tpu.memory_space<semaphore_mem>>) src(%dma_wait3A_357 : memref<10000x64xf32, #tpu.memory_space<hbm>>) dst(%arg13 : memref<125x64xf32, #tpu.memory_space<vmem>>)
      %dma_start3A_358 = arith.constant 0 : i32
      %dma_start3A_359 = tpu.memref_slice %arg10[%add3A_351, %dma_start3A_358] : memref<80x125xi32, #tpu.memory_space<vmem>> -> memref<1x125xi32, #tpu.memory_space<vmem>>
      %dma_start3A_360 = tpu.memref_squeeze %dma_start3A_359 : memref<1x125xi32, #tpu.memory_space<vmem>> -> memref<125xi32, #tpu.memory_space<vmem>>
      %dma_start3A_361 = arith.constant 0 : i32
      %dma_start3A_362 = arith.constant 0 : i32
      %dma_start3A_363 = tpu.memref_slice %arg7[%dma_start3A_361, %dma_start3A_362] : memref<10240x64xf32, #tpu.memory_space<vmem_shared>> -> memref<10240x64xf32, #tpu.memory_space<vmem_shared>>
      tpu.enqueue_indirect_dma source(%arg13 : memref<125x64xf32, #tpu.memory_space<vmem>>) target(%dma_start3A_363 : memref<10240x64xf32, #tpu.memory_space<vmem_shared>>) offsets(%dma_start3A_360 : memref<125xi32, #tpu.memory_space<vmem>>) semaphore(%arg26 : memref<!tpu.dma_semaphore, #tpu.memory_space<semaphore_mem>>) {add = true}
      %dma_start3A_364 = arith.constant 0 : i32
      %dma_start3A_365 = tpu.memref_slice %arg10[%add3A_351, %dma_start3A_364] : memref<80x125xi32, #tpu.memory_space<vmem>> -> memref<1x125xi32, #tpu.memory_space<vmem>>
      %dma_start3A_366 = tpu.memref_squeeze %dma_start3A_365 : memref<1x125xi32, #tpu.memory_space<vmem>> -> memref<125xi32, #tpu.memory_space<vmem>>
      %dma_start3A_367 = arith.constant 0 : i32
      %dma_start3A_368 = arith.constant 0 : i32
      %dma_start3A_369 = tpu.memref_slice %arg8[%dma_start3A_367, %dma_start3A_368] : memref<10240x16xf32, #tpu.memory_space<vmem_shared>> -> memref<10240x16xf32, #tpu.memory_space<vmem_shared>>
      tpu.enqueue_indirect_dma source(%arg17 : memref<125x16xf32, #tpu.memory_space<vmem>>) target(%dma_start3A_369 : memref<10240x16xf32, #tpu.memory_space<vmem_shared>>) offsets(%dma_start3A_366 : memref<125xi32, #tpu.memory_space<vmem>>) semaphore(%arg26 : memref<!tpu.dma_semaphore, #tpu.memory_space<semaphore_mem>>) {add = true}
      %dma_wait3A_370 = arith.constant 0 : i32
      %dma_wait3A_371 = tpu.memref_slice %arg10[%add3A_351, %dma_wait3A_370] : memref<80x125xi32, #tpu.memory_space<vmem>> -> memref<1x125xi32, #tpu.memory_space<vmem>>
      %dma_wait3A_372 = tpu.memref_squeeze %dma_wait3A_371 : memref<1x125xi32, #tpu.memory_space<vmem>> -> memref<125xi32, #tpu.memory_space<vmem>>
      %dma_wait3A_373 = arith.constant 0 : i32
      %dma_wait3A_374 = arith.constant 0 : i32
      %dma_wait3A_375 = tpu.memref_slice %arg7[%dma_wait3A_373, %dma_wait3A_374] : memref<10240x64xf32, #tpu.memory_space<vmem_shared>> -> memref<10240x64xf32, #tpu.memory_space<vmem_shared>>
      tpu.wait_indirect_dma semaphore(%arg26 : memref<!tpu.dma_semaphore, #tpu.memory_space<semaphore_mem>>) src(%arg13 : memref<125x64xf32, #tpu.memory_space<vmem>>) dst(%dma_wait3A_375 : memref<10240x64xf32, #tpu.memory_space<vmem_shared>>)
      %add3A_376 = arith.constant 5 : i32
      %add3A_377 = arith.addi %add3A_351, %add3A_376 : i32
      %dma_start3A_378 = arith.constant 0 : i32
      %dma_start3A_379 = tpu.memref_slice %arg9[%add3A_377, %dma_start3A_378] : memref<80x125xi32, #tpu.memory_space<vmem>> -> memref<1x125xi32, #tpu.memory_space<vmem>>
      %dma_start3A_380 = tpu.memref_squeeze %dma_start3A_379 : memref<1x125xi32, #tpu.memory_space<vmem>> -> memref<125xi32, #tpu.memory_space<vmem>>
      %dma_start3A_381 = arith.constant 0 : i32
      %dma_start3A_382 = arith.constant 0 : i32
      %dma_start3A_383 = tpu.memref_slice %arg2[%dma_start3A_381, %dma_start3A_382] : memref<10000x64xf32, #tpu.memory_space<hbm>> -> memref<10000x64xf32, #tpu.memory_space<hbm>>
      tpu.enqueue_indirect_dma source(%dma_start3A_383 : memref<10000x64xf32, #tpu.memory_space<hbm>>) target(%arg13 : memref<125x64xf32, #tpu.memory_space<vmem>>) offsets(%dma_start3A_380 : memref<125xi32, #tpu.memory_space<vmem>>) semaphore(%arg21 : memref<!tpu.dma_semaphore, #tpu.memory_space<semaphore_mem>>)
      %dma_wait3A_384 = arith.constant 0 : i32
      %dma_wait3A_385 = tpu.memref_slice %arg10[%add3A_351, %dma_wait3A_384] : memref<80x125xi32, #tpu.memory_space<vmem>> -> memref<1x125xi32, #tpu.memory_space<vmem>>
      %dma_wait3A_386 = tpu.memref_squeeze %dma_wait3A_385 : memref<1x125xi32, #tpu.memory_space<vmem>> -> memref<125xi32, #tpu.memory_space<vmem>>
      %dma_wait3A_387 = arith.constant 0 : i32
      %dma_wait3A_388 = arith.constant 0 : i32
      %dma_wait3A_389 = tpu.memref_slice %arg8[%dma_wait3A_387, %dma_wait3A_388] : memref<10240x16xf32, #tpu.memory_space<vmem_shared>> -> memref<10240x16xf32, #tpu.memory_space<vmem_shared>>
      tpu.wait_indirect_dma semaphore(%arg26 : memref<!tpu.dma_semaphore, #tpu.memory_space<semaphore_mem>>) src(%arg17 : memref<125x16xf32, #tpu.memory_space<vmem>>) dst(%dma_wait3A_389 : memref<10240x16xf32, #tpu.memory_space<vmem_shared>>)
      %add3A_390 = arith.constant 3 : i32
      %add3A_391 = arith.addi %add3A_269, %add3A_390 : i32
      %dma_wait3A_392 = arith.constant 0 : i32
      %dma_wait3A_393 = tpu.memref_slice %arg9[%add3A_391, %dma_wait3A_392] : memref<80x125xi32, #tpu.memory_space<vmem>> -> memref<1x125xi32, #tpu.memory_space<vmem>>
      %dma_wait3A_394 = tpu.memref_squeeze %dma_wait3A_393 : memref<1x125xi32, #tpu.memory_space<vmem>> -> memref<125xi32, #tpu.memory_space<vmem>>
      %dma_wait3A_395 = arith.constant 0 : i32
      %dma_wait3A_396 = arith.constant 0 : i32
      %dma_wait3A_397 = tpu.memref_slice %arg2[%dma_wait3A_395, %dma_wait3A_396] : memref<10000x64xf32, #tpu.memory_space<hbm>> -> memref<10000x64xf32, #tpu.memory_space<hbm>>
      tpu.wait_indirect_dma semaphore(%arg22 : memref<!tpu.dma_semaphore, #tpu.memory_space<semaphore_mem>>) src(%dma_wait3A_397 : memref<10000x64xf32, #tpu.memory_space<hbm>>) dst(%arg14 : memref<125x64xf32, #tpu.memory_space<vmem>>)
      %dma_start3A_398 = arith.constant 0 : i32
      %dma_start3A_399 = tpu.memref_slice %arg10[%add3A_391, %dma_start3A_398] : memref<80x125xi32, #tpu.memory_space<vmem>> -> memref<1x125xi32, #tpu.memory_space<vmem>>
      %dma_start3A_400 = tpu.memref_squeeze %dma_start3A_399 : memref<1x125xi32, #tpu.memory_space<vmem>> -> memref<125xi32, #tpu.memory_space<vmem>>
      %dma_start3A_401 = arith.constant 0 : i32
      %dma_start3A_402 = arith.constant 0 : i32
      %dma_start3A_403 = tpu.memref_slice %arg7[%dma_start3A_401, %dma_start3A_402] : memref<10240x64xf32, #tpu.memory_space<vmem_shared>> -> memref<10240x64xf32, #tpu.memory_space<vmem_shared>>
      tpu.enqueue_indirect_dma source(%arg14 : memref<125x64xf32, #tpu.memory_space<vmem>>) target(%dma_start3A_403 : memref<10240x64xf32, #tpu.memory_space<vmem_shared>>) offsets(%dma_start3A_400 : memref<125xi32, #tpu.memory_space<vmem>>) semaphore(%arg27 : memref<!tpu.dma_semaphore, #tpu.memory_space<semaphore_mem>>) {add = true}
      %dma_start3A_404 = arith.constant 0 : i32
      %dma_start3A_405 = tpu.memref_slice %arg10[%add3A_391, %dma_start3A_404] : memref<80x125xi32, #tpu.memory_space<vmem>> -> memref<1x125xi32, #tpu.memory_space<vmem>>
      %dma_start3A_406 = tpu.memref_squeeze %dma_start3A_405 : memref<1x125xi32, #tpu.memory_space<vmem>> -> memref<125xi32, #tpu.memory_space<vmem>>
      %dma_start3A_407 = arith.constant 0 : i32
      %dma_start3A_408 = arith.constant 0 : i32
      %dma_start3A_409 = tpu.memref_slice %arg8[%dma_start3A_407, %dma_start3A_408] : memref<10240x16xf32, #tpu.memory_space<vmem_shared>> -> memref<10240x16xf32, #tpu.memory_space<vmem_shared>>
      tpu.enqueue_indirect_dma source(%arg17 : memref<125x16xf32, #tpu.memory_space<vmem>>) target(%dma_start3A_409 : memref<10240x16xf32, #tpu.memory_space<vmem_shared>>) offsets(%dma_start3A_406 : memref<125xi32, #tpu.memory_space<vmem>>) semaphore(%arg27 : memref<!tpu.dma_semaphore, #tpu.memory_space<semaphore_mem>>) {add = true}
      %dma_wait3A_410 = arith.constant 0 : i32
      %dma_wait3A_411 = tpu.memref_slice %arg10[%add3A_391, %dma_wait3A_410] : memref<80x125xi32, #tpu.memory_space<vmem>> -> memref<1x125xi32, #tpu.memory_space<vmem>>
      %dma_wait3A_412 = tpu.memref_squeeze %dma_wait3A_411 : memref<1x125xi32, #tpu.memory_space<vmem>> -> memref<125xi32, #tpu.memory_space<vmem>>
      %dma_wait3A_413 = arith.constant 0 : i32
      %dma_wait3A_414 = arith.constant 0 : i32
      %dma_wait3A_415 = tpu.memref_slice %arg7[%dma_wait3A_413, %dma_wait3A_414] : memref<10240x64xf32, #tpu.memory_space<vmem_shared>> -> memref<10240x64xf32, #tpu.memory_space<vmem_shared>>
      tpu.wait_indirect_dma semaphore(%arg27 : memref<!tpu.dma_semaphore, #tpu.memory_space<semaphore_mem>>) src(%arg14 : memref<125x64xf32, #tpu.memory_space<vmem>>) dst(%dma_wait3A_415 : memref<10240x64xf32, #tpu.memory_space<vmem_shared>>)
      %add3A_416 = arith.constant 5 : i32
      %add3A_417 = arith.addi %add3A_391, %add3A_416 : i32
      %dma_start3A_418 = arith.constant 0 : i32
      %dma_start3A_419 = tpu.memref_slice %arg9[%add3A_417, %dma_start3A_418] : memref<80x125xi32, #tpu.memory_space<vmem>> -> memref<1x125xi32, #tpu.memory_space<vmem>>
      %dma_start3A_420 = tpu.memref_squeeze %dma_start3A_419 : memref<1x125xi32, #tpu.memory_space<vmem>> -> memref<125xi32, #tpu.memory_space<vmem>>
      %dma_start3A_421 = arith.constant 0 : i32
      %dma_start3A_422 = arith.constant 0 : i32
      %dma_start3A_423 = tpu.memref_slice %arg2[%dma_start3A_421, %dma_start3A_422] : memref<10000x64xf32, #tpu.memory_space<hbm>> -> memref<10000x64xf32, #tpu.memory_space<hbm>>
      tpu.enqueue_indirect_dma source(%dma_start3A_423 : memref<10000x64xf32, #tpu.memory_space<hbm>>) target(%arg14 : memref<125x64xf32, #tpu.memory_space<vmem>>) offsets(%dma_start3A_420 : memref<125xi32, #tpu.memory_space<vmem>>) semaphore(%arg22 : memref<!tpu.dma_semaphore, #tpu.memory_space<semaphore_mem>>)
      %dma_wait3A_424 = arith.constant 0 : i32
      %dma_wait3A_425 = tpu.memref_slice %arg10[%add3A_391, %dma_wait3A_424] : memref<80x125xi32, #tpu.memory_space<vmem>> -> memref<1x125xi32, #tpu.memory_space<vmem>>
      %dma_wait3A_426 = tpu.memref_squeeze %dma_wait3A_425 : memref<1x125xi32, #tpu.memory_space<vmem>> -> memref<125xi32, #tpu.memory_space<vmem>>
      %dma_wait3A_427 = arith.constant 0 : i32
      %dma_wait3A_428 = arith.constant 0 : i32
      %dma_wait3A_429 = tpu.memref_slice %arg8[%dma_wait3A_427, %dma_wait3A_428] : memref<10240x16xf32, #tpu.memory_space<vmem_shared>> -> memref<10240x16xf32, #tpu.memory_space<vmem_shared>>
      tpu.wait_indirect_dma semaphore(%arg27 : memref<!tpu.dma_semaphore, #tpu.memory_space<semaphore_mem>>) src(%arg17 : memref<125x16xf32, #tpu.memory_space<vmem>>) dst(%dma_wait3A_429 : memref<10240x16xf32, #tpu.memory_space<vmem_shared>>)
      %add3A_430 = arith.constant 4 : i32
      %add3A_431 = arith.addi %add3A_269, %add3A_430 : i32
      %dma_wait3A_432 = arith.constant 0 : i32
      %dma_wait3A_433 = tpu.memref_slice %arg9[%add3A_431, %dma_wait3A_432] : memref<80x125xi32, #tpu.memory_space<vmem>> -> memref<1x125xi32, #tpu.memory_space<vmem>>
      %dma_wait3A_434 = tpu.memref_squeeze %dma_wait3A_433 : memref<1x125xi32, #tpu.memory_space<vmem>> -> memref<125xi32, #tpu.memory_space<vmem>>
      %dma_wait3A_435 = arith.constant 0 : i32
      %dma_wait3A_436 = arith.constant 0 : i32
      %dma_wait3A_437 = tpu.memref_slice %arg2[%dma_wait3A_435, %dma_wait3A_436] : memref<10000x64xf32, #tpu.memory_space<hbm>> -> memref<10000x64xf32, #tpu.memory_space<hbm>>
      tpu.wait_indirect_dma semaphore(%arg23 : memref<!tpu.dma_semaphore, #tpu.memory_space<semaphore_mem>>) src(%dma_wait3A_437 : memref<10000x64xf32, #tpu.memory_space<hbm>>) dst(%arg15 : memref<125x64xf32, #tpu.memory_space<vmem>>)
      %dma_start3A_438 = arith.constant 0 : i32
      %dma_start3A_439 = tpu.memref_slice %arg10[%add3A_431, %dma_start3A_438] : memref<80x125xi32, #tpu.memory_space<vmem>> -> memref<1x125xi32, #tpu.memory_space<vmem>>
      %dma_start3A_440 = tpu.memref_squeeze %dma_start3A_439 : memref<1x125xi32, #tpu.memory_space<vmem>> -> memref<125xi32, #tpu.memory_space<vmem>>
      %dma_start3A_441 = arith.constant 0 : i32
      %dma_start3A_442 = arith.constant 0 : i32
      %dma_start3A_443 = tpu.memref_slice %arg7[%dma_start3A_441, %dma_start3A_442] : memref<10240x64xf32, #tpu.memory_space<vmem_shared>> -> memref<10240x64xf32, #tpu.memory_space<vmem_shared>>
      tpu.enqueue_indirect_dma source(%arg15 : memref<125x64xf32, #tpu.memory_space<vmem>>) target(%dma_start3A_443 : memref<10240x64xf32, #tpu.memory_space<vmem_shared>>) offsets(%dma_start3A_440 : memref<125xi32, #tpu.memory_space<vmem>>) semaphore(%arg28 : memref<!tpu.dma_semaphore, #tpu.memory_space<semaphore_mem>>) {add = true}
      %dma_start3A_444 = arith.constant 0 : i32
      %dma_start3A_445 = tpu.memref_slice %arg10[%add3A_431, %dma_start3A_444] : memref<80x125xi32, #tpu.memory_space<vmem>> -> memref<1x125xi32, #tpu.memory_space<vmem>>
      %dma_start3A_446 = tpu.memref_squeeze %dma_start3A_445 : memref<1x125xi32, #tpu.memory_space<vmem>> -> memref<125xi32, #tpu.memory_space<vmem>>
      %dma_start3A_447 = arith.constant 0 : i32
      %dma_start3A_448 = arith.constant 0 : i32
      %dma_start3A_449 = tpu.memref_slice %arg8[%dma_start3A_447, %dma_start3A_448] : memref<10240x16xf32, #tpu.memory_space<vmem_shared>> -> memref<10240x16xf32, #tpu.memory_space<vmem_shared>>
      tpu.enqueue_indirect_dma source(%arg17 : memref<125x16xf32, #tpu.memory_space<vmem>>) target(%dma_start3A_449 : memref<10240x16xf32, #tpu.memory_space<vmem_shared>>) offsets(%dma_start3A_446 : memref<125xi32, #tpu.memory_space<vmem>>) semaphore(%arg28 : memref<!tpu.dma_semaphore, #tpu.memory_space<semaphore_mem>>) {add = true}
      %dma_wait3A_450 = arith.constant 0 : i32
      %dma_wait3A_451 = tpu.memref_slice %arg10[%add3A_431, %dma_wait3A_450] : memref<80x125xi32, #tpu.memory_space<vmem>> -> memref<1x125xi32, #tpu.memory_space<vmem>>
      %dma_wait3A_452 = tpu.memref_squeeze %dma_wait3A_451 : memref<1x125xi32, #tpu.memory_space<vmem>> -> memref<125xi32, #tpu.memory_space<vmem>>
      %dma_wait3A_453 = arith.constant 0 : i32
      %dma_wait3A_454 = arith.constant 0 : i32
      %dma_wait3A_455 = tpu.memref_slice %arg7[%dma_wait3A_453, %dma_wait3A_454] : memref<10240x64xf32, #tpu.memory_space<vmem_shared>> -> memref<10240x64xf32, #tpu.memory_space<vmem_shared>>
      tpu.wait_indirect_dma semaphore(%arg28 : memref<!tpu.dma_semaphore, #tpu.memory_space<semaphore_mem>>) src(%arg15 : memref<125x64xf32, #tpu.memory_space<vmem>>) dst(%dma_wait3A_455 : memref<10240x64xf32, #tpu.memory_space<vmem_shared>>)
      %add3A_456 = arith.constant 5 : i32
      %add3A_457 = arith.addi %add3A_431, %add3A_456 : i32
      %dma_start3A_458 = arith.constant 0 : i32
      %dma_start3A_459 = tpu.memref_slice %arg9[%add3A_457, %dma_start3A_458] : memref<80x125xi32, #tpu.memory_space<vmem>> -> memref<1x125xi32, #tpu.memory_space<vmem>>
      %dma_start3A_460 = tpu.memref_squeeze %dma_start3A_459 : memref<1x125xi32, #tpu.memory_space<vmem>> -> memref<125xi32, #tpu.memory_space<vmem>>
      %dma_start3A_461 = arith.constant 0 : i32
      %dma_start3A_462 = arith.constant 0 : i32
      %dma_start3A_463 = tpu.memref_slice %arg2[%dma_start3A_461, %dma_start3A_462] : memref<10000x64xf32, #tpu.memory_space<hbm>> -> memref<10000x64xf32, #tpu.memory_space<hbm>>
      tpu.enqueue_indirect_dma source(%dma_start3A_463 : memref<10000x64xf32, #tpu.memory_space<hbm>>) target(%arg15 : memref<125x64xf32, #tpu.memory_space<vmem>>) offsets(%dma_start3A_460 : memref<125xi32, #tpu.memory_space<vmem>>) semaphore(%arg23 : memref<!tpu.dma_semaphore, #tpu.memory_space<semaphore_mem>>)
      %dma_wait3A_464 = arith.constant 0 : i32
      %dma_wait3A_465 = tpu.memref_slice %arg10[%add3A_431, %dma_wait3A_464] : memref<80x125xi32, #tpu.memory_space<vmem>> -> memref<1x125xi32, #tpu.memory_space<vmem>>
      %dma_wait3A_466 = tpu.memref_squeeze %dma_wait3A_465 : memref<1x125xi32, #tpu.memory_space<vmem>> -> memref<125xi32, #tpu.memory_space<vmem>>
      %dma_wait3A_467 = arith.constant 0 : i32
      %dma_wait3A_468 = arith.constant 0 : i32
      %dma_wait3A_469 = tpu.memref_slice %arg8[%dma_wait3A_467, %dma_wait3A_468] : memref<10240x16xf32, #tpu.memory_space<vmem_shared>> -> memref<10240x16xf32, #tpu.memory_space<vmem_shared>>
      tpu.wait_indirect_dma semaphore(%arg28 : memref<!tpu.dma_semaphore, #tpu.memory_space<semaphore_mem>>) src(%arg17 : memref<125x16xf32, #tpu.memory_space<vmem>>) dst(%dma_wait3A_469 : memref<10240x16xf32, #tpu.memory_space<vmem_shared>>)
    }
    %scan3A_78 = arith.constant 15 : i32
    %dma_wait3A_79 = arith.constant 75 : i32
    %dma_wait3A_80 = arith.constant 0 : i32
    %dma_wait3A_81 = tpu.memref_slice %arg9[%dma_wait3A_79, %dma_wait3A_80] : memref<80x125xi32, #tpu.memory_space<vmem>> -> memref<1x125xi32, #tpu.memory_space<vmem>>
    %dma_wait3A_82 = tpu.memref_squeeze %dma_wait3A_81 : memref<1x125xi32, #tpu.memory_space<vmem>> -> memref<125xi32, #tpu.memory_space<vmem>>
    %dma_wait3A_83 = arith.constant 0 : i32
    %dma_wait3A_84 = arith.constant 0 : i32
    %dma_wait3A_85 = tpu.memref_slice %arg2[%dma_wait3A_83, %dma_wait3A_84] : memref<10000x64xf32, #tpu.memory_space<hbm>> -> memref<10000x64xf32, #tpu.memory_space<hbm>>
    tpu.wait_indirect_dma semaphore(%arg19 : memref<!tpu.dma_semaphore, #tpu.memory_space<semaphore_mem>>) src(%dma_wait3A_85 : memref<10000x64xf32, #tpu.memory_space<hbm>>) dst(%arg11 : memref<125x64xf32, #tpu.memory_space<vmem>>)
    %dma_start3A_86 = arith.constant 75 : i32
    %dma_start3A_87 = arith.constant 0 : i32
    %dma_start3A_88 = tpu.memref_slice %arg10[%dma_start3A_86, %dma_start3A_87] : memref<80x125xi32, #tpu.memory_space<vmem>> -> memref<1x125xi32, #tpu.memory_space<vmem>>
    %dma_start3A_89 = tpu.memref_squeeze %dma_start3A_88 : memref<1x125xi32, #tpu.memory_space<vmem>> -> memref<125xi32, #tpu.memory_space<vmem>>
    %dma_start3A_90 = arith.constant 0 : i32
    %dma_start3A_91 = arith.constant 0 : i32
    %dma_start3A_92 = tpu.memref_slice %arg7[%dma_start3A_90, %dma_start3A_91] : memref<10240x64xf32, #tpu.memory_space<vmem_shared>> -> memref<10240x64xf32, #tpu.memory_space<vmem_shared>>
    tpu.enqueue_indirect_dma source(%arg11 : memref<125x64xf32, #tpu.memory_space<vmem>>) target(%dma_start3A_92 : memref<10240x64xf32, #tpu.memory_space<vmem_shared>>) offsets(%dma_start3A_89 : memref<125xi32, #tpu.memory_space<vmem>>) semaphore(%arg24 : memref<!tpu.dma_semaphore, #tpu.memory_space<semaphore_mem>>) {add = true}
    %dma_start3A_93 = arith.constant 75 : i32
    %dma_start3A_94 = arith.constant 0 : i32
    %dma_start3A_95 = tpu.memref_slice %arg10[%dma_start3A_93, %dma_start3A_94] : memref<80x125xi32, #tpu.memory_space<vmem>> -> memref<1x125xi32, #tpu.memory_space<vmem>>
    %dma_start3A_96 = tpu.memref_squeeze %dma_start3A_95 : memref<1x125xi32, #tpu.memory_space<vmem>> -> memref<125xi32, #tpu.memory_space<vmem>>
    %dma_start3A_97 = arith.constant 0 : i32
    %dma_start3A_98 = arith.constant 0 : i32
    %dma_start3A_99 = tpu.memref_slice %arg8[%dma_start3A_97, %dma_start3A_98] : memref<10240x16xf32, #tpu.memory_space<vmem_shared>> -> memref<10240x16xf32, #tpu.memory_space<vmem_shared>>
    tpu.enqueue_indirect_dma source(%arg17 : memref<125x16xf32, #tpu.memory_space<vmem>>) target(%dma_start3A_99 : memref<10240x16xf32, #tpu.memory_space<vmem_shared>>) offsets(%dma_start3A_96 : memref<125xi32, #tpu.memory_space<vmem>>) semaphore(%arg24 : memref<!tpu.dma_semaphore, #tpu.memory_space<semaphore_mem>>) {add = true}
    %dma_wait3A_100 = arith.constant 75 : i32
    %dma_wait3A_101 = arith.constant 0 : i32
    %dma_wait3A_102 = tpu.memref_slice %arg10[%dma_wait3A_100, %dma_wait3A_101] : memref<80x125xi32, #tpu.memory_space<vmem>> -> memref<1x125xi32, #tpu.memory_space<vmem>>
    %dma_wait3A_103 = tpu.memref_squeeze %dma_wait3A_102 : memref<1x125xi32, #tpu.memory_space<vmem>> -> memref<125xi32, #tpu.memory_space<vmem>>
    %dma_wait3A_104 = arith.constant 0 : i32
    %dma_wait3A_105 = arith.constant 0 : i32
    %dma_wait3A_106 = tpu.memref_slice %arg7[%dma_wait3A_104, %dma_wait3A_105] : memref<10240x64xf32, #tpu.memory_space<vmem_shared>> -> memref<10240x64xf32, #tpu.memory_space<vmem_shared>>
    tpu.wait_indirect_dma semaphore(%arg24 : memref<!tpu.dma_semaphore, #tpu.memory_space<semaphore_mem>>) src(%arg11 : memref<125x64xf32, #tpu.memory_space<vmem>>) dst(%dma_wait3A_106 : memref<10240x64xf32, #tpu.memory_space<vmem_shared>>)
    %dma_wait3A_107 = arith.constant 75 : i32
    %dma_wait3A_108 = arith.constant 0 : i32
    %dma_wait3A_109 = tpu.memref_slice %arg10[%dma_wait3A_107, %dma_wait3A_108] : memref<80x125xi32, #tpu.memory_space<vmem>> -> memref<1x125xi32, #tpu.memory_space<vmem>>
    %dma_wait3A_110 = tpu.memref_squeeze %dma_wait3A_109 : memref<1x125xi32, #tpu.memory_space<vmem>> -> memref<125xi32, #tpu.memory_space<vmem>>
    %dma_wait3A_111 = arith.constant 0 : i32
    %dma_wait3A_112 = arith.constant 0 : i32
    %dma_wait3A_113 = tpu.memref_slice %arg8[%dma_wait3A_111, %dma_wait3A_112] : memref<10240x16xf32, #tpu.memory_space<vmem_shared>> -> memref<10240x16xf32, #tpu.memory_space<vmem_shared>>
    tpu.wait_indirect_dma semaphore(%arg24 : memref<!tpu.dma_semaphore, #tpu.memory_space<semaphore_mem>>) src(%arg17 : memref<125x16xf32, #tpu.memory_space<vmem>>) dst(%dma_wait3A_113 : memref<10240x16xf32, #tpu.memory_space<vmem_shared>>)
    %dma_wait3A_114 = arith.constant 76 : i32
    %dma_wait3A_115 = arith.constant 0 : i32
    %dma_wait3A_116 = tpu.memref_slice %arg9[%dma_wait3A_114, %dma_wait3A_115] : memref<80x125xi32, #tpu.memory_space<vmem>> -> memref<1x125xi32, #tpu.memory_space<vmem>>
    %dma_wait3A_117 = tpu.memref_squeeze %dma_wait3A_116 : memref<1x125xi32, #tpu.memory_space<vmem>> -> memref<125xi32, #tpu.memory_space<vmem>>
    %dma_wait3A_118 = arith.constant 0 : i32
    %dma_wait3A_119 = arith.constant 0 : i32
    %dma_wait3A_120 = tpu.memref_slice %arg2[%dma_wait3A_118, %dma_wait3A_119] : memref<10000x64xf32, #tpu.memory_space<hbm>> -> memref<10000x64xf32, #tpu.memory_space<hbm>>
    tpu.wait_indirect_dma semaphore(%arg20 : memref<!tpu.dma_semaphore, #tpu.memory_space<semaphore_mem>>) src(%dma_wait3A_120 : memref<10000x64xf32, #tpu.memory_space<hbm>>) dst(%arg12 : memref<125x64xf32, #tpu.memory_space<vmem>>)
    %dma_start3A_121 = arith.constant 76 : i32
    %dma_start3A_122 = arith.constant 0 : i32
    %dma_start3A_123 = tpu.memref_slice %arg10[%dma_start3A_121, %dma_start3A_122] : memref<80x125xi32, #tpu.memory_space<vmem>> -> memref<1x125xi32, #tpu.memory_space<vmem>>
    %dma_start3A_124 = tpu.memref_squeeze %dma_start3A_123 : memref<1x125xi32, #tpu.memory_space<vmem>> -> memref<125xi32, #tpu.memory_space<vmem>>
    %dma_start3A_125 = arith.constant 0 : i32
    %dma_start3A_126 = arith.constant 0 : i32
    %dma_start3A_127 = tpu.memref_slice %arg7[%dma_start3A_125, %dma_start3A_126] : memref<10240x64xf32, #tpu.memory_space<vmem_shared>> -> memref<10240x64xf32, #tpu.memory_space<vmem_shared>>
    tpu.enqueue_indirect_dma source(%arg12 : memref<125x64xf32, #tpu.memory_space<vmem>>) target(%dma_start3A_127 : memref<10240x64xf32, #tpu.memory_space<vmem_shared>>) offsets(%dma_start3A_124 : memref<125xi32, #tpu.memory_space<vmem>>) semaphore(%arg25 : memref<!tpu.dma_semaphore, #tpu.memory_space<semaphore_mem>>) {add = true}
    %dma_start3A_128 = arith.constant 76 : i32
    %dma_start3A_129 = arith.constant 0 : i32
    %dma_start3A_130 = tpu.memref_slice %arg10[%dma_start3A_128, %dma_start3A_129] : memref<80x125xi32, #tpu.memory_space<vmem>> -> memref<1x125xi32, #tpu.memory_space<vmem>>
    %dma_start3A_131 = tpu.memref_squeeze %dma_start3A_130 : memref<1x125xi32, #tpu.memory_space<vmem>> -> memref<125xi32, #tpu.memory_space<vmem>>
    %dma_start3A_132 = arith.constant 0 : i32
    %dma_start3A_133 = arith.constant 0 : i32
    %dma_start3A_134 = tpu.memref_slice %arg8[%dma_start3A_132, %dma_start3A_133] : memref<10240x16xf32, #tpu.memory_space<vmem_shared>> -> memref<10240x16xf32, #tpu.memory_space<vmem_shared>>
    tpu.enqueue_indirect_dma source(%arg17 : memref<125x16xf32, #tpu.memory_space<vmem>>) target(%dma_start3A_134 : memref<10240x16xf32, #tpu.memory_space<vmem_shared>>) offsets(%dma_start3A_131 : memref<125xi32, #tpu.memory_space<vmem>>) semaphore(%arg25 : memref<!tpu.dma_semaphore, #tpu.memory_space<semaphore_mem>>) {add = true}
    %dma_wait3A_135 = arith.constant 76 : i32
    %dma_wait3A_136 = arith.constant 0 : i32
    %dma_wait3A_137 = tpu.memref_slice %arg10[%dma_wait3A_135, %dma_wait3A_136] : memref<80x125xi32, #tpu.memory_space<vmem>> -> memref<1x125xi32, #tpu.memory_space<vmem>>
    %dma_wait3A_138 = tpu.memref_squeeze %dma_wait3A_137 : memref<1x125xi32, #tpu.memory_space<vmem>> -> memref<125xi32, #tpu.memory_space<vmem>>
    %dma_wait3A_139 = arith.constant 0 : i32
    %dma_wait3A_140 = arith.constant 0 : i32
    %dma_wait3A_141 = tpu.memref_slice %arg7[%dma_wait3A_139, %dma_wait3A_140] : memref<10240x64xf32, #tpu.memory_space<vmem_shared>> -> memref<10240x64xf32, #tpu.memory_space<vmem_shared>>
    tpu.wait_indirect_dma semaphore(%arg25 : memref<!tpu.dma_semaphore, #tpu.memory_space<semaphore_mem>>) src(%arg12 : memref<125x64xf32, #tpu.memory_space<vmem>>) dst(%dma_wait3A_141 : memref<10240x64xf32, #tpu.memory_space<vmem_shared>>)
    %dma_wait3A_142 = arith.constant 76 : i32
    %dma_wait3A_143 = arith.constant 0 : i32
    %dma_wait3A_144 = tpu.memref_slice %arg10[%dma_wait3A_142, %dma_wait3A_143] : memref<80x125xi32, #tpu.memory_space<vmem>> -> memref<1x125xi32, #tpu.memory_space<vmem>>
    %dma_wait3A_145 = tpu.memref_squeeze %dma_wait3A_144 : memref<1x125xi32, #tpu.memory_space<vmem>> -> memref<125xi32, #tpu.memory_space<vmem>>
    %dma_wait3A_146 = arith.constant 0 : i32
    %dma_wait3A_147 = arith.constant 0 : i32
    %dma_wait3A_148 = tpu.memref_slice %arg8[%dma_wait3A_146, %dma_wait3A_147] : memref<10240x16xf32, #tpu.memory_space<vmem_shared>> -> memref<10240x16xf32, #tpu.memory_space<vmem_shared>>
    tpu.wait_indirect_dma semaphore(%arg25 : memref<!tpu.dma_semaphore, #tpu.memory_space<semaphore_mem>>) src(%arg17 : memref<125x16xf32, #tpu.memory_space<vmem>>) dst(%dma_wait3A_148 : memref<10240x16xf32, #tpu.memory_space<vmem_shared>>)
    %dma_wait3A_149 = arith.constant 77 : i32
    %dma_wait3A_150 = arith.constant 0 : i32
    %dma_wait3A_151 = tpu.memref_slice %arg9[%dma_wait3A_149, %dma_wait3A_150] : memref<80x125xi32, #tpu.memory_space<vmem>> -> memref<1x125xi32, #tpu.memory_space<vmem>>
    %dma_wait3A_152 = tpu.memref_squeeze %dma_wait3A_151 : memref<1x125xi32, #tpu.memory_space<vmem>> -> memref<125xi32, #tpu.memory_space<vmem>>
    %dma_wait3A_153 = arith.constant 0 : i32
    %dma_wait3A_154 = arith.constant 0 : i32
    %dma_wait3A_155 = tpu.memref_slice %arg2[%dma_wait3A_153, %dma_wait3A_154] : memref<10000x64xf32, #tpu.memory_space<hbm>> -> memref<10000x64xf32, #tpu.memory_space<hbm>>
    tpu.wait_indirect_dma semaphore(%arg21 : memref<!tpu.dma_semaphore, #tpu.memory_space<semaphore_mem>>) src(%dma_wait3A_155 : memref<10000x64xf32, #tpu.memory_space<hbm>>) dst(%arg13 : memref<125x64xf32, #tpu.memory_space<vmem>>)
    %dma_start3A_156 = arith.constant 77 : i32
    %dma_start3A_157 = arith.constant 0 : i32
    %dma_start3A_158 = tpu.memref_slice %arg10[%dma_start3A_156, %dma_start3A_157] : memref<80x125xi32, #tpu.memory_space<vmem>> -> memref<1x125xi32, #tpu.memory_space<vmem>>
    %dma_start3A_159 = tpu.memref_squeeze %dma_start3A_158 : memref<1x125xi32, #tpu.memory_space<vmem>> -> memref<125xi32, #tpu.memory_space<vmem>>
    %dma_start3A_160 = arith.constant 0 : i32
    %dma_start3A_161 = arith.constant 0 : i32
    %dma_start3A_162 = tpu.memref_slice %arg7[%dma_start3A_160, %dma_start3A_161] : memref<10240x64xf32, #tpu.memory_space<vmem_shared>> -> memref<10240x64xf32, #tpu.memory_space<vmem_shared>>
    tpu.enqueue_indirect_dma source(%arg13 : memref<125x64xf32, #tpu.memory_space<vmem>>) target(%dma_start3A_162 : memref<10240x64xf32, #tpu.memory_space<vmem_shared>>) offsets(%dma_start3A_159 : memref<125xi32, #tpu.memory_space<vmem>>) semaphore(%arg26 : memref<!tpu.dma_semaphore, #tpu.memory_space<semaphore_mem>>) {add = true}
    %dma_start3A_163 = arith.constant 77 : i32
    %dma_start3A_164 = arith.constant 0 : i32
    %dma_start3A_165 = tpu.memref_slice %arg10[%dma_start3A_163, %dma_start3A_164] : memref<80x125xi32, #tpu.memory_space<vmem>> -> memref<1x125xi32, #tpu.memory_space<vmem>>
    %dma_start3A_166 = tpu.memref_squeeze %dma_start3A_165 : memref<1x125xi32, #tpu.memory_space<vmem>> -> memref<125xi32, #tpu.memory_space<vmem>>
    %dma_start3A_167 = arith.constant 0 : i32
    %dma_start3A_168 = arith.constant 0 : i32
    %dma_start3A_169 = tpu.memref_slice %arg8[%dma_start3A_167, %dma_start3A_168] : memref<10240x16xf32, #tpu.memory_space<vmem_shared>> -> memref<10240x16xf32, #tpu.memory_space<vmem_shared>>
    tpu.enqueue_indirect_dma source(%arg17 : memref<125x16xf32, #tpu.memory_space<vmem>>) target(%dma_start3A_169 : memref<10240x16xf32, #tpu.memory_space<vmem_shared>>) offsets(%dma_start3A_166 : memref<125xi32, #tpu.memory_space<vmem>>) semaphore(%arg26 : memref<!tpu.dma_semaphore, #tpu.memory_space<semaphore_mem>>) {add = true}
    %dma_wait3A_170 = arith.constant 77 : i32
    %dma_wait3A_171 = arith.constant 0 : i32
    %dma_wait3A_172 = tpu.memref_slice %arg10[%dma_wait3A_170, %dma_wait3A_171] : memref<80x125xi32, #tpu.memory_space<vmem>> -> memref<1x125xi32, #tpu.memory_space<vmem>>
    %dma_wait3A_173 = tpu.memref_squeeze %dma_wait3A_172 : memref<1x125xi32, #tpu.memory_space<vmem>> -> memref<125xi32, #tpu.memory_space<vmem>>
    %dma_wait3A_174 = arith.constant 0 : i32
    %dma_wait3A_175 = arith.constant 0 : i32
    %dma_wait3A_176 = tpu.memref_slice %arg7[%dma_wait3A_174, %dma_wait3A_175] : memref<10240x64xf32, #tpu.memory_space<vmem_shared>> -> memref<10240x64xf32, #tpu.memory_space<vmem_shared>>
    tpu.wait_indirect_dma semaphore(%arg26 : memref<!tpu.dma_semaphore, #tpu.memory_space<semaphore_mem>>) src(%arg13 : memref<125x64xf32, #tpu.memory_space<vmem>>) dst(%dma_wait3A_176 : memref<10240x64xf32, #tpu.memory_space<vmem_shared>>)
    %dma_wait3A_177 = arith.constant 77 : i32
    %dma_wait3A_178 = arith.constant 0 : i32
    %dma_wait3A_179 = tpu.memref_slice %arg10[%dma_wait3A_177, %dma_wait3A_178] : memref<80x125xi32, #tpu.memory_space<vmem>> -> memref<1x125xi32, #tpu.memory_space<vmem>>
    %dma_wait3A_180 = tpu.memref_squeeze %dma_wait3A_179 : memref<1x125xi32, #tpu.memory_space<vmem>> -> memref<125xi32, #tpu.memory_space<vmem>>
    %dma_wait3A_181 = arith.constant 0 : i32
    %dma_wait3A_182 = arith.constant 0 : i32
    %dma_wait3A_183 = tpu.memref_slice %arg8[%dma_wait3A_181, %dma_wait3A_182] : memref<10240x16xf32, #tpu.memory_space<vmem_shared>> -> memref<10240x16xf32, #tpu.memory_space<vmem_shared>>
    tpu.wait_indirect_dma semaphore(%arg26 : memref<!tpu.dma_semaphore, #tpu.memory_space<semaphore_mem>>) src(%arg17 : memref<125x16xf32, #tpu.memory_space<vmem>>) dst(%dma_wait3A_183 : memref<10240x16xf32, #tpu.memory_space<vmem_shared>>)
    %dma_wait3A_184 = arith.constant 78 : i32
    %dma_wait3A_185 = arith.constant 0 : i32
    %dma_wait3A_186 = tpu.memref_slice %arg9[%dma_wait3A_184, %dma_wait3A_185] : memref<80x125xi32, #tpu.memory_space<vmem>> -> memref<1x125xi32, #tpu.memory_space<vmem>>
    %dma_wait3A_187 = tpu.memref_squeeze %dma_wait3A_186 : memref<1x125xi32, #tpu.memory_space<vmem>> -> memref<125xi32, #tpu.memory_space<vmem>>
    %dma_wait3A_188 = arith.constant 0 : i32
    %dma_wait3A_189 = arith.constant 0 : i32
    %dma_wait3A_190 = tpu.memref_slice %arg2[%dma_wait3A_188, %dma_wait3A_189] : memref<10000x64xf32, #tpu.memory_space<hbm>> -> memref<10000x64xf32, #tpu.memory_space<hbm>>
    tpu.wait_indirect_dma semaphore(%arg22 : memref<!tpu.dma_semaphore, #tpu.memory_space<semaphore_mem>>) src(%dma_wait3A_190 : memref<10000x64xf32, #tpu.memory_space<hbm>>) dst(%arg14 : memref<125x64xf32, #tpu.memory_space<vmem>>)
    %dma_start3A_191 = arith.constant 78 : i32
    %dma_start3A_192 = arith.constant 0 : i32
    %dma_start3A_193 = tpu.memref_slice %arg10[%dma_start3A_191, %dma_start3A_192] : memref<80x125xi32, #tpu.memory_space<vmem>> -> memref<1x125xi32, #tpu.memory_space<vmem>>
    %dma_start3A_194 = tpu.memref_squeeze %dma_start3A_193 : memref<1x125xi32, #tpu.memory_space<vmem>> -> memref<125xi32, #tpu.memory_space<vmem>>
    %dma_start3A_195 = arith.constant 0 : i32
    %dma_start3A_196 = arith.constant 0 : i32
    %dma_start3A_197 = tpu.memref_slice %arg7[%dma_start3A_195, %dma_start3A_196] : memref<10240x64xf32, #tpu.memory_space<vmem_shared>> -> memref<10240x64xf32, #tpu.memory_space<vmem_shared>>
    tpu.enqueue_indirect_dma source(%arg14 : memref<125x64xf32, #tpu.memory_space<vmem>>) target(%dma_start3A_197 : memref<10240x64xf32, #tpu.memory_space<vmem_shared>>) offsets(%dma_start3A_194 : memref<125xi32, #tpu.memory_space<vmem>>) semaphore(%arg27 : memref<!tpu.dma_semaphore, #tpu.memory_space<semaphore_mem>>) {add = true}
    %dma_start3A_198 = arith.constant 78 : i32
    %dma_start3A_199 = arith.constant 0 : i32
    %dma_start3A_200 = tpu.memref_slice %arg10[%dma_start3A_198, %dma_start3A_199] : memref<80x125xi32, #tpu.memory_space<vmem>> -> memref<1x125xi32, #tpu.memory_space<vmem>>
    %dma_start3A_201 = tpu.memref_squeeze %dma_start3A_200 : memref<1x125xi32, #tpu.memory_space<vmem>> -> memref<125xi32, #tpu.memory_space<vmem>>
    %dma_start3A_202 = arith.constant 0 : i32
    %dma_start3A_203 = arith.constant 0 : i32
    %dma_start3A_204 = tpu.memref_slice %arg8[%dma_start3A_202, %dma_start3A_203] : memref<10240x16xf32, #tpu.memory_space<vmem_shared>> -> memref<10240x16xf32, #tpu.memory_space<vmem_shared>>
    tpu.enqueue_indirect_dma source(%arg17 : memref<125x16xf32, #tpu.memory_space<vmem>>) target(%dma_start3A_204 : memref<10240x16xf32, #tpu.memory_space<vmem_shared>>) offsets(%dma_start3A_201 : memref<125xi32, #tpu.memory_space<vmem>>) semaphore(%arg27 : memref<!tpu.dma_semaphore, #tpu.memory_space<semaphore_mem>>) {add = true}
    %dma_wait3A_205 = arith.constant 78 : i32
    %dma_wait3A_206 = arith.constant 0 : i32
    %dma_wait3A_207 = tpu.memref_slice %arg10[%dma_wait3A_205, %dma_wait3A_206] : memref<80x125xi32, #tpu.memory_space<vmem>> -> memref<1x125xi32, #tpu.memory_space<vmem>>
    %dma_wait3A_208 = tpu.memref_squeeze %dma_wait3A_207 : memref<1x125xi32, #tpu.memory_space<vmem>> -> memref<125xi32, #tpu.memory_space<vmem>>
    %dma_wait3A_209 = arith.constant 0 : i32
    %dma_wait3A_210 = arith.constant 0 : i32
    %dma_wait3A_211 = tpu.memref_slice %arg7[%dma_wait3A_209, %dma_wait3A_210] : memref<10240x64xf32, #tpu.memory_space<vmem_shared>> -> memref<10240x64xf32, #tpu.memory_space<vmem_shared>>
    tpu.wait_indirect_dma semaphore(%arg27 : memref<!tpu.dma_semaphore, #tpu.memory_space<semaphore_mem>>) src(%arg14 : memref<125x64xf32, #tpu.memory_space<vmem>>) dst(%dma_wait3A_211 : memref<10240x64xf32, #tpu.memory_space<vmem_shared>>)
    %dma_wait3A_212 = arith.constant 78 : i32
    %dma_wait3A_213 = arith.constant 0 : i32
    %dma_wait3A_214 = tpu.memref_slice %arg10[%dma_wait3A_212, %dma_wait3A_213] : memref<80x125xi32, #tpu.memory_space<vmem>> -> memref<1x125xi32, #tpu.memory_space<vmem>>
    %dma_wait3A_215 = tpu.memref_squeeze %dma_wait3A_214 : memref<1x125xi32, #tpu.memory_space<vmem>> -> memref<125xi32, #tpu.memory_space<vmem>>
    %dma_wait3A_216 = arith.constant 0 : i32
    %dma_wait3A_217 = arith.constant 0 : i32
    %dma_wait3A_218 = tpu.memref_slice %arg8[%dma_wait3A_216, %dma_wait3A_217] : memref<10240x16xf32, #tpu.memory_space<vmem_shared>> -> memref<10240x16xf32, #tpu.memory_space<vmem_shared>>
    tpu.wait_indirect_dma semaphore(%arg27 : memref<!tpu.dma_semaphore, #tpu.memory_space<semaphore_mem>>) src(%arg17 : memref<125x16xf32, #tpu.memory_space<vmem>>) dst(%dma_wait3A_218 : memref<10240x16xf32, #tpu.memory_space<vmem_shared>>)
    %dma_wait3A_219 = arith.constant 79 : i32
    %dma_wait3A_220 = arith.constant 0 : i32
    %dma_wait3A_221 = tpu.memref_slice %arg9[%dma_wait3A_219, %dma_wait3A_220] : memref<80x125xi32, #tpu.memory_space<vmem>> -> memref<1x125xi32, #tpu.memory_space<vmem>>
    %dma_wait3A_222 = tpu.memref_squeeze %dma_wait3A_221 : memref<1x125xi32, #tpu.memory_space<vmem>> -> memref<125xi32, #tpu.memory_space<vmem>>
    %dma_wait3A_223 = arith.constant 0 : i32
    %dma_wait3A_224 = arith.constant 0 : i32
    %dma_wait3A_225 = tpu.memref_slice %arg2[%dma_wait3A_223, %dma_wait3A_224] : memref<10000x64xf32, #tpu.memory_space<hbm>> -> memref<10000x64xf32, #tpu.memory_space<hbm>>
    tpu.wait_indirect_dma semaphore(%arg23 : memref<!tpu.dma_semaphore, #tpu.memory_space<semaphore_mem>>) src(%dma_wait3A_225 : memref<10000x64xf32, #tpu.memory_space<hbm>>) dst(%arg15 : memref<125x64xf32, #tpu.memory_space<vmem>>)
    %dma_start3A_226 = arith.constant 79 : i32
    %dma_start3A_227 = arith.constant 0 : i32
    %dma_start3A_228 = tpu.memref_slice %arg10[%dma_start3A_226, %dma_start3A_227] : memref<80x125xi32, #tpu.memory_space<vmem>> -> memref<1x125xi32, #tpu.memory_space<vmem>>
    %dma_start3A_229 = tpu.memref_squeeze %dma_start3A_228 : memref<1x125xi32, #tpu.memory_space<vmem>> -> memref<125xi32, #tpu.memory_space<vmem>>
    %dma_start3A_230 = arith.constant 0 : i32
    %dma_start3A_231 = arith.constant 0 : i32
    %dma_start3A_232 = tpu.memref_slice %arg7[%dma_start3A_230, %dma_start3A_231] : memref<10240x64xf32, #tpu.memory_space<vmem_shared>> -> memref<10240x64xf32, #tpu.memory_space<vmem_shared>>
    tpu.enqueue_indirect_dma source(%arg15 : memref<125x64xf32, #tpu.memory_space<vmem>>) target(%dma_start3A_232 : memref<10240x64xf32, #tpu.memory_space<vmem_shared>>) offsets(%dma_start3A_229 : memref<125xi32, #tpu.memory_space<vmem>>) semaphore(%arg28 : memref<!tpu.dma_semaphore, #tpu.memory_space<semaphore_mem>>) {add = true}
    %dma_start3A_233 = arith.constant 79 : i32
    %dma_start3A_234 = arith.constant 0 : i32
    %dma_start3A_235 = tpu.memref_slice %arg10[%dma_start3A_233, %dma_start3A_234] : memref<80x125xi32, #tpu.memory_space<vmem>> -> memref<1x125xi32, #tpu.memory_space<vmem>>
    %dma_start3A_236 = tpu.memref_squeeze %dma_start3A_235 : memref<1x125xi32, #tpu.memory_space<vmem>> -> memref<125xi32, #tpu.memory_space<vmem>>
    %dma_start3A_237 = arith.constant 0 : i32
    %dma_start3A_238 = arith.constant 0 : i32
    %dma_start3A_239 = tpu.memref_slice %arg8[%dma_start3A_237, %dma_start3A_238] : memref<10240x16xf32, #tpu.memory_space<vmem_shared>> -> memref<10240x16xf32, #tpu.memory_space<vmem_shared>>
    tpu.enqueue_indirect_dma source(%arg17 : memref<125x16xf32, #tpu.memory_space<vmem>>) target(%dma_start3A_239 : memref<10240x16xf32, #tpu.memory_space<vmem_shared>>) offsets(%dma_start3A_236 : memref<125xi32, #tpu.memory_space<vmem>>) semaphore(%arg28 : memref<!tpu.dma_semaphore, #tpu.memory_space<semaphore_mem>>) {add = true}
    %dma_wait3A_240 = arith.constant 79 : i32
    %dma_wait3A_241 = arith.constant 0 : i32
    %dma_wait3A_242 = tpu.memref_slice %arg10[%dma_wait3A_240, %dma_wait3A_241] : memref<80x125xi32, #tpu.memory_space<vmem>> -> memref<1x125xi32, #tpu.memory_space<vmem>>
    %dma_wait3A_243 = tpu.memref_squeeze %dma_wait3A_242 : memref<1x125xi32, #tpu.memory_space<vmem>> -> memref<125xi32, #tpu.memory_space<vmem>>
    %dma_wait3A_244 = arith.constant 0 : i32
    %dma_wait3A_245 = arith.constant 0 : i32
    %dma_wait3A_246 = tpu.memref_slice %arg7[%dma_wait3A_244, %dma_wait3A_245] : memref<10240x64xf32, #tpu.memory_space<vmem_shared>> -> memref<10240x64xf32, #tpu.memory_space<vmem_shared>>
    tpu.wait_indirect_dma semaphore(%arg28 : memref<!tpu.dma_semaphore, #tpu.memory_space<semaphore_mem>>) src(%arg15 : memref<125x64xf32, #tpu.memory_space<vmem>>) dst(%dma_wait3A_246 : memref<10240x64xf32, #tpu.memory_space<vmem_shared>>)
    %dma_wait3A_247 = arith.constant 79 : i32
    %dma_wait3A_248 = arith.constant 0 : i32
    %dma_wait3A_249 = tpu.memref_slice %arg10[%dma_wait3A_247, %dma_wait3A_248] : memref<80x125xi32, #tpu.memory_space<vmem>> -> memref<1x125xi32, #tpu.memory_space<vmem>>
    %dma_wait3A_250 = tpu.memref_squeeze %dma_wait3A_249 : memref<1x125xi32, #tpu.memory_space<vmem>> -> memref<125xi32, #tpu.memory_space<vmem>>
    %dma_wait3A_251 = arith.constant 0 : i32
    %dma_wait3A_252 = arith.constant 0 : i32
    %dma_wait3A_253 = tpu.memref_slice %arg8[%dma_wait3A_251, %dma_wait3A_252] : memref<10240x16xf32, #tpu.memory_space<vmem_shared>> -> memref<10240x16xf32, #tpu.memory_space<vmem_shared>>
    tpu.wait_indirect_dma semaphore(%arg28 : memref<!tpu.dma_semaphore, #tpu.memory_space<semaphore_mem>>) src(%arg17 : memref<125x16xf32, #tpu.memory_space<vmem>>) dst(%dma_wait3A_253 : memref<10240x16xf32, #tpu.memory_space<vmem_shared>>)
    %barrier3A_254 = arith.constant 0 : index
    tpu.barrier barrier_id(%barrier3A_254)
    %dma_start3A_255 = arith.constant 0 : i32
    %dma_start3A_256 = tpu.memref_slice %arg5[%arg0, %mul3A_2, %dma_start3A_255] : memref<2x10240x64xf32, #tpu.memory_space<hbm>> -> memref<1x640x64xf32, #tpu.memory_space<hbm>>
    %dma_start3A_257 = tpu.memref_squeeze %dma_start3A_256 : memref<1x640x64xf32, #tpu.memory_space<hbm>> -> memref<640x64xf32, #tpu.memory_space<hbm>>
    %dma_start3A_258 = arith.constant 0 : i32
    %dma_start3A_259 = tpu.memref_slice %arg7[%mul3A_2, %dma_start3A_258] : memref<10240x64xf32, #tpu.memory_space<vmem_shared>> -> memref<640x64xf32, #tpu.memory_space<vmem_shared>>
    tpu.enqueue_dma source(%dma_start3A_259 : memref<640x64xf32, #tpu.memory_space<vmem_shared>>) target(%dma_start3A_257 : memref<640x64xf32, #tpu.memory_space<hbm>>) target_semaphore(%arg24 : memref<!tpu.dma_semaphore, #tpu.memory_space<semaphore_mem>>)
    "tpu.region"() ({
      %run_scoped3A = tpu.sem_alloc : memref<!tpu.dma_semaphore, #tpu.memory_space<semaphore_mem>>
      %dma_start3A_265 = arith.constant 0 : i32
      %dma_start3A_266 = tpu.memref_slice %arg6[%arg0, %mul3A_2, %dma_start3A_265] : memref<2x10240x16xf32, #tpu.memory_space<hbm>> -> memref<1x640x16xf32, #tpu.memory_space<hbm>>
      %dma_start3A_267 = tpu.memref_squeeze %dma_start3A_266 : memref<1x640x16xf32, #tpu.memory_space<hbm>> -> memref<640x16xf32, #tpu.memory_space<hbm>>
      %dma_start3A_268 = arith.constant 0 : i32
      %dma_start3A_269 = tpu.memref_slice %arg8[%mul3A_2, %dma_start3A_268] : memref<10240x16xf32, #tpu.memory_space<vmem_shared>> -> memref<640x16xf32, #tpu.memory_space<vmem_shared>>
      tpu.enqueue_dma source(%dma_start3A_269 : memref<640x16xf32, #tpu.memory_space<vmem_shared>>) target(%dma_start3A_267 : memref<640x16xf32, #tpu.memory_space<hbm>>) target_semaphore(%run_scoped3A : memref<!tpu.dma_semaphore, #tpu.memory_space<semaphore_mem>>)
      %dma_wait3A_270 = arith.constant 0 : i32
      %dma_wait3A_271 = tpu.memref_slice %arg6[%arg0, %mul3A_2, %dma_wait3A_270] : memref<2x10240x16xf32, #tpu.memory_space<hbm>> -> memref<1x640x16xf32, #tpu.memory_space<hbm>>
      %dma_wait3A_272 = tpu.memref_squeeze %dma_wait3A_271 : memref<1x640x16xf32, #tpu.memory_space<hbm>> -> memref<640x16xf32, #tpu.memory_space<hbm>>
      %dma_wait3A_273 = arith.constant 0 : i32
      %dma_wait3A_274 = tpu.memref_slice %arg8[%mul3A_2, %dma_wait3A_273] : memref<10240x16xf32, #tpu.memory_space<vmem_shared>> -> memref<640x16xf32, #tpu.memory_space<vmem_shared>>
      tpu.wait_dma2 semaphore(%run_scoped3A : memref<!tpu.dma_semaphore, #tpu.memory_space<semaphore_mem>>) src(%dma_wait3A_274 : memref<640x16xf32, #tpu.memory_space<vmem_shared>>) dst(%dma_wait3A_272 : memref<640x16xf32, #tpu.memory_space<hbm>>)
      tpu.yield
    }) : () -> ()
    %dma_wait3A_260 = arith.constant 0 : i32
    %dma_wait3A_261 = tpu.memref_slice %arg5[%arg0, %mul3A_2, %dma_wait3A_260] : memref<2x10240x64xf32, #tpu.memory_space<hbm>> -> memref<1x640x64xf32, #tpu.memory_space<hbm>>
    %dma_wait3A_262 = tpu.memref_squeeze %dma_wait3A_261 : memref<1x640x64xf32, #tpu.memory_space<hbm>> -> memref<640x64xf32, #tpu.memory_space<hbm>>
    %dma_wait3A_263 = arith.constant 0 : i32
    %dma_wait3A_264 = tpu.memref_slice %arg7[%mul3A_2, %dma_wait3A_263] : memref<10240x64xf32, #tpu.memory_space<vmem_shared>> -> memref<640x64xf32, #tpu.memory_space<vmem_shared>>
    tpu.wait_dma2 semaphore(%arg24 : memref<!tpu.dma_semaphore, #tpu.memory_space<semaphore_mem>>) src(%dma_wait3A_264 : memref<640x64xf32, #tpu.memory_space<vmem_shared>>) dst(%dma_wait3A_262 : memref<640x64xf32, #tpu.memory_space<hbm>>)
    return
  }
}

module attributes {stable_mosaic.version = 14 : i64} {
  func.func @_mm_body(%arg0: memref<10000x128xf32, #tpu.memory_space<vmem>>, %arg1: memref<128x64xf32, #tpu.memory_space<vmem>>, %arg2: memref<10000x64xf32, #tpu.memory_space<vmem>>) attributes {dimension_semantics = [], scalar_prefetch = 0 : i64, scratch_operands = 0 : i64, tpu.core_type = #tpu.core_type<tc>} {
    %get3A = arith.constant 0 : index
    %get3A_0 = arith.constant 0 : index
    %get3A_1 = vector.load %arg0[%get3A, %get3A_0] : memref<10000x128xf32, #tpu.memory_space<vmem>>, vector<10000x128xf32>
    %get3A_2 = arith.constant 0 : index
    %get3A_3 = arith.constant 0 : index
    %get3A_4 = vector.load %arg1[%get3A_2, %get3A_3] : memref<128x64xf32, #tpu.memory_space<vmem>>, vector<128x64xf32>
    %dot_general3A = arith.constant dense<0.000000e+00> : vector<10000x64xf32>
    %dot_general3A_5 = tpu.matmul %get3A_1, %get3A_4, %dot_general3A {dimension_numbers = #tpu.dot_dimension_numbers<[1], [0], [0], [1], [0, 0, 1, 1], [], []>, transpose_lhs_hint = false} : vector<10000x128xf32>, vector<128x64xf32>, vector<10000x64xf32> -> vector<10000x64xf32>
    %swap3A = arith.constant 0 : index
    %swap3A_6 = arith.constant 0 : index
    %swap3A_7 = vector.load %arg2[%swap3A, %swap3A_6] : memref<10000x64xf32, #tpu.memory_space<vmem>>, vector<10000x64xf32>
    tpu.vector_store %arg2[%swap3A, %swap3A_6], %dot_general3A_5 {strides = array<i32>} : memref<10000x64xf32, #tpu.memory_space<vmem>>, vector<10000x64xf32>,
    return
  }
}

module attributes {stable_mosaic.version = 14 : i64} {
  func.func @_combine1_body(%arg0: memref<2x10240x64xf32, #tpu.memory_space<vmem>>, %arg1: memref<2x10240x16xf32, #tpu.memory_space<vmem>>, %arg2: memref<10000x64xf32, #tpu.memory_space<vmem>>, %arg3: memref<1x64xf32, #tpu.memory_space<vmem>>, %arg4: memref<10000x64xf32, #tpu.memory_space<vmem>>) attributes {dimension_semantics = [], scalar_prefetch = 0 : i64, scratch_operands = 0 : i64, tpu.core_type = #tpu.core_type<tc>} {
    %get3A = arith.constant 0 : index
    %get3A_0 = arith.constant 0 : index
    %get3A_1 = arith.constant 0 : index
    %get3A_2 = vector.load %arg1[%get3A, %get3A_0, %get3A_1] : memref<2x10240x16xf32, #tpu.memory_space<vmem>>, vector<1x10000x1xf32>
    %get3A_3 = vector.shape_cast %get3A_2 : vector<1x10000x1xf32> to vector<10000x1xf32>
    %get3A_4 = arith.constant 1 : index
    %get3A_5 = arith.constant 0 : index
    %get3A_6 = arith.constant 0 : index
    %get3A_7 = vector.load %arg1[%get3A_4, %get3A_5, %get3A_6] : memref<2x10240x16xf32, #tpu.memory_space<vmem>>, vector<1x10000x1xf32>
    %get3A_8 = vector.shape_cast %get3A_7 : vector<1x10000x1xf32> to vector<10000x1xf32>
    %add3A = arith.addf %get3A_3, %get3A_8 : vector<10000x1xf32>
    %max3A = arith.constant 1.000000e+00 : f32
    %max3A_9 = vector.broadcast %max3A : f32 to vector<10000x1xf32>
    %max3A_10 = arith.maximumf %add3A, %max3A_9 : vector<10000x1xf32>
    %get3A_11 = arith.constant 0 : index
    %get3A_12 = arith.constant 0 : index
    %get3A_13 = arith.constant 0 : index
    %get3A_14 = vector.load %arg0[%get3A_11, %get3A_12, %get3A_13] : memref<2x10240x64xf32, #tpu.memory_space<vmem>>, vector<1x10000x64xf32>
    %get3A_15 = vector.shape_cast %get3A_14 : vector<1x10000x64xf32> to vector<10000x64xf32>
    %get3A_16 = arith.constant 1 : index
    %get3A_17 = arith.constant 0 : index
    %get3A_18 = arith.constant 0 : index
    %get3A_19 = vector.load %arg0[%get3A_16, %get3A_17, %get3A_18] : memref<2x10240x64xf32, #tpu.memory_space<vmem>>, vector<1x10000x64xf32>
    %get3A_20 = vector.shape_cast %get3A_19 : vector<1x10000x64xf32> to vector<10000x64xf32>
    %add3A_21 = arith.addf %get3A_15, %get3A_20 : vector<10000x64xf32>
    %div3A = vector.broadcast %max3A_10 : vector<10000x1xf32> to vector<10000x64xf32>
    %div3A_22 = arith.divf %add3A_21, %div3A : vector<10000x64xf32>
    %get3A_23 = arith.constant 0 : index
    %get3A_24 = arith.constant 0 : index
    %get3A_25 = vector.load %arg3[%get3A_23, %get3A_24] : memref<1x64xf32, #tpu.memory_space<vmem>>, vector<1x64xf32>
    %add3A_26 = vector.broadcast %get3A_25 : vector<1x64xf32> to vector<10000x64xf32>
    %add3A_27 = arith.addf %div3A_22, %add3A_26 : vector<10000x64xf32>
    %get3A_28 = arith.constant 0 : index
    %get3A_29 = arith.constant 0 : index
    %get3A_30 = vector.load %arg2[%get3A_28, %get3A_29] : memref<10000x64xf32, #tpu.memory_space<vmem>>, vector<10000x64xf32>
    %add3A_31 = arith.addf %add3A_27, %get3A_30 : vector<10000x64xf32>
    %max3A_32 = arith.constant 0.000000e+00 : f32
    %max3A_33 = vector.broadcast %max3A_32 : f32 to vector<10000x64xf32>
    %max3A_34 = arith.maximumf %add3A_31, %max3A_33 : vector<10000x64xf32>
    %swap3A = arith.constant 0 : index
    %swap3A_35 = arith.constant 0 : index
    %swap3A_36 = vector.load %arg4[%swap3A, %swap3A_35] : memref<10000x64xf32, #tpu.memory_space<vmem>>, vector<10000x64xf32>
    tpu.vector_store %arg4[%swap3A, %swap3A_35], %max3A_34 {strides = array<i32>} : memref<10000x64xf32, #tpu.memory_space<vmem>>, vector<10000x64xf32>,
    return
  }
}

module attributes {stable_mosaic.version = 14 : i64} {
  func.func @_mm_body(%arg0: memref<10000x64xf32, #tpu.memory_space<vmem>>, %arg1: memref<64x128xf32, #tpu.memory_space<vmem>>, %arg2: memref<10000x128xf32, #tpu.memory_space<vmem>>) attributes {dimension_semantics = [], scalar_prefetch = 0 : i64, scratch_operands = 0 : i64, tpu.core_type = #tpu.core_type<tc>} {
    %get3A = arith.constant 0 : index
    %get3A_0 = arith.constant 0 : index
    %get3A_1 = vector.load %arg0[%get3A, %get3A_0] : memref<10000x64xf32, #tpu.memory_space<vmem>>, vector<10000x64xf32>
    %get3A_2 = arith.constant 0 : index
    %get3A_3 = arith.constant 0 : index
    %get3A_4 = vector.load %arg1[%get3A_2, %get3A_3] : memref<64x128xf32, #tpu.memory_space<vmem>>, vector<64x128xf32>
    %dot_general3A = arith.constant dense<0.000000e+00> : vector<10000x128xf32>
    %dot_general3A_5 = tpu.matmul %get3A_1, %get3A_4, %dot_general3A {dimension_numbers = #tpu.dot_dimension_numbers<[1], [0], [0], [1], [0, 0, 1, 1], [], []>, transpose_lhs_hint = false} : vector<10000x64xf32>, vector<64x128xf32>, vector<10000x128xf32> -> vector<10000x128xf32>
    %swap3A = arith.constant 0 : index
    %swap3A_6 = arith.constant 0 : index
    %swap3A_7 = vector.load %arg2[%swap3A, %swap3A_6] : memref<10000x128xf32, #tpu.memory_space<vmem>>, vector<10000x128xf32>
    tpu.vector_store %arg2[%swap3A, %swap3A_6], %dot_general3A_5 {strides = array<i32>} : memref<10000x128xf32, #tpu.memory_space<vmem>>, vector<10000x128xf32>,
    return
  }
}

module attributes {stable_mosaic.version = 14 : i64} {
  func.func @_combine2_body(%arg0: memref<2x10240x64xf32, #tpu.memory_space<vmem>>, %arg1: memref<2x10240x16xf32, #tpu.memory_space<vmem>>, %arg2: memref<10000x128xf32, #tpu.memory_space<vmem>>, %arg3: memref<64x128xf32, #tpu.memory_space<vmem>>, %arg4: memref<1x128xf32, #tpu.memory_space<vmem>>, %arg5: memref<10000x128xf32, #tpu.memory_space<vmem>>) attributes {dimension_semantics = [], scalar_prefetch = 0 : i64, scratch_operands = 0 : i64, tpu.core_type = #tpu.core_type<tc>} {
    %get3A = arith.constant 0 : index
    %get3A_0 = arith.constant 0 : index
    %get3A_1 = arith.constant 0 : index
    %get3A_2 = vector.load %arg1[%get3A, %get3A_0, %get3A_1] : memref<2x10240x16xf32, #tpu.memory_space<vmem>>, vector<1x10000x1xf32>
    %get3A_3 = vector.shape_cast %get3A_2 : vector<1x10000x1xf32> to vector<10000x1xf32>
    %get3A_4 = arith.constant 1 : index
    %get3A_5 = arith.constant 0 : index
    %get3A_6 = arith.constant 0 : index
    %get3A_7 = vector.load %arg1[%get3A_4, %get3A_5, %get3A_6] : memref<2x10240x16xf32, #tpu.memory_space<vmem>>, vector<1x10000x1xf32>
    %get3A_8 = vector.shape_cast %get3A_7 : vector<1x10000x1xf32> to vector<10000x1xf32>
    %add3A = arith.addf %get3A_3, %get3A_8 : vector<10000x1xf32>
    %max3A = arith.constant 1.000000e+00 : f32
    %max3A_9 = vector.broadcast %max3A : f32 to vector<10000x1xf32>
    %max3A_10 = arith.maximumf %add3A, %max3A_9 : vector<10000x1xf32>
    %get3A_11 = arith.constant 0 : index
    %get3A_12 = arith.constant 0 : index
    %get3A_13 = arith.constant 0 : index
    %get3A_14 = vector.load %arg0[%get3A_11, %get3A_12, %get3A_13] : memref<2x10240x64xf32, #tpu.memory_space<vmem>>, vector<1x10000x64xf32>
    %get3A_15 = vector.shape_cast %get3A_14 : vector<1x10000x64xf32> to vector<10000x64xf32>
    %get3A_16 = arith.constant 1 : index
    %get3A_17 = arith.constant 0 : index
    %get3A_18 = arith.constant 0 : index
    %get3A_19 = vector.load %arg0[%get3A_16, %get3A_17, %get3A_18] : memref<2x10240x64xf32, #tpu.memory_space<vmem>>, vector<1x10000x64xf32>
    %get3A_20 = vector.shape_cast %get3A_19 : vector<1x10000x64xf32> to vector<10000x64xf32>
    %add3A_21 = arith.addf %get3A_15, %get3A_20 : vector<10000x64xf32>
    %div3A = vector.broadcast %max3A_10 : vector<10000x1xf32> to vector<10000x64xf32>
    %div3A_22 = arith.divf %add3A_21, %div3A : vector<10000x64xf32>
    %get3A_23 = arith.constant 0 : index
    %get3A_24 = arith.constant 0 : index
    %get3A_25 = vector.load %arg3[%get3A_23, %get3A_24] : memref<64x128xf32, #tpu.memory_space<vmem>>, vector<64x128xf32>
    %dot_general3A = arith.constant dense<0.000000e+00> : vector<10000x128xf32>
    %dot_general3A_26 = tpu.matmul %div3A_22, %get3A_25, %dot_general3A {dimension_numbers = #tpu.dot_dimension_numbers<[1], [0], [0], [1], [0, 0, 1, 1], [], []>, transpose_lhs_hint = false} : vector<10000x64xf32>, vector<64x128xf32>, vector<10000x128xf32> -> vector<10000x128xf32>
    %get3A_27 = arith.constant 0 : index
    %get3A_28 = arith.constant 0 : index
    %get3A_29 = vector.load %arg4[%get3A_27, %get3A_28] : memref<1x128xf32, #tpu.memory_space<vmem>>, vector<1x128xf32>
    %add3A_30 = vector.broadcast %get3A_29 : vector<1x128xf32> to vector<10000x128xf32>
    %add3A_31 = arith.addf %dot_general3A_26, %add3A_30 : vector<10000x128xf32>
    %get3A_32 = arith.constant 0 : index
    %get3A_33 = arith.constant 0 : index
    %get3A_34 = vector.load %arg2[%get3A_32, %get3A_33] : memref<10000x128xf32, #tpu.memory_space<vmem>>, vector<10000x128xf32>
    %add3A_35 = arith.addf %add3A_31, %get3A_34 : vector<10000x128xf32>
    %swap3A = arith.constant 0 : index
    %swap3A_36 = arith.constant 0 : index
    %swap3A_37 = vector.load %arg5[%swap3A, %swap3A_36] : memref<10000x128xf32, #tpu.memory_space<vmem>>, vector<10000x128xf32>
    tpu.vector_store %arg5[%swap3A, %swap3A_36], %add3A_35 {strides = array<i32>} : memref<10000x128xf32, #tpu.memory_space<vmem>>, vector<10000x128xf32>,
    return
  }
}

</mosaic_0001>

<sc_bundles>
// kernel: kernel.12.cloned.1.call-start
scs
__scs_entry_jumppad:
0x0: {  	(pc) =	sbr.rel $0x88, $3  }
0x1: {  	(tag) =	ssettag $0x0;
	lr =	simm.s32 $0x1  }
0x2: {  	[smem:$0x3F99] =	sst lr;
	_ =	strace $0xD0000000  }
0x3: {  	_ = 	snop  }
0x4: {  	_ = 	snop  }
0x5: {  	_ = 	snop  }
0x6: {  	_ = 	snop  }
0x7: {  	_ = 	snop  }
__scs_overlays_trampoline_lowered:
0x8: {  	[smem:$0x3FA8] =	sst s0  }
0x9: {  	[smem:$0x3FA9] =	sst s1  }
0xa: {  	[smem:$0x3FAA] =	sst s2  }
0xb: {  	[smem:$0x3FAB] =	sst s3  }
0xc: {  	[smem:$0x3FAC] =	sst s4  }
0xd: {  	[smem:$0x3FAD] =	sst s5  }
0xe: {  	[smem:$0x3FAE] =	sst s6  }
0xf: {  	[smem:$0x3FAF] =	sst s7  }
0x10: {  	[smem:$0x3FB0] =	sst s8  }
0x11: {  	[smem:$0x3FB1] =	sst s9;
	s0 =	simm.s32 @!p0 $0x0  }
0x12: {  	s1 =	sld [smem:$0x3F97];
	s0 =	simm.s32 @p0 $0x1  }
0x13: {  	[smem:$0x3FB2] =	sst s0;
	s0 =	simm.s32 @!p1 $0x0  }
0x14: {  	s2 =	sld [smem:$0x3F96];
	s0 =	simm.s32 @p1 $0x1  }
0x15: {  	[smem:$0x3FB3] =	sst s0;
	s0 =	simm.s32 @!p2 $0x0  }
0x16: {  	s3 =	sld [smem:$0x3FDB];
	s0 =	simm.s32 @p2 $0x1  }
0x17: {  	s4 =	simm.s32 $0x1BF5;
	[smem:$0x3FB5] =	sst s0  }
0x18: {  	s0 =	sld [smem:$0x3F98];
	_ =	swait.ge [sflag:s4], $0x0  }
0x19: {  	s7 =	sld [smem:$0x3F99]  }
0x1a: {  	s8 =	sadd.s32 $0xFFFFE003, lr  }
0x1b: {  	s9 =	sadd.s32 $0xFFFFFEF7, lr;
	s5 =	simm.s32 $0xFFFFFFFF;
	p2 =	slt.u32 s8, $0xFFFFF086  }
0x1c: {  	p1 =	slt.u32 s9, $0xF7A;
	s5 =	simm.s32 @!p2 $0x0  }
0x1d: {  	s5 =	simm.s32 @p1 $0x1;
	p0 =	seq.s32 s7, s2  }
0x1e: {  	s7 =	smul.u32 @!p0 $0xF7A, s2;
	p2 =	seq.s32 @!p0 s5, $0x0  }
0x1f: {  	s9 =	smul.u32 $0xF7A, s1;
	s8 =	simm.s32 @!p0 $0x1BF5;
	p2 =	por !p2, p0  }
0x20: {  	[sflag:s8] =	ssyncset.s32 @!p0 $0xFFFFF086;
	s6 =	sadd.s32 @!p0 s3, s7;
	s7 =	simm.s32 @!p0 $0x108  }
0x21: {  	s3 =	sadd.s32 s3, s9;
	s6 =	sadd.s32 @!p0 $0x88, s6;
	s7 =	simm.s32 @p2 $0x1082  }
0x22: {  	[simem:s7], [sflag:s8] =	dma.local @!p0 [hbm:s6], $0xF7A  }
0x23: {  	s9 =	sor.u32 $0xD0000000, s2;
	s6 =	simm.s32 $0x108;
	_ =	swait.ge @!p0 [sflag:s8], $0x0  }
0x24: {  	s3 =	sadd.s32 $0x88, s3;
	s6 =	simm.s32 @!p1 $0x1082;
	[sflag:s4] =	ssyncset.s32 $0xFFFFF086  }
0x25: {  	[simem:s6], [sflag:s4] =	dma.local [hbm:s3], $0xF7A  }
0x26: {  	[smem:$0x3F99] =	sst s1;
	(tag) =	ssettag s2;
	_ =	strace s9  }
0x27: {  	s1 =	sld [smem:$0x3FA9]  }
0x28: {  	s2 =	sld [smem:$0x3FAA]  }
0x29: {  	s4 =	sld [smem:$0x3FAC]  }
0x2a: {  	p0 =	seq.s32 s5, $0x0;
	s5 =	sld [smem:$0x3FAD]  }
0x2b: {  	s6 =	sld [smem:$0x3FAE]  }
0x2c: {  	s7 =	sld [smem:$0x3FAF]  }
0x2d: {  	s3 =	simm.s32 $0x108;
	s8 =	sld [smem:$0x3FB0]  }
0x2e: {  	s3 =	simm.s32 @!p0 $0x1082;
	s9 =	sld [smem:$0x3FB1]  }
0x2f: {  	lr =	sadd.s32 s0, s3;
	s0 =	sld [smem:$0x3FA8]  }
0x30: {  	s3 =	sld [smem:$0x3FAB]  }
0x31: {  	[smem:$0x3FB4] =	sst s10  }
0x32: {  	s10 =	sld [smem:$0x3FB2];
	_ =	sdelay $0x3  }
0x33: {  	p0 =	seq.s32 s10, $0x1;
	s10 =	sld [smem:$0x3FB4];
	_ =	sdelay $0x3  }
0x34: {  	[smem:$0x3FB4] =	sst s10  }
0x35: {  	s10 =	sld [smem:$0x3FB3];
	_ =	sdelay $0x3  }
0x36: {  	p1 =	seq.s32 s10, $0x1;
	s10 =	sld [smem:$0x3FB4];
	_ =	sdelay $0x3  }
0x37: {  	[smem:$0x3FB4] =	sst s10  }
0x38: {  	s10 =	sld [smem:$0x3FB5]  }
0x39: {  	_ = 	snop;
	(pc) =	sbr.ind lr, $3  }
0x3a: {  	_ = 	snop  }
0x3b: {  	_ = 	snop  }
0x3c: {  	p2 =	seq.s32 s10, $0x1;
	s10 =	sld [smem:$0x3FB4]  }
0x3d: {  	_ =	shalt  }
0x3e: {  	_ =	shalt  }
0x3f: {  	_ =	shalt  }
0x40: {  	_ =	shalt  }
0x41: {  	_ =	shalt  }
0x42: {  	_ =	shalt  }
0x43: {  	_ =	shalt  }
0x44: {  	_ =	shalt  }
0x45: {  	_ =	shalt  }
0x46: {  	_ =	shalt  }
0x47: {  	_ =	shalt  }
0x48: {  	_ =	shalt  }
0x49: {  	_ =	shalt  }
0x4a: {  	_ =	shalt  }
0x4b: {  	_ =	shalt  }
0x4c: {  	_ =	shalt  }
0x4d: {  	_ =	shalt  }
0x4e: {  	_ =	shalt  }
0x4f: {  	_ =	shalt  }
0x50: {  	_ =	shalt  }
0x51: {  	_ =	shalt  }
0x52: {  	_ =	shalt  }
0x53: {  	_ =	shalt  }
0x54: {  	_ =	shalt  }
0x55: {  	_ =	shalt  }
0x56: {  	_ =	shalt  }
0x57: {  	_ =	shalt  }
0x58: {  	_ =	shalt  }
0x59: {  	_ =	shalt  }
0x5a: {  	_ =	shalt  }
0x5b: {  	_ =	shalt  }
0x5c: {  	_ =	shalt  }
0x5d: {  	_ =	shalt  }
0x5e: {  	_ =	shalt  }
0x5f: {  	_ =	shalt  }
0x60: {  	_ =	shalt  }
0x61: {  	_ =	shalt  }
0x62: {  	_ =	shalt  }
0x63: {  	_ =	shalt  }
0x64: {  	_ =	shalt  }
0x65: {  	_ =	shalt  }
0x66: {  	_ =	shalt  }
0x67: {  	_ =	shalt  }
0x68: {  	_ =	shalt  }
0x69: {  	_ =	shalt  }
0x6a: {  	_ =	shalt  }
0x6b: {  	_ =	shalt  }
0x6c: {  	_ =	shalt  }
0x6d: {  	_ =	shalt  }
0x6e: {  	_ =	shalt  }
0x6f: {  	_ =	shalt  }
0x70: {  	_ =	shalt  }
0x71: {  	_ =	shalt  }
0x72: {  	_ =	shalt  }
0x73: {  	_ =	shalt  }
0x74: {  	_ =	shalt  }
0x75: {  	_ =	shalt  }
0x76: {  	_ =	shalt  }
0x77: {  	_ =	shalt  }
0x78: {  	_ =	shalt  }
0x79: {  	_ =	shalt  }
0x7a: {  	_ =	shalt  }
0x7b: {  	_ =	shalt  }
0x7c: {  	_ =	shalt  }
0x7d: {  	_ =	shalt  }
0x7e: {  	_ =	shalt  }
0x7f: {  	_ =	shalt  }
0x80: {  	_ =	shalt  }
0x81: {  	_ =	shalt  }
0x82: {  	_ =	shalt  }
0x83: {  	_ =	shalt  }
0x84: {  	_ =	shalt  }
0x85: {  	_ =	shalt  }
0x86: {  	_ =	shalt  }
0x87: {  	_ =	shalt  }
.Lfunc_end0:
.L_simem_size_0:
called_computation.1_lowered:
.L_overlay_start_0:
0x88: {  	s2 =	sld [smem:$0x3FD9]  }
0x89: {  	s3 =	sld [smem:$0x3FFE];
	_ =	sdelay $0x1  }
0x8a: {  	s1 =	srdreg.scid  }
0x8b: {  	s0 =	sand.u32 $0x1, s1  }
0x8c: {  	s17 =	sshll.u32 s0, $0xA;
	s2 =	sadd.s32 s3, s2  }
0x8d: {  	s2 =	sadd.s32 s2, s17  }
0x8e: {  	[smem:$0x3FC0] =	sst s2  }
0x8f: {  	_ = 	snop  }
0x90: {  	s2 =	sld [smem:$0x3FD0];
	(tm) =	ssettm $0x1  }
0x91: {  	s18 =	sld [smem:$0x3FFB];
	_ =	sdelay $0x3  }
0x92: {  	_ =	strace s18  }
0x93: {  	s3 =	sld [smem:$0x3FFC];
	_ =	sdelay $0x3  }
0x94: {  	_ =	strace s3  }
0x95: {  	s3 =	sld [smem:$0x3FFD];
	_ =	sdelay $0x3  }
0x96: {  	_ =	strace s3  }
0x97: {  	_ =	strace $0x8FFFFFFF  }
0x98: {  	s19 =	sld [smem:$0x3FDB];
	_ =	sdelay $0x1  }
0x99: {  	s4 =	simm.s32 $_scs_section_size  }
0x9a: {  	s5 =	simm.s32 $_size__tile_overlayer_lowered;
	s6 =	simm.s32 $_tile_overlayer_lowered  }
0x9b: {  	s22 =	simm.s32 $0x1BFF;
	s21 =	sshll.u32 s6, $0x1;
	s3 =	sadd.s32 s4, s19  }
0x9c: {  	s7 =	simm.s32 $0x0;
	s20 =	sshll.u32 s5, $0x1;
	s5 =	sadd.s32 s21, s3  }
0x9d: {  	[timem:s7], [sflag:s22] =	dma.local [hbm:s5], s20  }
0x9e: {  	_ =	swait.ge [sflag:s22], s20  }
0x9f: {  	s4 =	ssub.s32 $0x0, s20;
	[sflag:s22] =	ssyncset.done $0x0  }
0xa0: {  	[sflag:s22] =	ssyncadd.s32 s4;
	_ =	sdelay $0x1  }
0xa1: {  	s23 =	simm.s32 $0x1B8B  }
0xa2: {  	_ =	swait.ge [sflag:s23], $0x1  }
0xa3: {  	[sflag:s23] =	ssyncset.done $0x0  }
0xa4: {  	s25 =	simm.s32 $0x1B8E;
	s24 =	sld [smem:$0x3FFE];
	[sflag:s23] =	ssyncadd.s32 $0xFFFFFFFF  }
0xa5: {  	s26 =	simm.s32 $execute0_lowered;
	[smem:$0x3FD2] =	sst s25  }
0xa6: {  	s5 =	sshll.u32 s26, $0x1;
	_ =	strace $0x80000049;
	[dreg:$0x1] =	wrdreg $0xFFFFFFFF  }
0xa7: {  	s28 =	simm.s32 $_size_execute0_lowered;
	s3 =	sadd.s32 s3, s5;
	[dreg:$0x0] =	wrdreg $0x0  }
0xa8: {  	s5 =	sshll.u32 s28, $0x1;
	[dreg:$0x2] =	wrdreg s3  }
0xa9: {  	[dreg:$0x3] =	wrdreg s5  }
0xaa: {  	[dreg:$0x4] =	wrdreg $0xC0  }
0xab: {  	_ =	task [dreg:s7], $0x5FFFF  }
0xac: {  	[dreg:$0x1] =	wrdreg $0xFFFFFFFF  }
0xad: {  	[dreg:$0x0] =	wrdreg $0x60  }
0xae: {  	[dreg:$0x2] =	wrdreg s2  }
0xaf: {  	[dreg:$0x3] =	wrdreg s24  }
0xb0: {  	[dreg:$0x4] =	wrdreg $0x0  }
0xb1: {  	[dreg:$0x5] =	wrdreg $0x9  }
0xb2: {  	_ =	task.clear_ibuf [dreg:s7], $0x6FFFF;
	_ =	strace $0x90000049  }
0xb3: {  	s29 =	simm.s32 $0x9;
	_ =	strace $0x8000004B  }
0xb4: {  	_ =	swait.ge [sflag:s29], $0x1  }
0xb5: {  	[sflag:s29] =	ssyncadd.s32 $0xFFFFFFFF  }
0xb6: {  	_ =	strace $0x9000004B  }
0xb7: {  	_ =	sfence  }
0xb8: {  	s30 =	sld [smem:$0x0];
	_ =	sdelay $0x2  }
0xb9: {  	s31 =	sshll.u32 s1, $0xD;
	s1 =	sshrl.u32 s1, $0x2  }
0xba: {  	s3 =	sand.u32 $0x4000, s31;
	s1 =	sadd.s32 s1, s30  }
0xbb: {  	s0 =	sor.u32 s3, s0;
	s1 =	sshll.u32 s1, $0x11  }
0xbc: {  	s0 =	sor.u32 s1, s0  }
0xbd: {  	s0 =	sadd.s32 $0x8F2B, s0  }
0xbe: {  	[sflag:s0] =	ssyncadd.remote.s32 $0x1  }
0xbf: {  	_ =	sfence.sel $0xFFFF  }
0xc0: {  	[dreg:$0x0] =	wrdreg $0xFFFFFFFF;
	(pc) =	sbr.abs _section_cstart, $3  }
0xc1: {  	[dreg:$0x1] =	wrdreg $0xFFFFFFFF  }
0xc2: {  	_ =	task.clear_ibuf [dreg:s7], $0x2FFFF;
	_ =	strace $0x9FFFFFFF  }
0xc3: {  	(tm) =	ssettm $0x7FFFFFFF  }
tec
execute0_lowered:
.L_overlay_start_1:
0x0: {  	(tag) =	ssettag $0x1  }
0x1: {  	s1 =	rddreg [dreg:$0x0]  }
0x2: {  	s0 =	rddreg [dreg:$0x1]  }
0x3: {  	s3 =	rddreg [dreg:$0x2]  }
0x4: {  	s2 =	srdreg.scid;
	s7 =	stileid.u32  }
0x5: {  	s8 =	simm.s32 $0x0;
	s20 =	simm.s32 $0xA000;
	s21 =	simm.s32 $0xB  }
0x6: {  	s29 =	simm.s32 $0x12E80;
	s31 =	simm.s32 $0x14DC0;
	s28 =	simm.s32 $0x6  }
0x7: {  	s30 =	simm.s32 $0x1;
	s9 =	simm.s32 $0x5;
	s10 =	simm.s32 $0xA  }
0x8: {  	s11 =	simm.s32 $0x0;
	s2 =	sand.u32 $0x1, s2;
	s6 =	smul.u32 $0xA000, s7  }
0x9: {  	s5 =	sshll.u32 s7, $0x1;
	[smem:$0x7FF] =	sst s8;
	s7 =	smul.u32 $0x28000, s7  }
0xa: {  	s8 =	simm.s32 $0x9;
	s4 =	smul.u32 $0xA0000, s2;
	s5 =	sor.u32 s2, s5  }
0xb: {  	_ =	strace $0x8000004A;
	s2 =	ssub.s32 $0x2, s2;
	s5 =	smul.u32 $0x500, s5  }
0xc: {  	s16 =	sshrl.u32 s2, $0x1;
	s18 =	sshrl.u32 s7, $0x2;
	s19 =	sadd.s32 s6, s3  }
0xd: {  	s4 =	sadd.s32 s6, s4;
	s2 =	ssub.s32 s2, s16;
	s7 =	sadd.s32 s18, s3  }
0xe: {  	s6 =	simm.s32 $0x4;
	s4 =	sshrl.u32 s4, $0x3;
	s2 =	smax.u32 s2, $0x1  }
0xf: {  	s5 =	sadd.s32 s5, s0;
	s22 =	sadd.s32 $0x1000, s7;
	[dreg:$0x7] =	wrdreg s2  }
0x10: {  	s23 =	sadd.s32 $0x2000, s7;
	s24 =	sadd.s32 $0x3000, s7;
	[dreg:$0x8] =	wrdreg s22  }
0x11: {  	s25 =	sadd.s32 $0x4000, s7;
	s26 =	sadd.s32 $0x5000, s7;
	[dreg:$0x9] =	wrdreg s23  }
0x12: {  	s15 =	sadd.s32 $0x6000, s7;
	s16 =	sadd.s32 $0x7000, s7;
	[dreg:$0xa] =	wrdreg s24  }
0x13: {  	s18 =	sadd.s32 $0x9000, s7;
	s0 =	sadd.s32 s4, s0;
	[dreg:$0xb] =	wrdreg s25  }
0x14: {  	s17 =	sadd.s32 $0x1800, s5;
	s5 =	sadd.s32 $0xB800, s5;
	[dreg:$0xc] =	wrdreg s26  }
0x15: {  	s22 =	simm.s32 $0x7D;
	s23 =	simm.s32 $0xF000;
	s25 =	sshrl.u32 s19, $0x3  }
0x16: {  	s26 =	simm.s32 $0x10F40;
	s19 =	simm.s32 $0x16D00;
	s2 =	simm.s32 $0x18C40  }
0x17: {  	s24 =	simm.s32 $0x7;
	s4 =	simm.s32 $0x3;
	[dreg:$0x4] =	wrdreg s17  }
0x18: {  	[dreg:$0x5] =	wrdreg s5;
	s0 =	sadd.s32 $0x65800, s0;
	s17 =	sadd.s32 $0x8000, s7  }
0x19: {  	v0 =	vimm.f32 $0.0e+00;
	s5 =	simm.s32 $0x8;
	[dreg:$0x6] =	wrdreg s0;
	s0 =	simm.s32 $0x2  }
.LBB2_1:
0x1a: {  	s12 =	simm.s32 $0x0;
	s13 =	rddreg [dreg:$0x4];
	s14 =	simm.s32 $0xC800  }
0x1b: {  	[tilespmem:s14], [sflag:$0x6] =	stream.linear.gather [hbm4b:s13+s12], $0x2800, $0x38;
	[tilespmem:$0x19C40] =	vst v63  }
0x1c: {  	s14 =	rddreg [dreg:$0x5]  }
0x1d: {  	[tilespmem:s20], [sflag:$0xB] =	stream.linear.gather [hbm4b:s14+s12], $0x2800, $0x38;
	[tilespmem:$0x19C40] =	vst v63  }
0x1e: {  	_ =	swait.ge [sflag:s21], $0x2800  }
0x1f: {  	[sflag:s21] =	ssyncset.done $0x0  }
0x20: {  	[sflag:s21] =	ssyncadd.s32 $0xFFFFD800  }
0x21: {  	[tilespmem:s23], [sflag:$0x1] =	stream.indirect.gather [hbm4b:s1+s22], $0x40, s20, s22, $0xb8;
	[tilespmem:$0x19C40] =	vst v63  }
0x22: {  	s13 =	simm.s32 $0xA080  }
0x23: {  	[tilespmem:s26], [sflag:$0x2] =	stream.indirect.gather [hbm4b:s1+s22], $0x40, s13, s22, $0xb8;
	[tilespmem:$0x19C40] =	vst v63  }
0x24: {  	s14 =	simm.s32 $0xA100  }
0x25: {  	[tilespmem:s29], [sflag:$0x3] =	stream.indirect.gather [hbm4b:s1+s22], $0x40, s14, s22, $0xb8;
	[tilespmem:$0x19C40] =	vst v63  }
0x26: {  	s13 =	simm.s32 $0xA180  }
0x27: {  	[tilespmem:s31], [sflag:$0x4] =	stream.indirect.gather [hbm4b:s1+s22], $0x40, s13, s22, $0xb8;
	[tilespmem:$0x19C40] =	vst v63  }
0x28: {  	s12 =	simm.s32 $0x0;
	s14 =	simm.s32 $0xA200;
	s13 =	simm.s32 $0x100  }
0x29: {  	[tilespmem:s19], [sflag:$0x5] =	stream.indirect.gather [hbm4b:s1+s22], $0x40, s14, s22, $0xb8;
	[tilespmem:$0x19C40] =	vst v63  }
.LBB2_2:
0x2a: {  	p0 =	sne.s32 s13, $0x3F00;
	[tilespmem:s12+$0x18C70] =	vst v0;
	s14 =	smov.u32 s13;
	s13 =	sadd.s32 $0x100, s13  }
.Ltmp0:
0x2b: {  	[tilespmem:s12+$0x18C60] =	vst v0;
	(pc) =	sbr.rel @p0 .LBB2_2-.Ltmp0, $3  }
0x2c: {  	[tilespmem:s12+$0x18C40] =	vst v0  }
0x2d: {  	[tilespmem:s12+$0x18C50] =	vst v0;
	_ =	sdelay $0x1  }
0x2e: {  	s12 =	sshra.s32 s14, $0x2  }
0x2f: {  	[tilespmem:s12+$0x18C70] =	vst v0  }
0x30: {  	[tilespmem:s12+$0x18C60] =	vst v0  }
0x31: {  	[tilespmem:s12+$0x18C40] =	vst v0  }
0x32: {  	[tilespmem:s12+$0x18C50] =	vst v0  }
0x33: {  	[spmem:s7] =	stream.linear.scatter [tilespmem:s2], [sflag:$0x7], $0x1000, $0x38;
	[tilespmem:$0x19C40] =	vst v63  }
0x34: {  	s13 =	rddreg [dreg:$0x8]  }
0x35: {  	[spmem:s13] =	stream.linear.scatter [tilespmem:s2], [sflag:$0x7], $0x1000, $0x38;
	[tilespmem:$0x19C40] =	vst v63  }
0x36: {  	s14 =	rddreg [dreg:$0x9]  }
0x37: {  	[spmem:s14] =	stream.linear.scatter [tilespmem:s2], [sflag:$0x7], $0x1000, $0x38;
	[tilespmem:$0x19C40] =	vst v63  }
0x38: {  	s13 =	rddreg [dreg:$0xa]  }
0x39: {  	[spmem:s13] =	stream.linear.scatter [tilespmem:s2], [sflag:$0x7], $0x1000, $0x38;
	[tilespmem:$0x19C40] =	vst v63  }
0x3a: {  	s14 =	rddreg [dreg:$0xb]  }
0x3b: {  	[spmem:s14] =	stream.linear.scatter [tilespmem:s2], [sflag:$0x7], $0x1000, $0x38;
	[tilespmem:$0x19C40] =	vst v63  }
0x3c: {  	s13 =	rddreg [dreg:$0xc]  }
0x3d: {  	[spmem:s13] =	stream.linear.scatter [tilespmem:s2], [sflag:$0x7], $0x1000, $0x38;
	[tilespmem:$0x19C40] =	vst v63  }
0x3e: {  	_ = 	snop  }
0x3f: {  	[spmem:s15] =	stream.linear.scatter [tilespmem:s2], [sflag:$0x7], $0x1000, $0x38;
	[tilespmem:$0x19C40] =	vst v63  }
0x40: {  	_ = 	snop  }
0x41: {  	[spmem:s16] =	stream.linear.scatter [tilespmem:s2], [sflag:$0x7], $0x1000, $0x38;
	[tilespmem:$0x19C40] =	vst v63  }
0x42: {  	_ = 	snop  }
0x43: {  	[spmem:s17] =	stream.linear.scatter [tilespmem:s2], [sflag:$0x7], $0x1000, $0x38;
	[tilespmem:$0x19C40] =	vst v63  }
0x44: {  	_ = 	snop  }
0x45: {  	[spmem:s18] =	stream.linear.scatter [tilespmem:s2], [sflag:$0x7], $0x1000, $0x38;
	[tilespmem:$0x19C40] =	vst v63  }
0x46: {  	_ =	swait.ge [sflag:s24], $0x1000  }
0x47: {  	[sflag:s24] =	ssyncset.done $0x0  }
0x48: {  	[sflag:s24] =	ssyncadd.s32 $0xFFFFF000  }
0x49: {  	_ =	swait.ge [sflag:s24], $0x1000  }
0x4a: {  	[sflag:s24] =	ssyncset.done $0x0  }
0x4b: {  	[sflag:s24] =	ssyncadd.s32 $0xFFFFF000  }
0x4c: {  	_ =	swait.ge [sflag:s24], $0x1000  }
0x4d: {  	[sflag:s24] =	ssyncset.done $0x0  }
0x4e: {  	[sflag:s24] =	ssyncadd.s32 $0xFFFFF000  }
0x4f: {  	_ =	swait.ge [sflag:s24], $0x1000  }
0x50: {  	[sflag:s24] =	ssyncset.done $0x0  }
0x51: {  	[sflag:s24] =	ssyncadd.s32 $0xFFFFF000  }
0x52: {  	_ =	swait.ge [sflag:s24], $0x1000  }
0x53: {  	[sflag:s24] =	ssyncset.done $0x0  }
0x54: {  	[sflag:s24] =	ssyncadd.s32 $0xFFFFF000  }
0x55: {  	_ =	swait.ge [sflag:s24], $0x1000  }
0x56: {  	[sflag:s24] =	ssyncset.done $0x0  }
0x57: {  	[sflag:s24] =	ssyncadd.s32 $0xFFFFF000  }
0x58: {  	_ =	swait.ge [sflag:s24], $0x1000  }
0x59: {  	[sflag:s24] =	ssyncset.done $0x0  }
0x5a: {  	[sflag:s24] =	ssyncadd.s32 $0xFFFFF000  }
0x5b: {  	_ =	swait.ge [sflag:s24], $0x1000  }
0x5c: {  	[sflag:s24] =	ssyncset.done $0x0  }
0x5d: {  	[sflag:s24] =	ssyncadd.s32 $0xFFFFF000  }
0x5e: {  	_ =	swait.ge [sflag:s24], $0x1000  }
0x5f: {  	[sflag:s24] =	ssyncset.done $0x0  }
0x60: {  	[sflag:s24] =	ssyncadd.s32 $0xFFFFF000  }
0x61: {  	_ =	swait.ge [sflag:s24], $0x1000  }
0x62: {  	[sflag:s24] =	ssyncset.done $0x0  }
0x63: {  	[sflag:s24] =	ssyncadd.s32 $0xFFFFF000  }
0x64: {  	_ =	swait.ge [sflag:s28], $0x2800  }
0x65: {  	[sflag:s28] =	ssyncset.done $0x0  }
0x66: {  	[sflag:s28] =	ssyncadd.s32 $0xFFFFD800  }
0x67: {  	[bflag:$0x0] =	sbarrier.arrive $0xFFFF  }
0x68: {  	_ =	swait.ge [sflag:s30], $0x1F40  }
0x69: {  	[sflag:s30] =	ssyncset.done $0x0  }
0x6a: {  	s14 =	simm.s32 $0xC800;
	[sflag:s30] =	ssyncadd.s32 $0xFFFFE0C0  }
0x6b: {  	[spmem:s3] =	stream.indirect.scatter.add.f32 [tilespmem:s23], [sflag:$0x6], $0x40, s14, s22, $0xb8;
	[tilespmem:$0x19C40] =	vst v63  }
0x6c: {  	_ =	swait.ge [sflag:s28], $0x1F40  }
0x6d: {  	[sflag:s28] =	ssyncset.done $0x0  }
0x6e: {  	s13 =	simm.s32 $0xA280;
	[sflag:s28] =	ssyncadd.s32 $0xFFFFE0C0  }
0x6f: {  	[tilespmem:s23], [sflag:$0x1] =	stream.indirect.gather [hbm4b:s1+s22], $0x40, s13, s22, $0xb8;
	[tilespmem:$0x19C40] =	vst v63  }
0x70: {  	_ =	swait.ge [sflag:s0], $0x1F40  }
0x71: {  	[sflag:s0] =	ssyncset.done $0x0  }
0x72: {  	s14 =	simm.s32 $0xC880;
	[sflag:s0] =	ssyncadd.s32 $0xFFFFE0C0  }
0x73: {  	[spmem:s3] =	stream.indirect.scatter.add.f32 [tilespmem:s26], [sflag:$0x7], $0x40, s14, s22, $0xb8;
	[tilespmem:$0x19C40] =	vst v63  }
0x74: {  	_ =	swait.ge [sflag:s24], $0x1F40  }
0x75: {  	[sflag:s24] =	ssyncset.done $0x0  }
0x76: {  	s13 =	simm.s32 $0xA300;
	[sflag:s24] =	ssyncadd.s32 $0xFFFFE0C0  }
0x77: {  	[tilespmem:s26], [sflag:$0x2] =	stream.indirect.gather [hbm4b:s1+s22], $0x40, s13, s22, $0xb8;
	[tilespmem:$0x19C40] =	vst v63  }
0x78: {  	_ =	swait.ge [sflag:s4], $0x1F40  }
0x79: {  	[sflag:s4] =	ssyncset.done $0x0  }
0x7a: {  	s14 =	simm.s32 $0xC900;
	[sflag:s4] =	ssyncadd.s32 $0xFFFFE0C0  }
0x7b: {  	[spmem:s3] =	stream.indirect.scatter.add.f32 [tilespmem:s29], [sflag:$0x8], $0x40, s14, s22, $0xb8;
	[tilespmem:$0x19C40] =	vst v63  }
0x7c: {  	_ =	swait.ge [sflag:s5], $0x1F40  }
0x7d: {  	[sflag:s5] =	ssyncset.done $0x0  }
0x7e: {  	s13 =	simm.s32 $0xA380;
	[sflag:s5] =	ssyncadd.s32 $0xFFFFE0C0  }
0x7f: {  	[tilespmem:s29], [sflag:$0x3] =	stream.indirect.gather [hbm4b:s1+s22], $0x40, s13, s22, $0xb8;
	[tilespmem:$0x19C40] =	vst v63  }
0x80: {  	_ =	swait.ge [sflag:s6], $0x1F40  }
0x81: {  	[sflag:s6] =	ssyncset.done $0x0  }
0x82: {  	s14 =	simm.s32 $0xC980;
	[sflag:s6] =	ssyncadd.s32 $0xFFFFE0C0  }
0x83: {  	[spmem:s3] =	stream.indirect.scatter.add.f32 [tilespmem:s31], [sflag:$0x9], $0x40, s14, s22, $0xb8;
	[tilespmem:$0x19C40] =	vst v63  }
0x84: {  	_ =	swait.ge [sflag:s8], $0x1F40  }
0x85: {  	[sflag:s8] =	ssyncset.done $0x0  }
0x86: {  	s13 =	simm.s32 $0xA400;
	[sflag:s8] =	ssyncadd.s32 $0xFFFFE0C0  }
0x87: {  	[tilespmem:s31], [sflag:$0x4] =	stream.indirect.gather [hbm4b:s1+s22], $0x40, s13, s22, $0xb8;
	[tilespmem:$0x19C40] =	vst v63  }
0x88: {  	_ =	swait.ge [sflag:s9], $0x1F40  }
0x89: {  	[sflag:s9] =	ssyncset.done $0x0  }
0x8a: {  	s14 =	simm.s32 $0xCA00;
	[sflag:s9] =	ssyncadd.s32 $0xFFFFE0C0  }
0x8b: {  	[spmem:s3] =	stream.indirect.scatter.add.f32 [tilespmem:s19], [sflag:$0xA], $0x40, s14, s22, $0xb8;
	[tilespmem:$0x19C40] =	vst v63  }
0x8c: {  	_ =	swait.ge [sflag:s10], $0x1F40  }
0x8d: {  	[sflag:s10] =	ssyncset.done $0x0  }
0x8e: {  	s12 =	simm.s32 $0xA00;
	s13 =	simm.s32 $0xA480;
	[sflag:s10] =	ssyncadd.s32 $0xFFFFE0C0  }
.LBB2_4:
0x8f: {  	[tilespmem:s19], [sflag:$0x5] =	stream.indirect.gather [hbm4b:s1+s22], $0x40, s13, s22, $0xb8;
	[tilespmem:$0x19C40] =	vst v63  }
0x90: {  	s13 =	smov.u32 s12  }
0x91: {  	p0 =	sne.s32 s12, $0x8C00;
	s12 =	sadd.s32 $0xA00, s12;
	_ =	swait.ge [sflag:s30], $0x1F40  }
0x92: {  	s13 =	sshra.s32 s13, $0x2;
	[sflag:s30] =	ssyncset.done $0x0  }
0x93: {  	s14 =	sadd.s32 $0xC800, s13;
	[sflag:s30] =	ssyncadd.s32 $0xFFFFE0C0  }
0x94: {  	[spmem:s3] =	stream.indirect.scatter.add.f32 [tilespmem:s23], [sflag:$0x6], $0x40, s14, s22, $0xb8;
	[tilespmem:$0x19C40] =	vst v63  }
0x95: {  	_ =	swait.ge [sflag:s28], $0x1F40  }
0x96: {  	[sflag:s28] =	ssyncset.done $0x0  }
0x97: {  	s14 =	sadd.s32 $0xA280, s13;
	[sflag:s28] =	ssyncadd.s32 $0xFFFFE0C0  }
0x98: {  	[tilespmem:s23], [sflag:$0x1] =	stream.indirect.gather [hbm4b:s1+s22], $0x40, s14, s22, $0xb8;
	[tilespmem:$0x19C40] =	vst v63  }
0x99: {  	_ =	swait.ge [sflag:s0], $0x1F40  }
0x9a: {  	[sflag:s0] =	ssyncset.done $0x0  }
0x9b: {  	s14 =	sadd.s32 $0xC880, s13;
	[sflag:s0] =	ssyncadd.s32 $0xFFFFE0C0  }
0x9c: {  	[spmem:s3] =	stream.indirect.scatter.add.f32 [tilespmem:s26], [sflag:$0x7], $0x40, s14, s22, $0xb8;
	[tilespmem:$0x19C40] =	vst v63  }
0x9d: {  	_ =	swait.ge [sflag:s24], $0x1F40  }
0x9e: {  	[sflag:s24] =	ssyncset.done $0x0  }
0x9f: {  	s14 =	sadd.s32 $0xA300, s13;
	[sflag:s24] =	ssyncadd.s32 $0xFFFFE0C0  }
0xa0: {  	[tilespmem:s26], [sflag:$0x2] =	stream.indirect.gather [hbm4b:s1+s22], $0x40, s14, s22, $0xb8;
	[tilespmem:$0x19C40] =	vst v63  }
0xa1: {  	_ =	swait.ge [sflag:s4], $0x1F40  }
0xa2: {  	[sflag:s4] =	ssyncset.done $0x0  }
0xa3: {  	s14 =	sadd.s32 $0xC900, s13;
	[sflag:s4] =	ssyncadd.s32 $0xFFFFE0C0  }
0xa4: {  	[spmem:s3] =	stream.indirect.scatter.add.f32 [tilespmem:s29], [sflag:$0x8], $0x40, s14, s22, $0xb8;
	[tilespmem:$0x19C40] =	vst v63  }
0xa5: {  	_ =	swait.ge [sflag:s5], $0x1F40  }
0xa6: {  	[sflag:s5] =	ssyncset.done $0x0  }
0xa7: {  	s14 =	sadd.s32 $0xA380, s13;
	[sflag:s5] =	ssyncadd.s32 $0xFFFFE0C0  }
0xa8: {  	[tilespmem:s29], [sflag:$0x3] =	stream.indirect.gather [hbm4b:s1+s22], $0x40, s14, s22, $0xb8;
	[tilespmem:$0x19C40] =	vst v63  }
0xa9: {  	_ =	swait.ge [sflag:s6], $0x1F40  }
0xaa: {  	[sflag:s6] =	ssyncset.done $0x0  }
0xab: {  	s14 =	sadd.s32 $0xC980, s13;
	[sflag:s6] =	ssyncadd.s32 $0xFFFFE0C0  }
0xac: {  	[spmem:s3] =	stream.indirect.scatter.add.f32 [tilespmem:s31], [sflag:$0x9], $0x40, s14, s22, $0xb8;
	[tilespmem:$0x19C40] =	vst v63  }
0xad: {  	_ =	swait.ge [sflag:s8], $0x1F40  }
0xae: {  	[sflag:s8] =	ssyncset.done $0x0  }
0xaf: {  	s14 =	sadd.s32 $0xA400, s13;
	[sflag:s8] =	ssyncadd.s32 $0xFFFFE0C0  }
0xb0: {  	[tilespmem:s31], [sflag:$0x4] =	stream.indirect.gather [hbm4b:s1+s22], $0x40, s14, s22, $0xb8;
	[tilespmem:$0x19C40] =	vst v63  }
0xb1: {  	_ =	swait.ge [sflag:s9], $0x1F40  }
0xb2: {  	[sflag:s9] =	ssyncset.done $0x0  }
.Ltmp1:
0xb3: {  	s14 =	sadd.s32 $0xCA00, s13;
	[sflag:s9] =	ssyncadd.s32 $0xFFFFE0C0;
	(pc) =	sbr.rel @p0 .LBB2_4-.Ltmp1, $4  }
0xb4: {  	[spmem:s3] =	stream.indirect.scatter.add.f32 [tilespmem:s19], [sflag:$0xA], $0x40, s14, s22, $0xb8;
	[tilespmem:$0x19C40] =	vst v63  }
0xb5: {  	_ =	swait.ge [sflag:s10], $0x1F40  }
0xb6: {  	[sflag:s10] =	ssyncset.done $0x0  }
0xb7: {  	s13 =	sadd.s32 $0xA480, s13;
	[sflag:s10] =	ssyncadd.s32 $0xFFFFE0C0  }
0xb8: {  	[tilespmem:s19], [sflag:$0x5] =	stream.indirect.gather [hbm4b:s1+s22], $0x40, s13, s22, $0xb8;
	[tilespmem:$0x19C40] =	vst v63  }
0xb9: {  	_ =	swait.ge [sflag:s30], $0x1F40  }
0xba: {  	[sflag:s30] =	ssyncset.done $0x0  }
0xbb: {  	s12 =	simm.s32 $0xED80;
	[sflag:s30] =	ssyncadd.s32 $0xFFFFE0C0  }
0xbc: {  	[spmem:s3] =	stream.indirect.scatter.add.f32 [tilespmem:s23], [sflag:$0x6], $0x40, s12, s22, $0xb8;
	[tilespmem:$0x19C40] =	vst v63  }
0xbd: {  	_ =	swait.ge [sflag:s28], $0x1F40  }
0xbe: {  	[sflag:s28] =	ssyncset.done $0x0  }
0xbf: {  	[sflag:s28] =	ssyncadd.s32 $0xFFFFE0C0  }
0xc0: {  	_ =	swait.ge [sflag:s0], $0x1F40  }
0xc1: {  	[sflag:s0] =	ssyncset.done $0x0  }
0xc2: {  	s13 =	simm.s32 $0xEE00;
	[sflag:s0] =	ssyncadd.s32 $0xFFFFE0C0  }
0xc3: {  	[spmem:s3] =	stream.indirect.scatter.add.f32 [tilespmem:s26], [sflag:$0x7], $0x40, s13, s22, $0xb8;
	[tilespmem:$0x19C40] =	vst v63  }
0xc4: {  	_ =	swait.ge [sflag:s24], $0x1F40  }
0xc5: {  	[sflag:s24] =	ssyncset.done $0x0  }
0xc6: {  	[sflag:s24] =	ssyncadd.s32 $0xFFFFE0C0  }
0xc7: {  	_ =	swait.ge [sflag:s4], $0x1F40  }
0xc8: {  	[sflag:s4] =	ssyncset.done $0x0  }
0xc9: {  	s14 =	simm.s32 $0xEE80;
	[sflag:s4] =	ssyncadd.s32 $0xFFFFE0C0  }
0xca: {  	[spmem:s3] =	stream.indirect.scatter.add.f32 [tilespmem:s29], [sflag:$0x8], $0x40, s14, s22, $0xb8;
	[tilespmem:$0x19C40] =	vst v63  }
0xcb: {  	_ =	swait.ge [sflag:s5], $0x1F40  }
0xcc: {  	[sflag:s5] =	ssyncset.done $0x0  }
0xcd: {  	[sflag:s5] =	ssyncadd.s32 $0xFFFFE0C0  }
0xce: {  	_ =	swait.ge [sflag:s6], $0x1F40  }
0xcf: {  	[sflag:s6] =	ssyncset.done $0x0  }
0xd0: {  	s13 =	simm.s32 $0xEF00;
	[sflag:s6] =	ssyncadd.s32 $0xFFFFE0C0  }
0xd1: {  	[spmem:s3] =	stream.indirect.scatter.add.f32 [tilespmem:s31], [sflag:$0x9], $0x40, s13, s22, $0xb8;
	[tilespmem:$0x19C40] =	vst v63  }
0xd2: {  	_ =	swait.ge [sflag:s8], $0x1F40  }
0xd3: {  	[sflag:s8] =	ssyncset.done $0x0  }
0xd4: {  	[sflag:s8] =	ssyncadd.s32 $0xFFFFE0C0  }
0xd5: {  	_ =	swait.ge [sflag:s9], $0x1F40  }
0xd6: {  	[sflag:s9] =	ssyncset.done $0x0  }
0xd7: {  	s14 =	simm.s32 $0xEF80;
	[sflag:s9] =	ssyncadd.s32 $0xFFFFE0C0  }
0xd8: {  	[spmem:s3] =	stream.indirect.scatter.add.f32 [tilespmem:s19], [sflag:$0xA], $0x40, s14, s22, $0xb8;
	[tilespmem:$0x19C40] =	vst v63  }
0xd9: {  	_ =	swait.ge [sflag:s10], $0x1F40  }
0xda: {  	[sflag:s10] =	ssyncset.done $0x0  }
0xdb: {  	s13 =	stileid.u32;
	[sflag:s10] =	ssyncadd.s32 $0xFFFFE0C0  }
0xdc: {  	s12 =	sshll.u32 s13, $0x6;
	[bflag:$0x0] =	sbarrier.arrive $0xFFFF  }
0xdd: {  	s12 =	sor.u32 $0x1C06, s12;
	s14 =	rddreg [dreg:$0x6]  }
0xde: {  	[hbm:s14], [sflag:s12] =	dma.local [spmem:s25], $0x1400  }
0xdf: {  	_ =	swait.ge [sflag:s28], $0x1400  }
0xe0: {  	s11 =	sadd.s32 $0x1, s11;
	s14 =	rddreg [dreg:$0x7]  }
0xe1: {  	p0 =	sne.s32 s11, s14  }
.Ltmp2:
0xe2: {  	_ = 	snop;
	(pc) =	sbr.rel @p0 .LBB2_1-.Ltmp2, $3  }
0xe3: {  	_ =	sdelay $0x1  }
0xe4: {  	[sflag:s28] =	ssyncset.done $0x0  }
0xe5: {  	[sflag:s28] =	ssyncadd.s32 $0xFFFFEC00  }
0xe6: {  	_ =	sfence.sel $0x180000  }
0xe7: {  	[bflag:$0x0] =	sbarrier.arrive $0xFFFF  }
0xe8: {  	_ =	strace $0x9000004A  }
0xe9: {  	s0 =	stileid.u32;
	[bflag:$0x2] =	sbarrier.arrive $0xFFFF  }
0xea: {  	p0 =	sne.s32 s0, $0x0;
	s0 =	rddreg [dreg:$0x3]  }
0xeb: {  	s0 =	sadd.s32 @!p0 $0x100000, s0  }
0xec: {  	[sflag:s0] =	ssyncadd.tile.s32 @!p0 $0x1;
	_ =	shalt  }
.Lfunc_end2:
_tile_overlayer_lowered:
.L_overlay_start_2:
0xed: {  	(tag) =	ssettag $0x2  }
0xee: {  	s0 =	rddreg [dreg:$0x0];
	s2 =	stileid.u32  }
0xef: {  	s1 =	rddreg [dreg:$0x1];
	p0 =	sne.s32 s2, $0x0  }
0xf0: {  	s3 =	rddreg [dreg:$0x2];
	[bflag:$0x3] =	sbarrier.arrive $0xFFFF;
	s2 =	simm.s32 @!p0 $0x1C0B  }
0xf1: {  	[timem:s3], [sflag:s2] =	dma.local @!p0 [hbm:s0], s1  }
0xf2: {  	s0 =	simm.s32 @!p0 $0xB  }
0xf3: {  	_ =	swait.ge @!p0 [sflag:s0], s1  }
0xf4: {  	s1 =	ssub.s32 @!p0 $0x0, s1;
	[sflag:s0] =	ssyncset.done @!p0 $0x0  }
0xf5: {  	[sflag:s0] =	ssyncadd.s32 @!p0 s1  }
0xf6: {  	[bflag:$0x3] =	sbarrier.arrive $0xFFFF  }
0xf7: {  	_ =	shalt  }

// kernel: kernel.9.cloned.1.call-start
scs
__scs_entry_jumppad:
0x0: {  	(pc) =	sbr.rel $0x88, $3  }
0x1: {  	(tag) =	ssettag $0x0;
	lr =	simm.s32 $0x1  }
0x2: {  	[smem:$0x3F99] =	sst lr;
	_ =	strace $0xD0000000  }
0x3: {  	_ = 	snop  }
0x4: {  	_ = 	snop  }
0x5: {  	_ = 	snop  }
0x6: {  	_ = 	snop  }
0x7: {  	_ = 	snop  }
__scs_overlays_trampoline_lowered:
0x8: {  	[smem:$0x3FA8] =	sst s0  }
0x9: {  	[smem:$0x3FA9] =	sst s1  }
0xa: {  	[smem:$0x3FAA] =	sst s2  }
0xb: {  	[smem:$0x3FAB] =	sst s3  }
0xc: {  	[smem:$0x3FAC] =	sst s4  }
0xd: {  	[smem:$0x3FAD] =	sst s5  }
0xe: {  	[smem:$0x3FAE] =	sst s6  }
0xf: {  	[smem:$0x3FAF] =	sst s7  }
0x10: {  	[smem:$0x3FB0] =	sst s8  }
0x11: {  	[smem:$0x3FB1] =	sst s9;
	s0 =	simm.s32 @!p0 $0x0  }
0x12: {  	s1 =	sld [smem:$0x3F97];
	s0 =	simm.s32 @p0 $0x1  }
0x13: {  	[smem:$0x3FB2] =	sst s0;
	s0 =	simm.s32 @!p1 $0x0  }
0x14: {  	s2 =	sld [smem:$0x3F96];
	s0 =	simm.s32 @p1 $0x1  }
0x15: {  	[smem:$0x3FB3] =	sst s0;
	s0 =	simm.s32 @!p2 $0x0  }
0x16: {  	s3 =	sld [smem:$0x3FDB];
	s0 =	simm.s32 @p2 $0x1  }
0x17: {  	s4 =	simm.s32 $0x1BF5;
	[smem:$0x3FB5] =	sst s0  }
0x18: {  	s0 =	sld [smem:$0x3F98];
	_ =	swait.ge [sflag:s4], $0x0  }
0x19: {  	s7 =	sld [smem:$0x3F99]  }
0x1a: {  	s8 =	sadd.s32 $0xFFFFE003, lr  }
0x1b: {  	s9 =	sadd.s32 $0xFFFFFEF7, lr;
	s5 =	simm.s32 $0xFFFFFFFF;
	p2 =	slt.u32 s8, $0xFFFFF086  }
0x1c: {  	p1 =	slt.u32 s9, $0xF7A;
	s5 =	simm.s32 @!p2 $0x0  }
0x1d: {  	s5 =	simm.s32 @p1 $0x1;
	p0 =	seq.s32 s7, s2  }
0x1e: {  	s7 =	smul.u32 @!p0 $0xF7A, s2;
	p2 =	seq.s32 @!p0 s5, $0x0  }
0x1f: {  	s9 =	smul.u32 $0xF7A, s1;
	s8 =	simm.s32 @!p0 $0x1BF5;
	p2 =	por !p2, p0  }
0x20: {  	[sflag:s8] =	ssyncset.s32 @!p0 $0xFFFFF086;
	s6 =	sadd.s32 @!p0 s3, s7;
	s7 =	simm.s32 @!p0 $0x108  }
0x21: {  	s3 =	sadd.s32 s3, s9;
	s6 =	sadd.s32 @!p0 $0x88, s6;
	s7 =	simm.s32 @p2 $0x1082  }
0x22: {  	[simem:s7], [sflag:s8] =	dma.local @!p0 [hbm:s6], $0xF7A  }
0x23: {  	s9 =	sor.u32 $0xD0000000, s2;
	s6 =	simm.s32 $0x108;
	_ =	swait.ge @!p0 [sflag:s8], $0x0  }
0x24: {  	s3 =	sadd.s32 $0x88, s3;
	s6 =	simm.s32 @!p1 $0x1082;
	[sflag:s4] =	ssyncset.s32 $0xFFFFF086  }
0x25: {  	[simem:s6], [sflag:s4] =	dma.local [hbm:s3], $0xF7A  }
0x26: {  	[smem:$0x3F99] =	sst s1;
	(tag) =	ssettag s2;
	_ =	strace s9  }
0x27: {  	s1 =	sld [smem:$0x3FA9]  }
0x28: {  	s2 =	sld [smem:$0x3FAA]  }
0x29: {  	s4 =	sld [smem:$0x3FAC]  }
0x2a: {  	p0 =	seq.s32 s5, $0x0;
	s5 =	sld [smem:$0x3FAD]  }
0x2b: {  	s6 =	sld [smem:$0x3FAE]  }
0x2c: {  	s7 =	sld [smem:$0x3FAF]  }
0x2d: {  	s3 =	simm.s32 $0x108;
	s8 =	sld [smem:$0x3FB0]  }
0x2e: {  	s3 =	simm.s32 @!p0 $0x1082;
	s9 =	sld [smem:$0x3FB1]  }
0x2f: {  	lr =	sadd.s32 s0, s3;
	s0 =	sld [smem:$0x3FA8]  }
0x30: {  	s3 =	sld [smem:$0x3FAB]  }
0x31: {  	[smem:$0x3FB4] =	sst s10  }
0x32: {  	s10 =	sld [smem:$0x3FB2];
	_ =	sdelay $0x3  }
0x33: {  	p0 =	seq.s32 s10, $0x1;
	s10 =	sld [smem:$0x3FB4];
	_ =	sdelay $0x3  }
0x34: {  	[smem:$0x3FB4] =	sst s10  }
0x35: {  	s10 =	sld [smem:$0x3FB3];
	_ =	sdelay $0x3  }
0x36: {  	p1 =	seq.s32 s10, $0x1;
	s10 =	sld [smem:$0x3FB4];
	_ =	sdelay $0x3  }
0x37: {  	[smem:$0x3FB4] =	sst s10  }
0x38: {  	s10 =	sld [smem:$0x3FB5]  }
0x39: {  	_ = 	snop;
	(pc) =	sbr.ind lr, $3  }
0x3a: {  	_ = 	snop  }
0x3b: {  	_ = 	snop  }
0x3c: {  	p2 =	seq.s32 s10, $0x1;
	s10 =	sld [smem:$0x3FB4]  }
0x3d: {  	_ =	shalt  }
0x3e: {  	_ =	shalt  }
0x3f: {  	_ =	shalt  }
0x40: {  	_ =	shalt  }
0x41: {  	_ =	shalt  }
0x42: {  	_ =	shalt  }
0x43: {  	_ =	shalt  }
0x44: {  	_ =	shalt  }
0x45: {  	_ =	shalt  }
0x46: {  	_ =	shalt  }
0x47: {  	_ =	shalt  }
0x48: {  	_ =	shalt  }
0x49: {  	_ =	shalt  }
0x4a: {  	_ =	shalt  }
0x4b: {  	_ =	shalt  }
0x4c: {  	_ =	shalt  }
0x4d: {  	_ =	shalt  }
0x4e: {  	_ =	shalt  }
0x4f: {  	_ =	shalt  }
0x50: {  	_ =	shalt  }
0x51: {  	_ =	shalt  }
0x52: {  	_ =	shalt  }
0x53: {  	_ =	shalt  }
0x54: {  	_ =	shalt  }
0x55: {  	_ =	shalt  }
0x56: {  	_ =	shalt  }
0x57: {  	_ =	shalt  }
0x58: {  	_ =	shalt  }
0x59: {  	_ =	shalt  }
0x5a: {  	_ =	shalt  }
0x5b: {  	_ =	shalt  }
0x5c: {  	_ =	shalt  }
0x5d: {  	_ =	shalt  }
0x5e: {  	_ =	shalt  }
0x5f: {  	_ =	shalt  }
0x60: {  	_ =	shalt  }
0x61: {  	_ =	shalt  }
0x62: {  	_ =	shalt  }
0x63: {  	_ =	shalt  }
0x64: {  	_ =	shalt  }
0x65: {  	_ =	shalt  }
0x66: {  	_ =	shalt  }
0x67: {  	_ =	shalt  }
0x68: {  	_ =	shalt  }
0x69: {  	_ =	shalt  }
0x6a: {  	_ =	shalt  }
0x6b: {  	_ =	shalt  }
0x6c: {  	_ =	shalt  }
0x6d: {  	_ =	shalt  }
0x6e: {  	_ =	shalt  }
0x6f: {  	_ =	shalt  }
0x70: {  	_ =	shalt  }
0x71: {  	_ =	shalt  }
0x72: {  	_ =	shalt  }
0x73: {  	_ =	shalt  }
0x74: {  	_ =	shalt  }
0x75: {  	_ =	shalt  }
0x76: {  	_ =	shalt  }
0x77: {  	_ =	shalt  }
0x78: {  	_ =	shalt  }
0x79: {  	_ =	shalt  }
0x7a: {  	_ =	shalt  }
0x7b: {  	_ =	shalt  }
0x7c: {  	_ =	shalt  }
0x7d: {  	_ =	shalt  }
0x7e: {  	_ =	shalt  }
0x7f: {  	_ =	shalt  }
0x80: {  	_ =	shalt  }
0x81: {  	_ =	shalt  }
0x82: {  	_ =	shalt  }
0x83: {  	_ =	shalt  }
0x84: {  	_ =	shalt  }
0x85: {  	_ =	shalt  }
0x86: {  	_ =	shalt  }
0x87: {  	_ =	shalt  }
.Lfunc_end0:
.L_simem_size_0:
called_computation_lowered:
.L_overlay_start_0:
0x88: {  	s2 =	sld [smem:$0x3FD9]  }
0x89: {  	s3 =	sld [smem:$0x3FFE];
	_ =	sdelay $0x1  }
0x8a: {  	s1 =	srdreg.scid  }
0x8b: {  	s0 =	sand.u32 $0x1, s1  }
0x8c: {  	s17 =	sshll.u32 s0, $0xA;
	s2 =	sadd.s32 s3, s2  }
0x8d: {  	s2 =	sadd.s32 s2, s17  }
0x8e: {  	[smem:$0x3FC0] =	sst s2  }
0x8f: {  	_ = 	snop  }
0x90: {  	s2 =	sld [smem:$0x3FD0];
	(tm) =	ssettm $0x1  }
0x91: {  	s18 =	sld [smem:$0x3FFB];
	_ =	sdelay $0x3  }
0x92: {  	_ =	strace s18  }
0x93: {  	s3 =	sld [smem:$0x3FFC];
	_ =	sdelay $0x3  }
0x94: {  	_ =	strace s3  }
0x95: {  	s3 =	sld [smem:$0x3FFD];
	_ =	sdelay $0x3  }
0x96: {  	_ =	strace s3  }
0x97: {  	_ =	strace $0x8FFFFFFF  }
0x98: {  	s19 =	sld [smem:$0x3FDB];
	_ =	sdelay $0x1  }
0x99: {  	s4 =	simm.s32 $_scs_section_size  }
0x9a: {  	s5 =	simm.s32 $_size__tile_overlayer_lowered;
	s6 =	simm.s32 $_tile_overlayer_lowered  }
0x9b: {  	s22 =	simm.s32 $0x1BFF;
	s21 =	sshll.u32 s6, $0x1;
	s3 =	sadd.s32 s4, s19  }
0x9c: {  	s7 =	simm.s32 $0x0;
	s20 =	sshll.u32 s5, $0x1;
	s5 =	sadd.s32 s21, s3  }
0x9d: {  	[timem:s7], [sflag:s22] =	dma.local [hbm:s5], s20  }
0x9e: {  	_ =	swait.ge [sflag:s22], s20  }
0x9f: {  	s4 =	ssub.s32 $0x0, s20;
	[sflag:s22] =	ssyncset.done $0x0  }
0xa0: {  	[sflag:s22] =	ssyncadd.s32 s4;
	_ =	sdelay $0x1  }
0xa1: {  	s23 =	simm.s32 $0x1B8B  }
0xa2: {  	_ =	swait.ge [sflag:s23], $0x1  }
0xa3: {  	[sflag:s23] =	ssyncset.done $0x0  }
0xa4: {  	s25 =	simm.s32 $0x1B8E;
	s24 =	sld [smem:$0x3FFE];
	[sflag:s23] =	ssyncadd.s32 $0xFFFFFFFF  }
0xa5: {  	s26 =	simm.s32 $execute0_lowered;
	[smem:$0x3FD2] =	sst s25  }
0xa6: {  	s5 =	sshll.u32 s26, $0x1;
	_ =	strace $0x80000046;
	[dreg:$0x1] =	wrdreg $0xFFFFFFFF  }
0xa7: {  	s28 =	simm.s32 $_size_execute0_lowered;
	s3 =	sadd.s32 s3, s5;
	[dreg:$0x0] =	wrdreg $0x0  }
0xa8: {  	s5 =	sshll.u32 s28, $0x1;
	[dreg:$0x2] =	wrdreg s3  }
0xa9: {  	[dreg:$0x3] =	wrdreg s5  }
0xaa: {  	[dreg:$0x4] =	wrdreg $0xC0  }
0xab: {  	_ =	task [dreg:s7], $0x5FFFF  }
0xac: {  	[dreg:$0x1] =	wrdreg $0xFFFFFFFF  }
0xad: {  	[dreg:$0x0] =	wrdreg $0x60  }
0xae: {  	[dreg:$0x2] =	wrdreg s2  }
0xaf: {  	[dreg:$0x3] =	wrdreg s24  }
0xb0: {  	[dreg:$0x4] =	wrdreg $0x0  }
0xb1: {  	[dreg:$0x5] =	wrdreg $0xA0000  }
0xb2: {  	[dreg:$0x6] =	wrdreg $0x9  }
0xb3: {  	_ =	task.clear_ibuf [dreg:s7], $0x7FFFF;
	_ =	strace $0x90000046  }
0xb4: {  	s29 =	simm.s32 $0x9;
	_ =	strace $0x80000048  }
0xb5: {  	_ =	swait.ge [sflag:s29], $0x1  }
0xb6: {  	[sflag:s29] =	ssyncadd.s32 $0xFFFFFFFF  }
0xb7: {  	_ =	strace $0x90000048  }
0xb8: {  	_ =	sfence  }
0xb9: {  	s30 =	sld [smem:$0x0];
	_ =	sdelay $0x2  }
0xba: {  	s31 =	sshll.u32 s1, $0xD;
	s1 =	sshrl.u32 s1, $0x2  }
0xbb: {  	s3 =	sand.u32 $0x4000, s31;
	s1 =	sadd.s32 s1, s30  }
0xbc: {  	s0 =	sor.u32 s3, s0;
	s1 =	sshll.u32 s1, $0x11  }
0xbd: {  	s0 =	sor.u32 s1, s0  }
0xbe: {  	s0 =	sadd.s32 $0x8F2B, s0  }
0xbf: {  	[sflag:s0] =	ssyncadd.remote.s32 $0x1  }
0xc0: {  	_ =	sfence.sel $0xFFFF  }
0xc1: {  	[dreg:$0x0] =	wrdreg $0xFFFFFFFF;
	(pc) =	sbr.abs _section_cstart, $3  }
0xc2: {  	[dreg:$0x1] =	wrdreg $0xFFFFFFFF  }
0xc3: {  	_ =	task.clear_ibuf [dreg:s7], $0x2FFFF;
	_ =	strace $0x9FFFFFFF  }
0xc4: {  	(tm) =	ssettm $0x7FFFFFFF  }
0xc5: {  	_ =	shalt  }
tec
execute0_lowered:
.L_overlay_start_1:
0x0: {  	(tag) =	ssettag $0x1  }
0x1: {  	s1 =	rddreg [dreg:$0x0]  }
0x2: {  	s5 =	rddreg [dreg:$0x1]  }
0x3: {  	s0 =	srdreg.scid;
	s3 =	rddreg [dreg:$0x2]  }
0x4: {  	s10 =	stileid.u32;
	s4 =	rddreg [dreg:$0x3]  }
0x5: {  	s9 =	simm.s32 $0x0;
	s29 =	simm.s32 $0x11680;
	s7 =	smul.u32 $0xA000, s10  }
0x6: {  	s30 =	simm.s32 $0x11780;
	s31 =	simm.s32 $0x0;
	s15 =	smul.u32 $0x2800, s10  }
0x7: {  	s0 =	sand.u32 $0x1, s0;
	s2 =	sshll.u32 s10, $0x1;
	s18 =	smul.u32 $0x28000, s10  }
0x8: {  	[smem:$0x7FF] =	sst s9;
	s2 =	sor.u32 s0, s2;
	s6 =	smul.u32 $0xA0000, s0  }
0x9: {  	s8 =	smul.u32 $0x28000, s0;
	_ =	strace $0x80000047;
	s0 =	ssub.s32 $0x2, s0  }
0xa: {  	s2 =	smul.u32 $0x500, s2;
	s16 =	sshrl.u32 s0, $0x1;
	s19 =	sshrl.u32 s18, $0x2  }
0xb: {  	s20 =	sshrl.u32 s7, $0x2;
	s6 =	sadd.s32 s7, s6;
	s8 =	sadd.s32 s15, s8  }
0xc: {  	s0 =	ssub.s32 s0, s16;
	s21 =	sadd.s32 s20, s4;
	s2 =	sadd.s32 s2, s5  }
0xd: {  	s6 =	sshrl.u32 s6, $0x3;
	s0 =	smax.u32 s0, $0x1;
	[dreg:$0xb] =	wrdreg s21  }
0xe: {  	s8 =	sshrl.u32 s8, $0x3;
	s11 =	sadd.s32 $0x1800, s2;
	[dreg:$0x9] =	wrdreg s0  }
0xf: {  	s6 =	sadd.s32 s6, s5;
	s2 =	sadd.s32 $0xB800, s2;
	[dreg:$0x5] =	wrdreg s11  }
0x10: {  	s5 =	sadd.s32 s8, s5;
	s0 =	sadd.s32 s19, s3;
	[dreg:$0x6] =	wrdreg s2  }
0x11: {  	s8 =	smul.u32 $0x280, s10;
	s17 =	sadd.s32 $0x15800, s6;
	[dreg:$0xa] =	wrdreg s0  }
0x12: {  	s6 =	sadd.s32 s7, s3;
	s5 =	sadd.s32 $0x3D800, s5;
	[dreg:$0x7] =	wrdreg s17  }
0x13: {  	[dreg:$0x8] =	wrdreg s5;
	s5 =	sadd.s32 s15, s4;
	s22 =	sor.u32 $0x40, s8  }
0x14: {  	s24 =	sadd.s32 $0x80, s8;
	s28 =	sadd.s32 $0xC0, s8;
	s10 =	sadd.s32 $0x100, s8  }
0x15: {  	s12 =	sadd.s32 $0x140, s8;
	s15 =	sadd.s32 $0x180, s8;
	s18 =	sadd.s32 $0x1C0, s8  }
0x16: {  	s20 =	sadd.s32 $0x200, s8;
	s23 =	sshll.u32 s22, $0x6;
	s0 =	sshll.u32 s22, $0x4  }
0x17: {  	s25 =	sshll.u32 s24, $0x6;
	s26 =	sshll.u32 s24, $0x4;
	s7 =	sshll.u32 s28, $0x6  }
0x18: {  	s11 =	sshll.u32 s10, $0x6;
	s13 =	sshll.u32 s12, $0x6;
	s14 =	sshll.u32 s12, $0x4  }
0x19: {  	s16 =	sshll.u32 s15, $0x6;
	s19 =	sshll.u32 s18, $0x6;
	s21 =	sshll.u32 s20, $0x6  }
0x1a: {  	s22 =	sshll.u32 s20, $0x4;
	s12 =	simm.s32 $0x19500;
	s2 =	sadd.s32 s23, s3  }
0x1b: {  	s20 =	simm.s32 $0x2;
	s0 =	sadd.s32 s0, s4;
	[dreg:$0xc] =	wrdreg s2  }
0x1c: {  	s23 =	sadd.s32 $0x240, s8;
	s8 =	simm.s32 $0x11800;
	[dreg:$0xd] =	wrdreg s0  }
0x1d: {  	s0 =	sadd.s32 s25, s3;
	s2 =	sshll.u32 s28, $0x4;
	s24 =	sshll.u32 s23, $0x6  }
0x1e: {  	s28 =	sshrl.u32 s5, $0x3;
	s5 =	simm.s32 $0x11700;
	[dreg:$0xe] =	wrdreg s0  }
0x1f: {  	s0 =	sadd.s32 s26, s4;
	s9 =	sadd.s32 s2, s4;
	[dreg:$0x1f] =	wrdreg s28  }
0x20: {  	s2 =	sadd.s32 s11, s3;
	s26 =	sshrl.u32 s6, $0x3;
	[dreg:$0xf] =	wrdreg s0  }
0x21: {  	s6 =	simm.s32 $0xB;
	s11 =	simm.s32 $0x175C0;
	[dreg:$0x11] =	wrdreg s9  }
0x22: {  	s0 =	sadd.s32 s7, s3;
	[dreg:$0x12] =	wrdreg s2;
	s2 =	sshll.u32 s15, $0x4  }
0x23: {  	[dreg:$0x1e] =	wrdreg s26;
	s7 =	simm.s32 $0x7D;
	s9 =	simm.s32 $0x13740  }
0x24: {  	s15 =	simm.s32 $0x7;
	[dreg:$0x10] =	wrdreg s0;
	s17 =	sadd.s32 s2, s4  }
0x25: {  	s0 =	sshll.u32 s10, $0x4;
	s2 =	sadd.s32 s19, s3;
	[dreg:$0x17] =	wrdreg s17  }
0x26: {  	s10 =	simm.s32 $0x15680;
	s0 =	sadd.s32 s0, s4;
	[dreg:$0x18] =	wrdreg s2  }
0x27: {  	s2 =	sshll.u32 s23, $0x4;
	[dreg:$0x13] =	wrdreg s0;
	s0 =	sadd.s32 s13, s3  }
0x28: {  	s19 =	simm.s32 $0x1C440;
	s25 =	sadd.s32 s2, s4;
	[dreg:$0x14] =	wrdreg s0  }
0x29: {  	s17 =	simm.s32 $0x6;
	s0 =	sadd.s32 s14, s4;
	[dreg:$0x1d] =	wrdreg s25  }
0x2a: {  	s23 =	simm.s32 $0x9;
	[dreg:$0x15] =	wrdreg s0;
	s0 =	sadd.s32 s16, s3  }
0x2b: {  	s13 =	simm.s32 $0x1B440;
	[dreg:$0x16] =	wrdreg s0;
	s0 =	sshll.u32 s18, $0x4  }
0x2c: {  	s14 =	simm.s32 $0x1CC10;
	s25 =	simm.s32 $0xA;
	s0 =	sadd.s32 s0, s4  }
0x2d: {  	s16 =	simm.s32 $0x8;
	[dreg:$0x19] =	wrdreg s0;
	s0 =	sadd.s32 s21, s3  }
0x2e: {  	s18 =	simm.s32 $0x1;
	[dreg:$0x1a] =	wrdreg s0;
	s0 =	sadd.s32 s22, s4  }
0x2f: {  	s21 =	simm.s32 $0x3;
	[dreg:$0x1b] =	wrdreg s0;
	s0 =	sadd.s32 s24, s3  }
0x30: {  	v0 =	vimm.f32 $0.0e+00;
	v1 =	vimm.f32 $1.000000000e+00;
	s22 =	simm.s32 $0x4;
	s24 =	simm.s32 $0x5;
	[dreg:$0x1c] =	wrdreg s0  }
.LBB2_1:
0x31: {  	s0 =	simm.s32 $0x0;
	s2 =	rddreg [dreg:$0x5];
	s26 =	simm.s32 $0xF000  }
0x32: {  	[tilespmem:s26], [sflag:$0x6] =	stream.linear.gather [hbm4b:s2+s0], $0x2800, $0x38;
	[tilespmem:$0x1D010] =	vst v63  }
0x33: {  	s28 =	simm.s32 $0xC800;
	s26 =	rddreg [dreg:$0x6]  }
0x34: {  	[tilespmem:s28], [sflag:$0xB] =	stream.linear.gather [hbm4b:s26+s0], $0x2800, $0x38;
	[tilespmem:$0x1D010] =	vst v63  }
0x35: {  	_ =	swait.ge [sflag:s6], $0x2800  }
0x36: {  	[sflag:s6] =	ssyncset.done $0x0  }
0x37: {  	[sflag:s6] =	ssyncadd.s32 $0xFFFFD800  }
0x38: {  	[tilespmem:s8], [sflag:$0x1] =	stream.indirect.gather [hbm4b:s1+s7], $0x40, s28, s7, $0xb8;
	[tilespmem:$0x1D010] =	vst v63  }
0x39: {  	s28 =	simm.s32 $0xC880  }
0x3a: {  	[tilespmem:s9], [sflag:$0x2] =	stream.indirect.gather [hbm4b:s1+s7], $0x40, s28, s7, $0xb8;
	[tilespmem:$0x1D010] =	vst v63  }
0x3b: {  	s2 =	simm.s32 $0xC900  }
0x3c: {  	[tilespmem:s10], [sflag:$0x3] =	stream.indirect.gather [hbm4b:s1+s7], $0x40, s2, s7, $0xb8;
	[tilespmem:$0x1D010] =	vst v63  }
0x3d: {  	s26 =	simm.s32 $0xC980  }
0x3e: {  	[tilespmem:s11], [sflag:$0x4] =	stream.indirect.gather [hbm4b:s1+s7], $0x40, s26, s7, $0xb8;
	[tilespmem:$0x1D010] =	vst v63  }
0x3f: {  	s0 =	simm.s32 $0x1B460;
	s28 =	simm.s32 $0xCA00;
	s2 =	simm.s32 $0x0  }
0x40: {  	[tilespmem:s12], [sflag:$0x5] =	stream.indirect.gather [hbm4b:s1+s7], $0x40, s28, s7, $0xb8;
	[tilespmem:$0x1D010] =	vst v63  }
.LBB2_2:
0x41: {  	p0 =	sne.s32 s2, $0xFC0  }
.Ltmp0:
0x42: {  	[tilespmem:s0+$0xFFFFFFE0] =	vst v0;
	(pc) =	sbr.rel @p0 .LBB2_2-.Ltmp0, $4  }
0x43: {  	[tilespmem:s0+$0xFFFFFFF0] =	vst v0  }
0x44: {  	[tilespmem:s0+$0x0] =	vst v0  }
0x45: {  	[tilespmem:s0+$0x10] =	vst v0;
	s26 =	sshra.s32 s2, $0x2  }
0x46: {  	s0 =	sadd.s32 $0x40, s0;
	s2 =	sadd.s32 $0x40, s2;
	[tilespmem:s26+$0x1CC10] =	vst v0  }
0x47: {  	s0 =	simm.s32 $0x40;
	s2 =	simm.s32 $0x0  }
.LBB2_4:
0x48: {  	p0 =	sne.s32 s0, $0x1F00;
	[tilespmem:s2+$0x1C440] =	vst v1;
	s2 =	smov.u32 s0;
	s0 =	sadd.s32 $0x40, s0  }
.Ltmp1:
0x49: {  	(pc) =	sbr.rel @p0 .LBB2_4-.Ltmp1, $2  }
0x4a: {  	_ =	sdelay $0x2  }
0x4b: {  	s2 =	sshra.s32 s2, $0x2  }
0x4c: {  	[tilespmem:s2+$0x1C440] =	vst v1;
	s0 =	rddreg [dreg:$0xa]  }
0x4d: {  	[spmem:s0] =	stream.linear.scatter [tilespmem:s13], [sflag:$0x7], $0x1000, $0x38;
	[tilespmem:$0x1D010] =	vst v63  }
0x4e: {  	s26 =	rddreg [dreg:$0xb]  }
0x4f: {  	[spmem:s26] =	stream.linear.scatter [tilespmem:s14], [sflag:$0x8], $0x400, $0x38;
	[tilespmem:$0x1D010] =	vst v63  }
0x50: {  	s28 =	rddreg [dreg:$0xc]  }
0x51: {  	[spmem:s28] =	stream.linear.scatter [tilespmem:s13], [sflag:$0x7], $0x1000, $0x38;
	[tilespmem:$0x1D010] =	vst v63  }
0x52: {  	s2 =	rddreg [dreg:$0xd]  }
0x53: {  	[spmem:s2] =	stream.linear.scatter [tilespmem:s14], [sflag:$0x8], $0x400, $0x38;
	[tilespmem:$0x1D010] =	vst v63  }
0x54: {  	s26 =	rddreg [dreg:$0xe]  }
0x55: {  	[spmem:s26] =	stream.linear.scatter [tilespmem:s13], [sflag:$0x7], $0x1000, $0x38;
	[tilespmem:$0x1D010] =	vst v63  }
0x56: {  	s28 =	rddreg [dreg:$0xf]  }
0x57: {  	[spmem:s28] =	stream.linear.scatter [tilespmem:s14], [sflag:$0x8], $0x400, $0x38;
	[tilespmem:$0x1D010] =	vst v63  }
0x58: {  	s2 =	rddreg [dreg:$0x10]  }
0x59: {  	[spmem:s2] =	stream.linear.scatter [tilespmem:s13], [sflag:$0x7], $0x1000, $0x38;
	[tilespmem:$0x1D010] =	vst v63  }
0x5a: {  	s26 =	rddreg [dreg:$0x11]  }
0x5b: {  	[spmem:s26] =	stream.linear.scatter [tilespmem:s14], [sflag:$0x8], $0x400, $0x38;
	[tilespmem:$0x1D010] =	vst v63  }
0x5c: {  	s28 =	rddreg [dreg:$0x12]  }
0x5d: {  	[spmem:s28] =	stream.linear.scatter [tilespmem:s13], [sflag:$0x7], $0x1000, $0x38;
	[tilespmem:$0x1D010] =	vst v63  }
0x5e: {  	s2 =	rddreg [dreg:$0x13]  }
0x5f: {  	[spmem:s2] =	stream.linear.scatter [tilespmem:s14], [sflag:$0x8], $0x400, $0x38;
	[tilespmem:$0x1D010] =	vst v63  }
0x60: {  	s26 =	rddreg [dreg:$0x14]  }
0x61: {  	[spmem:s26] =	stream.linear.scatter [tilespmem:s13], [sflag:$0x7], $0x1000, $0x38;
	[tilespmem:$0x1D010] =	vst v63  }
0x62: {  	s28 =	rddreg [dreg:$0x15]  }
0x63: {  	[spmem:s28] =	stream.linear.scatter [tilespmem:s14], [sflag:$0x8], $0x400, $0x38;
	[tilespmem:$0x1D010] =	vst v63  }
0x64: {  	s2 =	rddreg [dreg:$0x16]  }
0x65: {  	[spmem:s2] =	stream.linear.scatter [tilespmem:s13], [sflag:$0x7], $0x1000, $0x38;
	[tilespmem:$0x1D010] =	vst v63  }
0x66: {  	s26 =	rddreg [dreg:$0x17]  }
0x67: {  	[spmem:s26] =	stream.linear.scatter [tilespmem:s14], [sflag:$0x8], $0x400, $0x38;
	[tilespmem:$0x1D010] =	vst v63  }
0x68: {  	s28 =	rddreg [dreg:$0x18]  }
0x69: {  	[spmem:s28] =	stream.linear.scatter [tilespmem:s13], [sflag:$0x7], $0x1000, $0x38;
	[tilespmem:$0x1D010] =	vst v63  }
0x6a: {  	s2 =	rddreg [dreg:$0x19]  }
0x6b: {  	[spmem:s2] =	stream.linear.scatter [tilespmem:s14], [sflag:$0x8], $0x400, $0x38;
	[tilespmem:$0x1D010] =	vst v63  }
0x6c: {  	s26 =	rddreg [dreg:$0x1a]  }
0x6d: {  	[spmem:s26] =	stream.linear.scatter [tilespmem:s13], [sflag:$0x7], $0x1000, $0x38;
	[tilespmem:$0x1D010] =	vst v63  }
0x6e: {  	s28 =	rddreg [dreg:$0x1b]  }
0x6f: {  	[spmem:s28] =	stream.linear.scatter [tilespmem:s14], [sflag:$0x8], $0x400, $0x38;
	[tilespmem:$0x1D010] =	vst v63  }
0x70: {  	s2 =	rddreg [dreg:$0x1c]  }
0x71: {  	[spmem:s2] =	stream.linear.scatter [tilespmem:s13], [sflag:$0x7], $0x1000, $0x38;
	[tilespmem:$0x1D010] =	vst v63  }
0x72: {  	s26 =	rddreg [dreg:$0x1d]  }
0x73: {  	[spmem:s26] =	stream.linear.scatter [tilespmem:s14], [sflag:$0x8], $0x400, $0x38;
	[tilespmem:$0x1D010] =	vst v63  }
0x74: {  	_ =	swait.ge [sflag:s15], $0x1000  }
0x75: {  	[sflag:s15] =	ssyncset.done $0x0  }
0x76: {  	[sflag:s15] =	ssyncadd.s32 $0xFFFFF000  }
0x77: {  	_ =	swait.ge [sflag:s16], $0x400  }
0x78: {  	[sflag:s16] =	ssyncset.done $0x0  }
0x79: {  	[sflag:s16] =	ssyncadd.s32 $0xFFFFFC00  }
0x7a: {  	_ =	swait.ge [sflag:s15], $0x1000  }
0x7b: {  	[sflag:s15] =	ssyncset.done $0x0  }
0x7c: {  	[sflag:s15] =	ssyncadd.s32 $0xFFFFF000  }
0x7d: {  	_ =	swait.ge [sflag:s16], $0x400  }
0x7e: {  	[sflag:s16] =	ssyncset.done $0x0  }
0x7f: {  	[sflag:s16] =	ssyncadd.s32 $0xFFFFFC00  }
0x80: {  	_ =	swait.ge [sflag:s15], $0x1000  }
0x81: {  	[sflag:s15] =	ssyncset.done $0x0  }
0x82: {  	[sflag:s15] =	ssyncadd.s32 $0xFFFFF000  }
0x83: {  	_ =	swait.ge [sflag:s16], $0x400  }
0x84: {  	[sflag:s16] =	ssyncset.done $0x0  }
0x85: {  	[sflag:s16] =	ssyncadd.s32 $0xFFFFFC00  }
0x86: {  	_ =	swait.ge [sflag:s15], $0x1000  }
0x87: {  	[sflag:s15] =	ssyncset.done $0x0  }
0x88: {  	[sflag:s15] =	ssyncadd.s32 $0xFFFFF000  }
0x89: {  	_ =	swait.ge [sflag:s16], $0x400  }
0x8a: {  	[sflag:s16] =	ssyncset.done $0x0  }
0x8b: {  	[sflag:s16] =	ssyncadd.s32 $0xFFFFFC00  }
0x8c: {  	_ =	swait.ge [sflag:s15], $0x1000  }
0x8d: {  	[sflag:s15] =	ssyncset.done $0x0  }
0x8e: {  	[sflag:s15] =	ssyncadd.s32 $0xFFFFF000  }
0x8f: {  	_ =	swait.ge [sflag:s16], $0x400  }
0x90: {  	[sflag:s16] =	ssyncset.done $0x0  }
0x91: {  	[sflag:s16] =	ssyncadd.s32 $0xFFFFFC00  }
0x92: {  	_ =	swait.ge [sflag:s15], $0x1000  }
0x93: {  	[sflag:s15] =	ssyncset.done $0x0  }
0x94: {  	[sflag:s15] =	ssyncadd.s32 $0xFFFFF000  }
0x95: {  	_ =	swait.ge [sflag:s16], $0x400  }
0x96: {  	[sflag:s16] =	ssyncset.done $0x0  }
0x97: {  	[sflag:s16] =	ssyncadd.s32 $0xFFFFFC00  }
0x98: {  	_ =	swait.ge [sflag:s15], $0x1000  }
0x99: {  	[sflag:s15] =	ssyncset.done $0x0  }
0x9a: {  	[sflag:s15] =	ssyncadd.s32 $0xFFFFF000  }
0x9b: {  	_ =	swait.ge [sflag:s16], $0x400  }
0x9c: {  	[sflag:s16] =	ssyncset.done $0x0  }
0x9d: {  	[sflag:s16] =	ssyncadd.s32 $0xFFFFFC00  }
0x9e: {  	_ =	swait.ge [sflag:s15], $0x1000  }
0x9f: {  	[sflag:s15] =	ssyncset.done $0x0  }
0xa0: {  	[sflag:s15] =	ssyncadd.s32 $0xFFFFF000  }
0xa1: {  	_ =	swait.ge [sflag:s16], $0x400  }
0xa2: {  	[sflag:s16] =	ssyncset.done $0x0  }
0xa3: {  	[sflag:s16] =	ssyncadd.s32 $0xFFFFFC00  }
0xa4: {  	_ =	swait.ge [sflag:s15], $0x1000  }
0xa5: {  	[sflag:s15] =	ssyncset.done $0x0  }
0xa6: {  	[sflag:s15] =	ssyncadd.s32 $0xFFFFF000  }
0xa7: {  	_ =	swait.ge [sflag:s16], $0x400  }
0xa8: {  	[sflag:s16] =	ssyncset.done $0x0  }
0xa9: {  	[sflag:s16] =	ssyncadd.s32 $0xFFFFFC00  }
0xaa: {  	_ =	swait.ge [sflag:s15], $0x1000  }
0xab: {  	[sflag:s15] =	ssyncset.done $0x0  }
0xac: {  	[sflag:s15] =	ssyncadd.s32 $0xFFFFF000  }
0xad: {  	_ =	swait.ge [sflag:s16], $0x400  }
0xae: {  	[sflag:s16] =	ssyncset.done $0x0  }
0xaf: {  	[sflag:s16] =	ssyncadd.s32 $0xFFFFFC00  }
0xb0: {  	_ =	swait.ge [sflag:s17], $0x2800  }
0xb1: {  	[sflag:s17] =	ssyncset.done $0x0  }
0xb2: {  	[sflag:s17] =	ssyncadd.s32 $0xFFFFD800  }
0xb3: {  	[bflag:$0x0] =	sbarrier.arrive $0xFFFF  }
0xb4: {  	_ =	swait.ge [sflag:s18], $0x1F40  }
0xb5: {  	[sflag:s18] =	ssyncset.done $0x0  }
0xb6: {  	s28 =	simm.s32 $0xF000;
	[sflag:s18] =	ssyncadd.s32 $0xFFFFE0C0  }
0xb7: {  	[spmem:s3] =	stream.indirect.scatter.add.f32 [tilespmem:s8], [sflag:$0x6], $0x40, s28, s7, $0xb8;
	[tilespmem:$0x1D010] =	vst v63  }
0xb8: {  	_ = 	snop  }
0xb9: {  	[spmem:s4] =	stream.indirect.scatter.add.f32 [tilespmem:s19], [sflag:$0x6], $0x10, s28, s7, $0xb8;
	[tilespmem:$0x1D010] =	vst v63  }
0xba: {  	_ =	swait.ge [sflag:s17], $0x1F40  }
0xbb: {  	[sflag:s17] =	ssyncset.done $0x0  }
0xbc: {  	s2 =	simm.s32 $0xCA80;
	[sflag:s17] =	ssyncadd.s32 $0xFFFFE0C0  }
0xbd: {  	[tilespmem:s8], [sflag:$0x1] =	stream.indirect.gather [hbm4b:s1+s7], $0x40, s2, s7, $0xb8;
	[tilespmem:$0x1D010] =	vst v63  }
0xbe: {  	_ =	swait.ge [sflag:s17], $0x7D0  }
0xbf: {  	[sflag:s17] =	ssyncset.done $0x0  }
0xc0: {  	[sflag:s17] =	ssyncadd.s32 $0xFFFFF830  }
0xc1: {  	_ =	swait.ge [sflag:s20], $0x1F40  }
0xc2: {  	[sflag:s20] =	ssyncset.done $0x0  }
0xc3: {  	s26 =	simm.s32 $0xF080;
	[sflag:s20] =	ssyncadd.s32 $0xFFFFE0C0  }
0xc4: {  	[spmem:s3] =	stream.indirect.scatter.add.f32 [tilespmem:s9], [sflag:$0x7], $0x40, s26, s7, $0xb8;
	[tilespmem:$0x1D010] =	vst v63  }
0xc5: {  	_ = 	snop  }
0xc6: {  	[spmem:s4] =	stream.indirect.scatter.add.f32 [tilespmem:s19], [sflag:$0x7], $0x10, s26, s7, $0xb8;
	[tilespmem:$0x1D010] =	vst v63  }
0xc7: {  	_ =	swait.ge [sflag:s15], $0x1F40  }
0xc8: {  	[sflag:s15] =	ssyncset.done $0x0  }
0xc9: {  	s28 =	simm.s32 $0xCB00;
	[sflag:s15] =	ssyncadd.s32 $0xFFFFE0C0  }
0xca: {  	[tilespmem:s9], [sflag:$0x2] =	stream.indirect.gather [hbm4b:s1+s7], $0x40, s28, s7, $0xb8;
	[tilespmem:$0x1D010] =	vst v63  }
0xcb: {  	_ =	swait.ge [sflag:s15], $0x7D0  }
0xcc: {  	[sflag:s15] =	ssyncset.done $0x0  }
0xcd: {  	[sflag:s15] =	ssyncadd.s32 $0xFFFFF830  }
0xce: {  	_ =	swait.ge [sflag:s21], $0x1F40  }
0xcf: {  	[sflag:s21] =	ssyncset.done $0x0  }
0xd0: {  	s2 =	simm.s32 $0xF100;
	[sflag:s21] =	ssyncadd.s32 $0xFFFFE0C0  }
0xd1: {  	[spmem:s3] =	stream.indirect.scatter.add.f32 [tilespmem:s10], [sflag:$0x8], $0x40, s2, s7, $0xb8;
	[tilespmem:$0x1D010] =	vst v63  }
0xd2: {  	_ = 	snop  }
0xd3: {  	[spmem:s4] =	stream.indirect.scatter.add.f32 [tilespmem:s19], [sflag:$0x8], $0x10, s2, s7, $0xb8;
	[tilespmem:$0x1D010] =	vst v63  }
0xd4: {  	_ =	swait.ge [sflag:s16], $0x1F40  }
0xd5: {  	[sflag:s16] =	ssyncset.done $0x0  }
0xd6: {  	s26 =	simm.s32 $0xCB80;
	[sflag:s16] =	ssyncadd.s32 $0xFFFFE0C0  }
0xd7: {  	[tilespmem:s10], [sflag:$0x3] =	stream.indirect.gather [hbm4b:s1+s7], $0x40, s26, s7, $0xb8;
	[tilespmem:$0x1D010] =	vst v63  }
0xd8: {  	_ =	swait.ge [sflag:s16], $0x7D0  }
0xd9: {  	[sflag:s16] =	ssyncset.done $0x0  }
0xda: {  	[sflag:s16] =	ssyncadd.s32 $0xFFFFF830  }
0xdb: {  	_ =	swait.ge [sflag:s22], $0x1F40  }
0xdc: {  	[sflag:s22] =	ssyncset.done $0x0  }
0xdd: {  	s28 =	simm.s32 $0xF180;
	[sflag:s22] =	ssyncadd.s32 $0xFFFFE0C0  }
0xde: {  	[spmem:s3] =	stream.indirect.scatter.add.f32 [tilespmem:s11], [sflag:$0x9], $0x40, s28, s7, $0xb8;
	[tilespmem:$0x1D010] =	vst v63  }
0xdf: {  	_ = 	snop  }
0xe0: {  	[spmem:s4] =	stream.indirect.scatter.add.f32 [tilespmem:s19], [sflag:$0x9], $0x10, s28, s7, $0xb8;
	[tilespmem:$0x1D010] =	vst v63  }
0xe1: {  	_ =	swait.ge [sflag:s23], $0x1F40  }
0xe2: {  	[sflag:s23] =	ssyncset.done $0x0  }
0xe3: {  	s2 =	simm.s32 $0xCC00;
	[sflag:s23] =	ssyncadd.s32 $0xFFFFE0C0  }
0xe4: {  	[tilespmem:s11], [sflag:$0x4] =	stream.indirect.gather [hbm4b:s1+s7], $0x40, s2, s7, $0xb8;
	[tilespmem:$0x1D010] =	vst v63  }
0xe5: {  	_ =	swait.ge [sflag:s23], $0x7D0  }
0xe6: {  	[sflag:s23] =	ssyncset.done $0x0  }
0xe7: {  	[sflag:s23] =	ssyncadd.s32 $0xFFFFF830  }
0xe8: {  	_ =	swait.ge [sflag:s24], $0x1F40  }
0xe9: {  	[sflag:s24] =	ssyncset.done $0x0  }
0xea: {  	s26 =	simm.s32 $0xF200;
	[sflag:s24] =	ssyncadd.s32 $0xFFFFE0C0  }
0xeb: {  	[spmem:s3] =	stream.indirect.scatter.add.f32 [tilespmem:s12], [sflag:$0xA], $0x40, s26, s7, $0xb8;
	[tilespmem:$0x1D010] =	vst v63  }
0xec: {  	_ = 	snop  }
0xed: {  	[spmem:s4] =	stream.indirect.scatter.add.f32 [tilespmem:s19], [sflag:$0xA], $0x10, s26, s7, $0xb8;
	[tilespmem:$0x1D010] =	vst v63  }
0xee: {  	_ =	swait.ge [sflag:s25], $0x1F40  }
0xef: {  	[sflag:s25] =	ssyncset.done $0x0  }
0xf0: {  	s28 =	simm.s32 $0xCC80;
	[sflag:s25] =	ssyncadd.s32 $0xFFFFE0C0  }
0xf1: {  	[tilespmem:s12], [sflag:$0x5] =	stream.indirect.gather [hbm4b:s1+s7], $0x40, s28, s7, $0xb8;
	[tilespmem:$0x1D010] =	vst v63  }
0xf2: {  	_ =	swait.ge [sflag:s25], $0x7D0  }
0xf3: {  	s2 =	simm.s32 $0xA00;
	[sflag:s25] =	ssyncset.done $0x0  }
.LBB2_6:
0xf4: {  	p0 =	sne.s32 s2, $0x8C00  }
0xf5: {  	[sflag:s25] =	ssyncadd.s32 $0xFFFFF830;
	s0 =	smov.u32 s2;
	s2 =	sadd.s32 $0xA00, s2  }
0xf6: {  	_ =	swait.ge [sflag:s18], $0x1F40  }
0xf7: {  	s0 =	sshra.s32 s0, $0x2;
	[sflag:s18] =	ssyncset.done $0x0  }
0xf8: {  	s26 =	sadd.s32 $0xF000, s0;
	[sflag:s18] =	ssyncadd.s32 $0xFFFFE0C0  }
0xf9: {  	[spmem:s3] =	stream.indirect.scatter.add.f32 [tilespmem:s8], [sflag:$0x6], $0x40, s26, s7, $0xb8;
	[tilespmem:$0x1D010] =	vst v63  }
0xfa: {  	_ = 	snop  }
0xfb: {  	[spmem:s4] =	stream.indirect.scatter.add.f32 [tilespmem:s19], [sflag:$0x6], $0x10, s26, s7, $0xb8;
	[tilespmem:$0x1D010] =	vst v63  }
0xfc: {  	_ =	swait.ge [sflag:s17], $0x1F40  }
0xfd: {  	[sflag:s17] =	ssyncset.done $0x0  }
0xfe: {  	s26 =	sadd.s32 $0xCA80, s0;
	[sflag:s17] =	ssyncadd.s32 $0xFFFFE0C0  }
0xff: {  	[tilespmem:s8], [sflag:$0x1] =	stream.indirect.gather [hbm4b:s1+s7], $0x40, s26, s7, $0xb8;
	[tilespmem:$0x1D010] =	vst v63  }
0x100: {  	_ =	swait.ge [sflag:s17], $0x7D0  }
0x101: {  	[sflag:s17] =	ssyncset.done $0x0  }
0x102: {  	[sflag:s17] =	ssyncadd.s32 $0xFFFFF830  }
0x103: {  	_ =	swait.ge [sflag:s20], $0x1F40  }
0x104: {  	[sflag:s20] =	ssyncset.done $0x0  }
0x105: {  	s26 =	sadd.s32 $0xF080, s0;
	[sflag:s20] =	ssyncadd.s32 $0xFFFFE0C0  }
0x106: {  	[spmem:s3] =	stream.indirect.scatter.add.f32 [tilespmem:s9], [sflag:$0x7], $0x40, s26, s7, $0xb8;
	[tilespmem:$0x1D010] =	vst v63  }
0x107: {  	_ = 	snop  }
0x108: {  	[spmem:s4] =	stream.indirect.scatter.add.f32 [tilespmem:s19], [sflag:$0x7], $0x10, s26, s7, $0xb8;
	[tilespmem:$0x1D010] =	vst v63  }
0x109: {  	_ =	swait.ge [sflag:s15], $0x1F40  }
0x10a: {  	[sflag:s15] =	ssyncset.done $0x0  }
0x10b: {  	s26 =	sadd.s32 $0xCB00, s0;
	[sflag:s15] =	ssyncadd.s32 $0xFFFFE0C0  }
0x10c: {  	[tilespmem:s9], [sflag:$0x2] =	stream.indirect.gather [hbm4b:s1+s7], $0x40, s26, s7, $0xb8;
	[tilespmem:$0x1D010] =	vst v63  }
0x10d: {  	_ =	swait.ge [sflag:s15], $0x7D0  }
0x10e: {  	[sflag:s15] =	ssyncset.done $0x0  }
0x10f: {  	[sflag:s15] =	ssyncadd.s32 $0xFFFFF830  }
0x110: {  	_ =	swait.ge [sflag:s21], $0x1F40  }
0x111: {  	[sflag:s21] =	ssyncset.done $0x0  }
0x112: {  	s26 =	sadd.s32 $0xF100, s0;
	[sflag:s21] =	ssyncadd.s32 $0xFFFFE0C0  }
0x113: {  	[spmem:s3] =	stream.indirect.scatter.add.f32 [tilespmem:s10], [sflag:$0x8], $0x40, s26, s7, $0xb8;
	[tilespmem:$0x1D010] =	vst v63  }
0x114: {  	_ = 	snop  }
0x115: {  	[spmem:s4] =	stream.indirect.scatter.add.f32 [tilespmem:s19], [sflag:$0x8], $0x10, s26, s7, $0xb8;
	[tilespmem:$0x1D010] =	vst v63  }
0x116: {  	_ =	swait.ge [sflag:s16], $0x1F40  }
0x117: {  	[sflag:s16] =	ssyncset.done $0x0  }
0x118: {  	s26 =	sadd.s32 $0xCB80, s0;
	[sflag:s16] =	ssyncadd.s32 $0xFFFFE0C0  }
0x119: {  	[tilespmem:s10], [sflag:$0x3] =	stream.indirect.gather [hbm4b:s1+s7], $0x40, s26, s7, $0xb8;
	[tilespmem:$0x1D010] =	vst v63  }
0x11a: {  	_ =	swait.ge [sflag:s16], $0x7D0  }
0x11b: {  	[sflag:s16] =	ssyncset.done $0x0  }
0x11c: {  	[sflag:s16] =	ssyncadd.s32 $0xFFFFF830  }
0x11d: {  	_ =	swait.ge [sflag:s22], $0x1F40  }
0x11e: {  	[sflag:s22] =	ssyncset.done $0x0  }
0x11f: {  	s26 =	sadd.s32 $0xF180, s0;
	[sflag:s22] =	ssyncadd.s32 $0xFFFFE0C0  }
0x120: {  	[spmem:s3] =	stream.indirect.scatter.add.f32 [tilespmem:s11], [sflag:$0x9], $0x40, s26, s7, $0xb8;
	[tilespmem:$0x1D010] =	vst v63  }
0x121: {  	_ = 	snop  }
0x122: {  	[spmem:s4] =	stream.indirect.scatter.add.f32 [tilespmem:s19], [sflag:$0x9], $0x10, s26, s7, $0xb8;
	[tilespmem:$0x1D010] =	vst v63  }
0x123: {  	_ =	swait.ge [sflag:s23], $0x1F40  }
0x124: {  	[sflag:s23] =	ssyncset.done $0x0  }
0x125: {  	s26 =	sadd.s32 $0xCC00, s0;
	[sflag:s23] =	ssyncadd.s32 $0xFFFFE0C0  }
0x126: {  	[tilespmem:s11], [sflag:$0x4] =	stream.indirect.gather [hbm4b:s1+s7], $0x40, s26, s7, $0xb8;
	[tilespmem:$0x1D010] =	vst v63  }
0x127: {  	_ =	swait.ge [sflag:s23], $0x7D0  }
0x128: {  	[sflag:s23] =	ssyncset.done $0x0  }
0x129: {  	[sflag:s23] =	ssyncadd.s32 $0xFFFFF830  }
0x12a: {  	_ =	swait.ge [sflag:s24], $0x1F40  }
0x12b: {  	[sflag:s24] =	ssyncset.done $0x0  }
0x12c: {  	s26 =	sadd.s32 $0xF200, s0;
	[sflag:s24] =	ssyncadd.s32 $0xFFFFE0C0  }
0x12d: {  	[spmem:s3] =	stream.indirect.scatter.add.f32 [tilespmem:s12], [sflag:$0xA], $0x40, s26, s7, $0xb8;
	[tilespmem:$0x1D010] =	vst v63  }
0x12e: {  	_ = 	snop  }
0x12f: {  	[spmem:s4] =	stream.indirect.scatter.add.f32 [tilespmem:s19], [sflag:$0xA], $0x10, s26, s7, $0xb8;
	[tilespmem:$0x1D010] =	vst v63  }
0x130: {  	_ =	swait.ge [sflag:s25], $0x1F40  }
.Ltmp2:
0x131: {  	[sflag:s25] =	ssyncset.done $0x0;
	(pc) =	sbr.rel @p0 .LBB2_6-.Ltmp2, $4  }
0x132: {  	s0 =	sadd.s32 $0xCC80, s0;
	[sflag:s25] =	ssyncadd.s32 $0xFFFFE0C0  }
0x133: {  	[tilespmem:s12], [sflag:$0x5] =	stream.indirect.gather [hbm4b:s1+s7], $0x40, s0, s7, $0xb8;
	[tilespmem:$0x1D010] =	vst v63  }
0x134: {  	_ =	swait.ge [sflag:s25], $0x7D0  }
0x135: {  	[sflag:s25] =	ssyncset.done $0x0  }
0x136: {  	[sflag:s25] =	ssyncadd.s32 $0xFFFFF830  }
0x137: {  	_ =	swait.ge [sflag:s18], $0x1F40  }
0x138: {  	[sflag:s18] =	ssyncset.done $0x0  }
0x139: {  	s0 =	simm.s32 $0x11580;
	[sflag:s18] =	ssyncadd.s32 $0xFFFFE0C0  }
0x13a: {  	[spmem:s3] =	stream.indirect.scatter.add.f32 [tilespmem:s8], [sflag:$0x6], $0x40, s0, s7, $0xb8;
	[tilespmem:$0x1D010] =	vst v63  }
0x13b: {  	_ = 	snop  }
0x13c: {  	[spmem:s4] =	stream.indirect.scatter.add.f32 [tilespmem:s19], [sflag:$0x6], $0x10, s0, s7, $0xb8;
	[tilespmem:$0x1D010] =	vst v63  }
0x13d: {  	_ =	swait.ge [sflag:s17], $0x1F40  }
0x13e: {  	[sflag:s17] =	ssyncset.done $0x0  }
0x13f: {  	[sflag:s17] =	ssyncadd.s32 $0xFFFFE0C0  }
0x140: {  	_ =	swait.ge [sflag:s17], $0x7D0  }
0x141: {  	[sflag:s17] =	ssyncset.done $0x0  }
0x142: {  	[sflag:s17] =	ssyncadd.s32 $0xFFFFF830  }
0x143: {  	_ =	swait.ge [sflag:s20], $0x1F40  }
0x144: {  	[sflag:s20] =	ssyncset.done $0x0  }
0x145: {  	s2 =	simm.s32 $0x11600;
	[sflag:s20] =	ssyncadd.s32 $0xFFFFE0C0  }
0x146: {  	[spmem:s3] =	stream.indirect.scatter.add.f32 [tilespmem:s9], [sflag:$0x7], $0x40, s2, s7, $0xb8;
	[tilespmem:$0x1D010] =	vst v63  }
0x147: {  	_ = 	snop  }
0x148: {  	[spmem:s4] =	stream.indirect.scatter.add.f32 [tilespmem:s19], [sflag:$0x7], $0x10, s2, s7, $0xb8;
	[tilespmem:$0x1D010] =	vst v63  }
0x149: {  	_ =	swait.ge [sflag:s15], $0x1F40  }
0x14a: {  	[sflag:s15] =	ssyncset.done $0x0  }
0x14b: {  	[sflag:s15] =	ssyncadd.s32 $0xFFFFE0C0  }
0x14c: {  	_ =	swait.ge [sflag:s15], $0x7D0  }
0x14d: {  	[sflag:s15] =	ssyncset.done $0x0  }
0x14e: {  	[sflag:s15] =	ssyncadd.s32 $0xFFFFF830  }
0x14f: {  	_ =	swait.ge [sflag:s21], $0x1F40  }
0x150: {  	[sflag:s21] =	ssyncset.done $0x0  }
0x151: {  	[sflag:s21] =	ssyncadd.s32 $0xFFFFE0C0  }
0x152: {  	[spmem:s3] =	stream.indirect.scatter.add.f32 [tilespmem:s10], [sflag:$0x8], $0x40, s29, s7, $0xb8;
	[tilespmem:$0x1D010] =	vst v63  }
0x153: {  	_ = 	snop  }
0x154: {  	[spmem:s4] =	stream.indirect.scatter.add.f32 [tilespmem:s19], [sflag:$0x8], $0x10, s29, s7, $0xb8;
	[tilespmem:$0x1D010] =	vst v63  }
0x155: {  	_ =	swait.ge [sflag:s16], $0x1F40  }
0x156: {  	[sflag:s16] =	ssyncset.done $0x0  }
0x157: {  	[sflag:s16] =	ssyncadd.s32 $0xFFFFE0C0  }
0x158: {  	_ =	swait.ge [sflag:s16], $0x7D0  }
0x159: {  	[sflag:s16] =	ssyncset.done $0x0  }
0x15a: {  	[sflag:s16] =	ssyncadd.s32 $0xFFFFF830  }
0x15b: {  	_ =	swait.ge [sflag:s22], $0x1F40  }
0x15c: {  	[sflag:s22] =	ssyncset.done $0x0  }
0x15d: {  	[sflag:s22] =	ssyncadd.s32 $0xFFFFE0C0  }
0x15e: {  	[spmem:s3] =	stream.indirect.scatter.add.f32 [tilespmem:s11], [sflag:$0x9], $0x40, s5, s7, $0xb8;
	[tilespmem:$0x1D010] =	vst v63  }
0x15f: {  	_ = 	snop  }
0x160: {  	[spmem:s4] =	stream.indirect.scatter.add.f32 [tilespmem:s19], [sflag:$0x9], $0x10, s5, s7, $0xb8;
	[tilespmem:$0x1D010] =	vst v63  }
0x161: {  	_ =	swait.ge [sflag:s23], $0x1F40  }
0x162: {  	[sflag:s23] =	ssyncset.done $0x0  }
0x163: {  	[sflag:s23] =	ssyncadd.s32 $0xFFFFE0C0  }
0x164: {  	_ =	swait.ge [sflag:s23], $0x7D0  }
0x165: {  	[sflag:s23] =	ssyncset.done $0x0  }
0x166: {  	[sflag:s23] =	ssyncadd.s32 $0xFFFFF830  }
0x167: {  	_ =	swait.ge [sflag:s24], $0x1F40  }
0x168: {  	[sflag:s24] =	ssyncset.done $0x0  }
0x169: {  	[sflag:s24] =	ssyncadd.s32 $0xFFFFE0C0  }
0x16a: {  	[spmem:s3] =	stream.indirect.scatter.add.f32 [tilespmem:s12], [sflag:$0xA], $0x40, s30, s7, $0xb8;
	[tilespmem:$0x1D010] =	vst v63  }
0x16b: {  	_ = 	snop  }
0x16c: {  	[spmem:s4] =	stream.indirect.scatter.add.f32 [tilespmem:s19], [sflag:$0xA], $0x10, s30, s7, $0xb8;
	[tilespmem:$0x1D010] =	vst v63  }
0x16d: {  	_ =	swait.ge [sflag:s25], $0x1F40  }
0x16e: {  	[sflag:s25] =	ssyncset.done $0x0  }
0x16f: {  	[sflag:s25] =	ssyncadd.s32 $0xFFFFE0C0  }
0x170: {  	_ =	swait.ge [sflag:s25], $0x7D0  }
0x171: {  	[sflag:s25] =	ssyncset.done $0x0  }
0x172: {  	[sflag:s25] =	ssyncadd.s32 $0xFFFFF830  }
0x173: {  	s26 =	stileid.u32;
	[bflag:$0x0] =	sbarrier.arrive $0xFFFF  }
0x174: {  	s0 =	sshll.u32 s26, $0x6;
	s26 =	rddreg [dreg:$0x7]  }
0x175: {  	s2 =	sor.u32 $0x1C06, s0;
	s28 =	rddreg [dreg:$0x1e]  }
0x176: {  	[hbm:s26], [sflag:s2] =	dma.local [spmem:s28], $0x1400  }
0x177: {  	s2 =	rddreg [dreg:$0x8]  }
0x178: {  	s0 =	sor.u32 $0x1C0B, s0;
	s26 =	rddreg [dreg:$0x1f]  }
0x179: {  	[hbm:s2], [sflag:s0] =	dma.local [spmem:s26], $0x500  }
0x17a: {  	_ =	swait.ge [sflag:s6], $0x500  }
0x17b: {  	[sflag:s6] =	ssyncset.done $0x0  }
0x17c: {  	[sflag:s6] =	ssyncadd.s32 $0xFFFFFB00  }
0x17d: {  	_ =	swait.ge [sflag:s17], $0x1400  }
0x17e: {  	s31 =	sadd.s32 $0x1, s31;
	s28 =	rddreg [dreg:$0x9]  }
0x17f: {  	p0 =	sne.s32 s31, s28  }
.Ltmp3:
0x180: {  	_ = 	snop;
	(pc) =	sbr.rel @p0 .LBB2_1-.Ltmp3, $3  }
0x181: {  	_ =	sdelay $0x1  }
0x182: {  	[sflag:s17] =	ssyncset.done $0x0  }
0x183: {  	[sflag:s17] =	ssyncadd.s32 $0xFFFFEC00  }
0x184: {  	_ =	sfence.sel $0x180000  }
0x185: {  	[bflag:$0x0] =	sbarrier.arrive $0xFFFF  }
0x186: {  	_ =	strace $0x90000047  }
0x187: {  	s0 =	stileid.u32;
	[bflag:$0x2] =	sbarrier.arrive $0xFFFF  }
0x188: {  	p0 =	sne.s32 s0, $0x0;
	s0 =	rddreg [dreg:$0x4]  }
0x189: {  	s0 =	sadd.s32 @!p0 $0x100000, s0  }
0x18a: {  	[sflag:s0] =	ssyncadd.tile.s32 @!p0 $0x1;
	_ =	shalt  }
.Lfunc_end2:
_tile_overlayer_lowered:
.L_overlay_start_2:
0x18b: {  	(tag) =	ssettag $0x2  }
0x18c: {  	s0 =	rddreg [dreg:$0x0];
	s2 =	stileid.u32  }
0x18d: {  	s1 =	rddreg [dreg:$0x1];
	p0 =	sne.s32 s2, $0x0  }
0x18e: {  	s3 =	rddreg [dreg:$0x2];
	[bflag:$0x3] =	sbarrier.arrive $0xFFFF;
	s2 =	simm.s32 @!p0 $0x1C0B  }
0x18f: {  	[timem:s3], [sflag:s2] =	dma.local @!p0 [hbm:s0], s1  }
0x190: {  	s0 =	simm.s32 @!p0 $0xB  }
0x191: {  	_ =	swait.ge @!p0 [sflag:s0], s1  }
0x192: {  	s1 =	ssub.s32 @!p0 $0x0, s1;
	[sflag:s0] =	ssyncset.done @!p0 $0x0  }
0x193: {  	[sflag:s0] =	ssyncadd.s32 @!p0 s1  }
0x194: {  	[bflag:$0x3] =	sbarrier.arrive $0xFFFF  }
0x195: {  	_ =	shalt  }

</sc_bundles>
